<compile_context>
chip_gen: v7x
topology: tpu7x:2x2x1
jax: 0.10.2.dev20260603
libtpu: 0.0.44.dev20260713+nightly
codegen_flags: <defaults>
</compile_context>

<pallas_src>
import functools

import jax
import jax.numpy as jnp
from jax import lax
from jax.experimental import pallas as pl
from jax.experimental.pallas import tpu as pltpu
from jax.experimental.pallas import tpu_sc as plsc

N = 10000
F = 128
H = 128
E = 320000

NC = 2
NS = 16
NW = NC * NS
LANES = 16

E_PER_W = E // NW
C = 80
ITERS = E_PER_W // C
NBUF = 3
WAVE = 20

ROWS_PER_TILE = 624
TAIL_ROWS = N - NS * ROWS_PER_TILE
TAIL_R0 = NS * ROWS_PER_TILE

_MESH = plsc.VectorSubcoreMesh(core_axis_name="c", subcore_axis_name="s",
                               num_cores=NC, num_subcores=NS)

_SC_PARAMS = pltpu.CompilerParams(use_tc_tiling_on_sc=False)


def _wid(cid, sid):
    return sid * NC + cid


DEG_C = 125
DEG_ITERS = E_PER_W // DEG_C
DEG_WAVES = DEG_ITERS // WAVE


@functools.partial(
    pl.kernel,
    out_type=jax.ShapeDtypeStruct((NC, N), jnp.float32),
    mesh=_MESH,
    compiler_params=_SC_PARAMS,
    scratch_types=[
        pltpu.VMEM((DEG_ITERS, DEG_C), jnp.int32),
        pltpu.VMEM((128,), jnp.float32),
        pltpu.VMEM_SHARED((N,), jnp.float32),
        pltpu.SemaphoreType.DMA,
    ],
)
def _deg_kernel(dstd_hbm, zeros_n_hbm, out_hbm, idx_v, ones_v, deg_sh, sem):
    cid = lax.axis_index("c")
    sid = lax.axis_index("s")
    wid = _wid(cid, sid)

    @pl.when(sid == 0)
    def _():
        pltpu.sync_copy(zeros_n_hbm, deg_sh)

    for k in range(128 // LANES):
        ones_v[pl.ds(k * LANES, LANES)] = jnp.ones((LANES,), jnp.float32)
    pltpu.sync_copy(dstd_hbm.at[wid], idx_v)
    plsc.subcore_barrier()

    ones_c = ones_v.at[pl.ds(0, DEG_C)]

    def wave_body(w, carry):
        for k in range(WAVE):
            j = w * WAVE + k
            pltpu.async_copy(ones_c, deg_sh.at[idx_v.at[j]], sem, add=True)
        for k in range(WAVE):
            pltpu.make_async_copy(
                ones_c, deg_sh.at[idx_v.at[w * WAVE + k]], sem).wait()
        return carry

    lax.fori_loop(0, DEG_WAVES, wave_body, 0)
    plsc.subcore_barrier()

    @pl.when(sid == 0)
    def _():
        pltpu.sync_copy(deg_sh, out_hbm.at[cid])


@functools.partial(
    pl.kernel,
    out_type=jax.ShapeDtypeStruct((NC, N, F), jnp.float32),
    mesh=_MESH,
    compiler_params=_SC_PARAMS,
    scratch_types=(
        [pltpu.VMEM((ITERS, C), jnp.int32),
         pltpu.VMEM((ITERS, C), jnp.int32),
         pltpu.VMEM_SHARED((N, F), jnp.float32)]
        + [pltpu.VMEM((C, F), jnp.float32) for _ in range(NBUF)]
        + [pltpu.SemaphoreType.DMA for _ in range(2 * NBUF)]
    ),
)
def _agg_rows_kernel(src3_hbm, dst3_hbm, u_hbm, zeros_nf_hbm, out_hbm,
                     src_v, dst_v, agg_sh, *bufs_and_sems):
    rows = bufs_and_sems[:NBUF]
    gsem = bufs_and_sems[NBUF:2 * NBUF]
    ssem = bufs_and_sems[2 * NBUF:]
    cid = lax.axis_index("c")
    sid = lax.axis_index("s")
    wid = _wid(cid, sid)

    r0 = pl.multiple_of(sid * ROWS_PER_TILE, 8)
    @pl.when(cid == 0)
    def _():
        pltpu.sync_copy(u_hbm.at[pl.ds(r0, ROWS_PER_TILE)],
                        agg_sh.at[pl.ds(r0, ROWS_PER_TILE)])

        @pl.when(sid == NS - 1)
        def _():
            pltpu.sync_copy(u_hbm.at[pl.ds(TAIL_R0, TAIL_ROWS)],
                            agg_sh.at[pl.ds(TAIL_R0, TAIL_ROWS)])

    @pl.when(cid == 1)
    def _():
        pltpu.sync_copy(zeros_nf_hbm.at[pl.ds(r0, ROWS_PER_TILE)],
                        agg_sh.at[pl.ds(r0, ROWS_PER_TILE)])

        @pl.when(sid == NS - 1)
        def _():
            pltpu.sync_copy(zeros_nf_hbm.at[pl.ds(TAIL_R0, TAIL_ROWS)],
                            agg_sh.at[pl.ds(TAIL_R0, TAIL_ROWS)])

    pltpu.sync_copy(src3_hbm.at[wid], src_v)
    for b in range(2):
        pltpu.async_copy(u_hbm.at[src_v.at[b]], rows[b], gsem[b])
    pltpu.sync_copy(dst3_hbm.at[wid], dst_v)
    plsc.subcore_barrier()

    def _step(j, b):
        bp = (b + 2) % NBUF
        pltpu.make_async_copy(u_hbm.at[src_v.at[j]], rows[b],
                              gsem[b]).wait()
        pltpu.async_copy(rows[b], agg_sh.at[dst_v.at[j]], ssem[b], add=True)

        @pl.when(j >= 1)
        def _():
            pltpu.make_async_copy(rows[bp], agg_sh.at[dst_v.at[j - 1]],
                                  ssem[bp]).wait()

        @pl.when(j + 2 < ITERS)
        def _():
            pltpu.async_copy(u_hbm.at[src_v.at[j + 2]], rows[bp], gsem[bp])

    def round_body(jj, carry):
        for b in range(NBUF):
            _step(jj * NBUF + b, b)
        return carry

    lax.fori_loop(0, ITERS // NBUF, round_body, 0)
    for t in range(ITERS % NBUF):
        j = (ITERS // NBUF) * NBUF + t
        _step(j, j % NBUF)
    pltpu.make_async_copy(rows[(ITERS - 1) % NBUF],
                          agg_sh.at[dst_v.at[ITERS - 1]],
                          ssem[(ITERS - 1) % NBUF]).wait()
    plsc.subcore_barrier()

    pltpu.sync_copy(agg_sh.at[pl.ds(r0, ROWS_PER_TILE)],
                    out_hbm.at[cid, pl.ds(r0, ROWS_PER_TILE)])

    @pl.when(sid == NS - 1)
    def _():
        pltpu.sync_copy(agg_sh.at[pl.ds(TAIL_R0, TAIL_ROWS)],
                        out_hbm.at[cid, pl.ds(TAIL_R0, TAIL_ROWS)])


@functools.partial(
    pl.kernel,
    out_type=jax.ShapeDtypeStruct((NC, N), jnp.float32),
    mesh=_MESH,
    compiler_params=_SC_PARAMS,
    scratch_types=[
        pltpu.VMEM((ITERS, C), jnp.int32),
        pltpu.VMEM((ITERS, C), jnp.int32),
        pltpu.VMEM((ITERS, C), jnp.float32),
        pltpu.VMEM_SHARED((N,), jnp.float32),
        pltpu.VMEM_SHARED((N,), jnp.float32),
        pltpu.SemaphoreType.DMA,
        pltpu.SemaphoreType.DMA,
    ],
)
def _agg_scalar_kernel(src3_hbm, dst3_hbm, uv_hbm, zeros_n_hbm, out_hbm,
                       src_v, dst_v, vals_v, uv_sh, acc_sh, gsem, ssem):
    cid = lax.axis_index("c")
    sid = lax.axis_index("s")
    wid = _wid(cid, sid)

    @pl.when(sid == 0)
    def _():
        pltpu.sync_copy(zeros_n_hbm, acc_sh)
        pltpu.sync_copy(uv_hbm, uv_sh)

    pltpu.sync_copy(src3_hbm.at[wid], src_v)
    pltpu.sync_copy(dst3_hbm.at[wid], dst_v)
    plsc.subcore_barrier()

    def gfire(j, carry):
        pltpu.async_copy(uv_sh.at[src_v.at[j]], vals_v.at[j], gsem)
        return carry

    def gdrain_sfire(j, carry):
        pltpu.make_async_copy(uv_sh.at[src_v.at[j]], vals_v.at[j],
                              gsem).wait()
        pltpu.async_copy(vals_v.at[j], acc_sh.at[dst_v.at[j]], ssem,
                         add=True)
        return carry

    def sdrain(j, carry):
        pltpu.make_async_copy(vals_v.at[j], acc_sh.at[dst_v.at[j]],
                              ssem).wait()
        return carry

    lax.fori_loop(0, ITERS, gfire, 0)
    lax.fori_loop(0, ITERS, gdrain_sfire, 0)
    lax.fori_loop(0, ITERS, sdrain, 0)
    plsc.subcore_barrier()

    @pl.when(sid == 0)
    def _():
        pltpu.sync_copy(acc_sh, out_hbm.at[cid])


B = 1000
NB = N // B


def _scale_body(d0_ref, d1_ref, x_ref, w1_ref, dinv_ref, u_ref):
    deg = d0_ref[0, 0, :] + d1_ref[0, 0, :] + 1.0
    dinv = lax.rsqrt(deg)
    dinv_ref[0, 0, :] = dinv
    xw = jnp.dot(x_ref[...], w1_ref[...], preferred_element_type=jnp.float32)
    u_ref[...] = xw * dinv[:, None]


def _scale_call(d0, d1, x, W1):
    sspec = pl.BlockSpec((1, 1, B), lambda i: (i, 0, 0))
    fspec = pl.BlockSpec((B, F), lambda i: (i, 0))
    return pl.pallas_call(
        _scale_body,
        grid=(NB,),
        in_specs=[sspec, sspec, fspec,
                  pl.BlockSpec((F, H), lambda i: (0, 0))],
        out_specs=[sspec, pl.BlockSpec((B, H), lambda i: (i, 0))],
        out_shape=[
            jax.ShapeDtypeStruct((NB, 1, B), jnp.float32),
            jax.ShapeDtypeStruct((N, H), jnp.float32),
        ],
    )(d0.reshape(NB, 1, B), d1.reshape(NB, 1, B), x, W1)


def _dense_body(a0_ref, a1_ref, dinv_ref, b1_ref, w2_ref, uv_ref):
    dinv = dinv_ref[0, 0, :]
    s = a0_ref[...].astype(jnp.float32) + a1_ref[...].astype(jnp.float32)
    h = jnp.maximum(s * dinv[:, None] + b1_ref[...], 0.0)
    v = jnp.dot(h, w2_ref[...], preferred_element_type=jnp.float32)
    uv_ref[0, 0, :] = dinv * v[:, 0]


def _dense_call(a0, a1, dinv3, b1, W2):
    sspec = pl.BlockSpec((1, 1, B), lambda i: (i, 0, 0))
    fspec = pl.BlockSpec((B, H), lambda i: (i, 0))
    return pl.pallas_call(
        _dense_body,
        grid=(NB,),
        in_specs=[
            fspec, fspec, sspec,
            pl.BlockSpec((1, H), lambda i: (0, 0)),
            pl.BlockSpec((H, 1), lambda i: (0, 0)),
        ],
        out_specs=sspec,
        out_shape=jax.ShapeDtypeStruct((NB, 1, B), jnp.float32),
    )(a0, a1, dinv3, b1.reshape(1, H), W2)


def _final_body(p0_ref, p1_ref, uv_ref, dinv_ref, b2_ref, out_ref):
    out_ref[...] = (dinv_ref[...] * (p0_ref[...] + p1_ref[...] + uv_ref[...])
                    + b2_ref[0, 0])


def _final_call(p0, p1, uv3, dinv3, b2):
    sspec = pl.BlockSpec((1, 1, B), lambda i: (i, 0, 0))
    return pl.pallas_call(
        _final_body,
        grid=(NB,),
        in_specs=[sspec, sspec, sspec, sspec,
                  pl.BlockSpec((1, 1), lambda i: (0, 0))],
        out_specs=sspec,
        out_shape=jax.ShapeDtypeStruct((NB, 1, B), jnp.float32),
    )(p0.reshape(NB, 1, B), p1.reshape(NB, 1, B), uv3, dinv3,
      b2.reshape(1, 1))


def kernel(x, edge_index, W1, b1, W2, b2):
    src = edge_index[0].astype(jnp.int32)
    dst = edge_index[1].astype(jnp.int32)
    src3 = src.reshape(NW, ITERS, C)
    dst3 = dst.reshape(NW, ITERS, C)
    dstd = dst.reshape(NW, DEG_ITERS, DEG_C)
    zeros_n = jnp.zeros((N,), jnp.float32)
    zeros_nf = jnp.zeros((N, F), jnp.float32)

    degp = _deg_kernel(dstd, zeros_n)
    dinv3, u = _scale_call(degp[0], degp[1], x, W1)

    aggp = _agg_rows_kernel(src3, dst3, u, zeros_nf)
    uv3 = _dense_call(aggp[0], aggp[1], dinv3, b1, W2)

    accp = _agg_scalar_kernel(src3, dst3, uv3.reshape(N), zeros_n)
    out3 = _final_call(accp[0], accp[1], uv3, dinv3, b2)
    return out3.reshape(N)

# --- scband reference (transcript-rebuilt; emitter-appended) ---
"""Pipeline reference for scband-gcn-1614907703639 (READ-ONLY COPY).

The authoritative reference and input builder live on the scoring server;
editing this copy changes nothing except your own understanding.
"""

import jax, jax.numpy as jnp
import numpy as np


def gcn_conv(x, edge_index, W, b):
    # Faithful PyG GCNConv: add self-loops, symmetric normalization D^-1/2 A_hat D^-1/2, then XW + b.
    N = x.shape[0]
    loop = jnp.arange(N, dtype=edge_index.dtype)
    src = jnp.concatenate([edge_index[0], loop])
    dst = jnp.concatenate([edge_index[1], loop])
    deg = jnp.zeros((N,), dtype=x.dtype).at[dst].add(1.0)
    dinv = jnp.where(deg > 0, jax.lax.rsqrt(jnp.maximum(deg, 1e-12)), 0.0)
    norm = dinv[src] * dinv[dst]
    xw = x @ W
    msg = jnp.take(xw, src, axis=0) * norm[:, None]
    out = jnp.zeros((N, W.shape[1]), dtype=x.dtype).at[dst].add(msg)
    return out + b


def setup_inputs(seed: int = 0) -> dict:
    key = jax.random.key(seed)
    k1, k2, k3, k4 = jax.random.split(key, 4)
    N, F, H, E = 10000, 128, 128, 320000
    x = jax.random.normal(k1, (N, F), dtype=jnp.float32)
    edge_index = jax.random.randint(k2, (2, E), 0, N)
    W1 = jax.random.normal(k3, (F, H), dtype=jnp.float32) * (1.0 / np.sqrt(F))
    b1 = jnp.zeros((H,), dtype=jnp.float32)
    W2 = jax.random.normal(k4, (H, 1), dtype=jnp.float32) * (1.0 / np.sqrt(H))
    b2 = jnp.zeros((1,), dtype=jnp.float32)
    return {"x": x, "edge_index": edge_index, "W1": W1, "b1": b1, "W2": W2, "b2": b2}


def reference(x, edge_index, W1, b1, W2, b2):
    h = gcn_conv(x, edge_index, W1, b1)
    h = jax.nn.relu(h)
    h = gcn_conv(h, edge_index, W2, b2)
    return h.mean(axis=1)

if __name__ == "__main__":
    import jax
    _d = setup_inputs()
    print(jax.jit(kernel)(*tuple(_d.values())))

</pallas_src>

<mosaic_0001>
#map = affine_map<(d0, d1) -> (0, 0, 0)>
#map1 = affine_map<(d0, d1) -> (0)>
#map2 = affine_map<(d0, d1) -> (0, 0)>
module attributes {stable_mosaic.version = 14 : i64} {
  func.func @_agg_scalar_kernel(%arg0: i32, %arg1: i32, %arg2: memref<32x125x80xi32, #tpu.memory_space<hbm>>, %arg3: memref<32x125x80xi32, #tpu.memory_space<hbm>>, %arg4: memref<10000xf32, #tpu.memory_space<hbm>>, %arg5: memref<10000xf32, #tpu.memory_space<hbm>>, %arg6: memref<2x10000xf32, #tpu.memory_space<hbm>>, %arg7: memref<125x80xi32, #tpu.memory_space<vmem>>, %arg8: memref<125x80xi32, #tpu.memory_space<vmem>>, %arg9: memref<125x80xf32, #tpu.memory_space<vmem>>, %arg10: memref<10000xf32, #tpu.memory_space<vmem_shared>>, %arg11: memref<10000xf32, #tpu.memory_space<vmem_shared>>, %arg12: memref<!tpu.dma_semaphore, #tpu.memory_space<semaphore_mem>>, %arg13: memref<!tpu.dma_semaphore, #tpu.memory_space<semaphore_mem>>) attributes {dimension_semantics = [#tpu.dimension_semantics<core_parallel>, #tpu.dimension_semantics<subcore_parallel>], iteration_bounds = array<i64: 2, 16>, scalar_prefetch = 0 : i64, scratch_operands = 7 : i64, tpu.core_type = #tpu.core_type<sc_vector_subcore>, window_params = [{transform_indices = #map}, {transform_indices = #map}, {transform_indices = #map1}, {transform_indices = #map1}, {transform_indices = #map2}]} {
    %mul3A = arith.constant 2 : i32
    %mul3A_0 = arith.muli %arg1, %mul3A : i32
    %add3A = arith.addi %mul3A_0, %arg0 : i32
    %eq3A = arith.constant 0 : i32
    %eq3A_1 = arith.cmpi eq, %arg1, %eq3A : i32
    %convert_element_type3A = arith.extui %eq3A_1 : i1 to i32
    %cond3A = arith.constant 0 : i32
    %cond3A_2 = arith.cmpi ne, %convert_element_type3A, %cond3A : i32
    scf.if %cond3A_2 {
      "tpu.region"() ({
        %run_scoped3A = tpu.sem_alloc : memref<!tpu.dma_semaphore, #tpu.memory_space<semaphore_mem>>
        tpu.enqueue_dma source(%arg5 : memref<10000xf32, #tpu.memory_space<hbm>>) target(%arg11 : memref<10000xf32, #tpu.memory_space<vmem_shared>>) target_semaphore(%run_scoped3A : memref<!tpu.dma_semaphore, #tpu.memory_space<semaphore_mem>>)
        tpu.wait_dma2 semaphore(%run_scoped3A : memref<!tpu.dma_semaphore, #tpu.memory_space<semaphore_mem>>) src(%arg5 : memref<10000xf32, #tpu.memory_space<hbm>>) dst(%arg11 : memref<10000xf32, #tpu.memory_space<vmem_shared>>)
        tpu.yield
      }) : () -> ()
      "tpu.region"() ({
        %run_scoped3A = tpu.sem_alloc : memref<!tpu.dma_semaphore, #tpu.memory_space<semaphore_mem>>
        tpu.enqueue_dma source(%arg4 : memref<10000xf32, #tpu.memory_space<hbm>>) target(%arg10 : memref<10000xf32, #tpu.memory_space<vmem_shared>>) target_semaphore(%run_scoped3A : memref<!tpu.dma_semaphore, #tpu.memory_space<semaphore_mem>>)
        tpu.wait_dma2 semaphore(%run_scoped3A : memref<!tpu.dma_semaphore, #tpu.memory_space<semaphore_mem>>) src(%arg4 : memref<10000xf32, #tpu.memory_space<hbm>>) dst(%arg10 : memref<10000xf32, #tpu.memory_space<vmem_shared>>)
        tpu.yield
      }) : () -> ()
    } else {
    }
    "tpu.region"() ({
      %run_scoped3A = tpu.sem_alloc : memref<!tpu.dma_semaphore, #tpu.memory_space<semaphore_mem>>
      %dma_start3A = arith.constant 0 : i32
      %dma_start3A_26 = arith.constant 0 : i32
      %dma_start3A_27 = tpu.memref_slice %arg2[%add3A, %dma_start3A, %dma_start3A_26] : memref<32x125x80xi32, #tpu.memory_space<hbm>> -> memref<1x125x80xi32, #tpu.memory_space<hbm>>
      %dma_start3A_28 = tpu.memref_squeeze %dma_start3A_27 : memref<1x125x80xi32, #tpu.memory_space<hbm>> -> memref<125x80xi32, #tpu.memory_space<hbm>>
      %dma_start3A_29 = arith.constant 0 : i32
      %dma_start3A_30 = arith.constant 0 : i32
      %dma_start3A_31 = tpu.memref_slice %arg2[%add3A, %dma_start3A_29, %dma_start3A_30] : memref<32x125x80xi32, #tpu.memory_space<hbm>> -> memref<1x125x80xi32, #tpu.memory_space<hbm>>
      %dma_start3A_32 = tpu.memref_squeeze %dma_start3A_31 : memref<1x125x80xi32, #tpu.memory_space<hbm>> -> memref<125x80xi32, #tpu.memory_space<hbm>>
      tpu.enqueue_dma source(%dma_start3A_32 : memref<125x80xi32, #tpu.memory_space<hbm>>) target(%arg7 : memref<125x80xi32, #tpu.memory_space<vmem>>) target_semaphore(%run_scoped3A : memref<!tpu.dma_semaphore, #tpu.memory_space<semaphore_mem>>)
      %dma_wait3A = arith.constant 0 : i32
      %dma_wait3A_33 = arith.constant 0 : i32
      %dma_wait3A_34 = tpu.memref_slice %arg2[%add3A, %dma_wait3A, %dma_wait3A_33] : memref<32x125x80xi32, #tpu.memory_space<hbm>> -> memref<1x125x80xi32, #tpu.memory_space<hbm>>
      %dma_wait3A_35 = tpu.memref_squeeze %dma_wait3A_34 : memref<1x125x80xi32, #tpu.memory_space<hbm>> -> memref<125x80xi32, #tpu.memory_space<hbm>>
      %dma_wait3A_36 = arith.constant 0 : i32
      %dma_wait3A_37 = arith.constant 0 : i32
      %dma_wait3A_38 = tpu.memref_slice %arg2[%add3A, %dma_wait3A_36, %dma_wait3A_37] : memref<32x125x80xi32, #tpu.memory_space<hbm>> -> memref<1x125x80xi32, #tpu.memory_space<hbm>>
      %dma_wait3A_39 = tpu.memref_squeeze %dma_wait3A_38 : memref<1x125x80xi32, #tpu.memory_space<hbm>> -> memref<125x80xi32, #tpu.memory_space<hbm>>
      tpu.wait_dma2 semaphore(%run_scoped3A : memref<!tpu.dma_semaphore, #tpu.memory_space<semaphore_mem>>) src(%dma_wait3A_39 : memref<125x80xi32, #tpu.memory_space<hbm>>) dst(%arg7 : memref<125x80xi32, #tpu.memory_space<vmem>>)
      tpu.yield
    }) : () -> ()
    "tpu.region"() ({
      %run_scoped3A = tpu.sem_alloc : memref<!tpu.dma_semaphore, #tpu.memory_space<semaphore_mem>>
      %dma_start3A = arith.constant 0 : i32
      %dma_start3A_26 = arith.constant 0 : i32
      %dma_start3A_27 = tpu.memref_slice %arg3[%add3A, %dma_start3A, %dma_start3A_26] : memref<32x125x80xi32, #tpu.memory_space<hbm>> -> memref<1x125x80xi32, #tpu.memory_space<hbm>>
      %dma_start3A_28 = tpu.memref_squeeze %dma_start3A_27 : memref<1x125x80xi32, #tpu.memory_space<hbm>> -> memref<125x80xi32, #tpu.memory_space<hbm>>
      %dma_start3A_29 = arith.constant 0 : i32
      %dma_start3A_30 = arith.constant 0 : i32
      %dma_start3A_31 = tpu.memref_slice %arg3[%add3A, %dma_start3A_29, %dma_start3A_30] : memref<32x125x80xi32, #tpu.memory_space<hbm>> -> memref<1x125x80xi32, #tpu.memory_space<hbm>>
      %dma_start3A_32 = tpu.memref_squeeze %dma_start3A_31 : memref<1x125x80xi32, #tpu.memory_space<hbm>> -> memref<125x80xi32, #tpu.memory_space<hbm>>
      tpu.enqueue_dma source(%dma_start3A_32 : memref<125x80xi32, #tpu.memory_space<hbm>>) target(%arg8 : memref<125x80xi32, #tpu.memory_space<vmem>>) target_semaphore(%run_scoped3A : memref<!tpu.dma_semaphore, #tpu.memory_space<semaphore_mem>>)
      %dma_wait3A = arith.constant 0 : i32
      %dma_wait3A_33 = arith.constant 0 : i32
      %dma_wait3A_34 = tpu.memref_slice %arg3[%add3A, %dma_wait3A, %dma_wait3A_33] : memref<32x125x80xi32, #tpu.memory_space<hbm>> -> memref<1x125x80xi32, #tpu.memory_space<hbm>>
      %dma_wait3A_35 = tpu.memref_squeeze %dma_wait3A_34 : memref<1x125x80xi32, #tpu.memory_space<hbm>> -> memref<125x80xi32, #tpu.memory_space<hbm>>
      %dma_wait3A_36 = arith.constant 0 : i32
      %dma_wait3A_37 = arith.constant 0 : i32
      %dma_wait3A_38 = tpu.memref_slice %arg3[%add3A, %dma_wait3A_36, %dma_wait3A_37] : memref<32x125x80xi32, #tpu.memory_space<hbm>> -> memref<1x125x80xi32, #tpu.memory_space<hbm>>
      %dma_wait3A_39 = tpu.memref_squeeze %dma_wait3A_38 : memref<1x125x80xi32, #tpu.memory_space<hbm>> -> memref<125x80xi32, #tpu.memory_space<hbm>>
      tpu.wait_dma2 semaphore(%run_scoped3A : memref<!tpu.dma_semaphore, #tpu.memory_space<semaphore_mem>>) src(%dma_wait3A_39 : memref<125x80xi32, #tpu.memory_space<hbm>>) dst(%arg8 : memref<125x80xi32, #tpu.memory_space<vmem>>)
      tpu.yield
    }) : () -> ()
    %barrier3A = arith.constant 0 : index
    tpu.barrier barrier_id(%barrier3A)
    %scan3A = arith.constant 0 : i32
    %scan3A_3 = arith.constant 0 : i32
    %scan3A_4 = arith.constant 125 : i32
    %scan3A_5 = arith.addi %scan3A_3, %scan3A_4 : i32
    %scan3A_6 = arith.constant 1 : i32
    scf.for %scan3A_26 = %scan3A_3 to %scan3A_5 step %scan3A_6  : i32 {
      %dma_start3A = arith.constant 0 : i32
      %dma_start3A_27 = tpu.memref_slice %arg9[%scan3A_26, %dma_start3A] : memref<125x80xf32, #tpu.memory_space<vmem>> -> memref<1x80xf32, #tpu.memory_space<vmem>>
      %dma_start3A_28 = tpu.memref_squeeze %dma_start3A_27 : memref<1x80xf32, #tpu.memory_space<vmem>> -> memref<80xf32, #tpu.memory_space<vmem>>
      %dma_start3A_29 = arith.constant 0 : i32
      %dma_start3A_30 = tpu.memref_slice %arg7[%scan3A_26, %dma_start3A_29] : memref<125x80xi32, #tpu.memory_space<vmem>> -> memref<1x80xi32, #tpu.memory_space<vmem>>
      %dma_start3A_31 = tpu.memref_squeeze %dma_start3A_30 : memref<1x80xi32, #tpu.memory_space<vmem>> -> memref<80xi32, #tpu.memory_space<vmem>>
      %dma_start3A_32 = arith.constant 0 : i32
      %dma_start3A_33 = tpu.memref_slice %arg10[%dma_start3A_32] : memref<10000xf32, #tpu.memory_space<vmem_shared>> -> memref<10000xf32, #tpu.memory_space<vmem_shared>>
      tpu.enqueue_indirect_dma source(%dma_start3A_33 : memref<10000xf32, #tpu.memory_space<vmem_shared>>) target(%dma_start3A_28 : memref<80xf32, #tpu.memory_space<vmem>>) offsets(%dma_start3A_31 : memref<80xi32, #tpu.memory_space<vmem>>) semaphore(%arg12 : memref<!tpu.dma_semaphore, #tpu.memory_space<semaphore_mem>>)
    }
    %scan3A_7 = arith.constant 125 : i32
    %scan3A_8 = arith.constant 0 : i32
    %scan3A_9 = arith.constant 0 : i32
    %scan3A_10 = arith.constant 125 : i32
    %scan3A_11 = arith.addi %scan3A_9, %scan3A_10 : i32
    %scan3A_12 = arith.constant 1 : i32
    scf.for %scan3A_26 = %scan3A_9 to %scan3A_11 step %scan3A_12  : i32 {
      %dma_wait3A = arith.constant 0 : i32
      %dma_wait3A_27 = tpu.memref_slice %arg9[%scan3A_26, %dma_wait3A] : memref<125x80xf32, #tpu.memory_space<vmem>> -> memref<1x80xf32, #tpu.memory_space<vmem>>
      %dma_wait3A_28 = tpu.memref_squeeze %dma_wait3A_27 : memref<1x80xf32, #tpu.memory_space<vmem>> -> memref<80xf32, #tpu.memory_space<vmem>>
      %dma_wait3A_29 = arith.constant 0 : i32
      %dma_wait3A_30 = tpu.memref_slice %arg7[%scan3A_26, %dma_wait3A_29] : memref<125x80xi32, #tpu.memory_space<vmem>> -> memref<1x80xi32, #tpu.memory_space<vmem>>
      %dma_wait3A_31 = tpu.memref_squeeze %dma_wait3A_30 : memref<1x80xi32, #tpu.memory_space<vmem>> -> memref<80xi32, #tpu.memory_space<vmem>>
      %dma_wait3A_32 = arith.constant 0 : i32
      %dma_wait3A_33 = tpu.memref_slice %arg10[%dma_wait3A_32] : memref<10000xf32, #tpu.memory_space<vmem_shared>> -> memref<10000xf32, #tpu.memory_space<vmem_shared>>
      tpu.wait_indirect_dma semaphore(%arg12 : memref<!tpu.dma_semaphore, #tpu.memory_space<semaphore_mem>>) src(%dma_wait3A_33 : memref<10000xf32, #tpu.memory_space<vmem_shared>>) dst(%dma_wait3A_28 : memref<80xf32, #tpu.memory_space<vmem>>)
      %dma_start3A = arith.constant 0 : i32
      %dma_start3A_34 = tpu.memref_slice %arg9[%scan3A_26, %dma_start3A] : memref<125x80xf32, #tpu.memory_space<vmem>> -> memref<1x80xf32, #tpu.memory_space<vmem>>
      %dma_start3A_35 = tpu.memref_squeeze %dma_start3A_34 : memref<1x80xf32, #tpu.memory_space<vmem>> -> memref<80xf32, #tpu.memory_space<vmem>>
      %dma_start3A_36 = arith.constant 0 : i32
      %dma_start3A_37 = tpu.memref_slice %arg8[%scan3A_26, %dma_start3A_36] : memref<125x80xi32, #tpu.memory_space<vmem>> -> memref<1x80xi32, #tpu.memory_space<vmem>>
      %dma_start3A_38 = tpu.memref_squeeze %dma_start3A_37 : memref<1x80xi32, #tpu.memory_space<vmem>> -> memref<80xi32, #tpu.memory_space<vmem>>
      %dma_start3A_39 = arith.constant 0 : i32
      %dma_start3A_40 = tpu.memref_slice %arg11[%dma_start3A_39] : memref<10000xf32, #tpu.memory_space<vmem_shared>> -> memref<10000xf32, #tpu.memory_space<vmem_shared>>
      tpu.enqueue_indirect_dma source(%dma_start3A_35 : memref<80xf32, #tpu.memory_space<vmem>>) target(%dma_start3A_40 : memref<10000xf32, #tpu.memory_space<vmem_shared>>) offsets(%dma_start3A_38 : memref<80xi32, #tpu.memory_space<vmem>>) semaphore(%arg13 : memref<!tpu.dma_semaphore, #tpu.memory_space<semaphore_mem>>) {add = true}
    }
    %scan3A_13 = arith.constant 125 : i32
    %scan3A_14 = arith.constant 0 : i32
    %scan3A_15 = arith.constant 0 : i32
    %scan3A_16 = arith.constant 125 : i32
    %scan3A_17 = arith.addi %scan3A_15, %scan3A_16 : i32
    %scan3A_18 = arith.constant 1 : i32
    scf.for %scan3A_26 = %scan3A_15 to %scan3A_17 step %scan3A_18  : i32 {
      %dma_wait3A = arith.constant 0 : i32
      %dma_wait3A_27 = tpu.memref_slice %arg9[%scan3A_26, %dma_wait3A] : memref<125x80xf32, #tpu.memory_space<vmem>> -> memref<1x80xf32, #tpu.memory_space<vmem>>
      %dma_wait3A_28 = tpu.memref_squeeze %dma_wait3A_27 : memref<1x80xf32, #tpu.memory_space<vmem>> -> memref<80xf32, #tpu.memory_space<vmem>>
      %dma_wait3A_29 = arith.constant 0 : i32
      %dma_wait3A_30 = tpu.memref_slice %arg8[%scan3A_26, %dma_wait3A_29] : memref<125x80xi32, #tpu.memory_space<vmem>> -> memref<1x80xi32, #tpu.memory_space<vmem>>
      %dma_wait3A_31 = tpu.memref_squeeze %dma_wait3A_30 : memref<1x80xi32, #tpu.memory_space<vmem>> -> memref<80xi32, #tpu.memory_space<vmem>>
      %dma_wait3A_32 = arith.constant 0 : i32
      %dma_wait3A_33 = tpu.memref_slice %arg11[%dma_wait3A_32] : memref<10000xf32, #tpu.memory_space<vmem_shared>> -> memref<10000xf32, #tpu.memory_space<vmem_shared>>
      tpu.wait_indirect_dma semaphore(%arg13 : memref<!tpu.dma_semaphore, #tpu.memory_space<semaphore_mem>>) src(%dma_wait3A_28 : memref<80xf32, #tpu.memory_space<vmem>>) dst(%dma_wait3A_33 : memref<10000xf32, #tpu.memory_space<vmem_shared>>)
    }
    %scan3A_19 = arith.constant 125 : i32
    %barrier3A_20 = arith.constant 0 : index
    tpu.barrier barrier_id(%barrier3A_20)
    %eq3A_21 = arith.constant 0 : i32
    %eq3A_22 = arith.cmpi eq, %arg1, %eq3A_21 : i32
    %convert_element_type3A_23 = arith.extui %eq3A_22 : i1 to i32
    %cond3A_24 = arith.constant 0 : i32
    %cond3A_25 = arith.cmpi ne, %convert_element_type3A_23, %cond3A_24 : i32
    scf.if %cond3A_25 {
      "tpu.region"() ({
        %run_scoped3A = tpu.sem_alloc : memref<!tpu.dma_semaphore, #tpu.memory_space<semaphore_mem>>
        %dma_start3A = arith.constant 0 : i32
        %dma_start3A_26 = tpu.memref_slice %arg6[%arg0, %dma_start3A] : memref<2x10000xf32, #tpu.memory_space<hbm>> -> memref<1x10000xf32, #tpu.memory_space<hbm>>
        %dma_start3A_27 = tpu.memref_squeeze %dma_start3A_26 : memref<1x10000xf32, #tpu.memory_space<hbm>> -> memref<10000xf32, #tpu.memory_space<hbm>>
        tpu.enqueue_dma source(%arg11 : memref<10000xf32, #tpu.memory_space<vmem_shared>>) target(%dma_start3A_27 : memref<10000xf32, #tpu.memory_space<hbm>>) target_semaphore(%run_scoped3A : memref<!tpu.dma_semaphore, #tpu.memory_space<semaphore_mem>>)
        %dma_wait3A = arith.constant 0 : i32
        %dma_wait3A_28 = tpu.memref_slice %arg6[%arg0, %dma_wait3A] : memref<2x10000xf32, #tpu.memory_space<hbm>> -> memref<1x10000xf32, #tpu.memory_space<hbm>>
        %dma_wait3A_29 = tpu.memref_squeeze %dma_wait3A_28 : memref<1x10000xf32, #tpu.memory_space<hbm>> -> memref<10000xf32, #tpu.memory_space<hbm>>
        tpu.wait_dma2 semaphore(%run_scoped3A : memref<!tpu.dma_semaphore, #tpu.memory_space<semaphore_mem>>) src(%arg11 : memref<10000xf32, #tpu.memory_space<vmem_shared>>) dst(%dma_wait3A_29 : memref<10000xf32, #tpu.memory_space<hbm>>)
        tpu.yield
      }) : () -> ()
    } else {
    }
    return
  }
}

#map = affine_map<(d0, d1) -> (0, 0, 0)>
#map1 = affine_map<(d0, d1) -> (0, 0)>
module attributes {stable_mosaic.version = 14 : i64} {
  func.func @_agg_rows_kernel(%arg0: i32, %arg1: i32, %arg2: memref<32x125x80xi32, #tpu.memory_space<hbm>>, %arg3: memref<32x125x80xi32, #tpu.memory_space<hbm>>, %arg4: memref<10000x128xf32, #tpu.memory_space<hbm>>, %arg5: memref<10000x128xf32, #tpu.memory_space<hbm>>, %arg6: memref<2x10000x128xf32, #tpu.memory_space<hbm>>, %arg7: memref<125x80xi32, #tpu.memory_space<vmem>>, %arg8: memref<125x80xi32, #tpu.memory_space<vmem>>, %arg9: memref<10000x128xf32, #tpu.memory_space<vmem_shared>>, %arg10: memref<80x128xf32, #tpu.memory_space<vmem>>, %arg11: memref<80x128xf32, #tpu.memory_space<vmem>>, %arg12: memref<80x128xf32, #tpu.memory_space<vmem>>, %arg13: memref<!tpu.dma_semaphore, #tpu.memory_space<semaphore_mem>>, %arg14: memref<!tpu.dma_semaphore, #tpu.memory_space<semaphore_mem>>, %arg15: memref<!tpu.dma_semaphore, #tpu.memory_space<semaphore_mem>>, %arg16: memref<!tpu.dma_semaphore, #tpu.memory_space<semaphore_mem>>, %arg17: memref<!tpu.dma_semaphore, #tpu.memory_space<semaphore_mem>>, %arg18: memref<!tpu.dma_semaphore, #tpu.memory_space<semaphore_mem>>) attributes {dimension_semantics = [#tpu.dimension_semantics<core_parallel>, #tpu.dimension_semantics<subcore_parallel>], iteration_bounds = array<i64: 2, 16>, scalar_prefetch = 0 : i64, scratch_operands = 12 : i64, tpu.core_type = #tpu.core_type<sc_vector_subcore>, window_params = [{transform_indices = #map}, {transform_indices = #map}, {transform_indices = #map1}, {transform_indices = #map1}, {transform_indices = #map}]} {
    %mul3A = arith.constant 2 : i32
    %mul3A_0 = arith.muli %arg1, %mul3A : i32
    %add3A = arith.addi %mul3A_0, %arg0 : i32
    %mul3A_1 = arith.constant 624 : i32
    %mul3A_2 = arith.muli %arg1, %mul3A_1 : i32
    %multiple_of3A = tpu.assume_multiple %mul3A_2, 8 : i32
    %eq3A = arith.constant 0 : i32
    %eq3A_3 = arith.cmpi eq, %arg0, %eq3A : i32
    %convert_element_type3A = arith.extui %eq3A_3 : i1 to i32
    %cond3A = arith.constant 0 : i32
    %cond3A_4 = arith.cmpi ne, %convert_element_type3A, %cond3A : i32
    scf.if %cond3A_4 {
      "tpu.region"() ({
        %run_scoped3A = tpu.sem_alloc : memref<!tpu.dma_semaphore, #tpu.memory_space<semaphore_mem>>
        %dma_start3A_87 = arith.constant 0 : i32
        %dma_start3A_88 = tpu.memref_slice %arg9[%multiple_of3A, %dma_start3A_87] : memref<10000x128xf32, #tpu.memory_space<vmem_shared>> -> memref<624x128xf32, #tpu.memory_space<vmem_shared>>
        %dma_start3A_89 = arith.constant 0 : i32
        %dma_start3A_90 = tpu.memref_slice %arg4[%multiple_of3A, %dma_start3A_89] : memref<10000x128xf32, #tpu.memory_space<hbm>> -> memref<624x128xf32, #tpu.memory_space<hbm>>
        tpu.enqueue_dma source(%dma_start3A_90 : memref<624x128xf32, #tpu.memory_space<hbm>>) target(%dma_start3A_88 : memref<624x128xf32, #tpu.memory_space<vmem_shared>>) target_semaphore(%run_scoped3A : memref<!tpu.dma_semaphore, #tpu.memory_space<semaphore_mem>>)
        %dma_wait3A_91 = arith.constant 0 : i32
        %dma_wait3A_92 = tpu.memref_slice %arg9[%multiple_of3A, %dma_wait3A_91] : memref<10000x128xf32, #tpu.memory_space<vmem_shared>> -> memref<624x128xf32, #tpu.memory_space<vmem_shared>>
        %dma_wait3A_93 = arith.constant 0 : i32
        %dma_wait3A_94 = tpu.memref_slice %arg4[%multiple_of3A, %dma_wait3A_93] : memref<10000x128xf32, #tpu.memory_space<hbm>> -> memref<624x128xf32, #tpu.memory_space<hbm>>
        tpu.wait_dma2 semaphore(%run_scoped3A : memref<!tpu.dma_semaphore, #tpu.memory_space<semaphore_mem>>) src(%dma_wait3A_94 : memref<624x128xf32, #tpu.memory_space<hbm>>) dst(%dma_wait3A_92 : memref<624x128xf32, #tpu.memory_space<vmem_shared>>)
        tpu.yield
      }) : () -> ()
      %eq3A_82 = arith.constant 15 : i32
      %eq3A_83 = arith.cmpi eq, %arg1, %eq3A_82 : i32
      %convert_element_type3A_84 = arith.extui %eq3A_83 : i1 to i32
      %cond3A_85 = arith.constant 0 : i32
      %cond3A_86 = arith.cmpi ne, %convert_element_type3A_84, %cond3A_85 : i32
      scf.if %cond3A_86 {
        "tpu.region"() ({
          %run_scoped3A = tpu.sem_alloc : memref<!tpu.dma_semaphore, #tpu.memory_space<semaphore_mem>>
          %dma_start3A_87 = arith.constant 9984 : i32
          %dma_start3A_88 = arith.constant 0 : i32
          %dma_start3A_89 = tpu.memref_slice %arg9[%dma_start3A_87, %dma_start3A_88] : memref<10000x128xf32, #tpu.memory_space<vmem_shared>> -> memref<16x128xf32, #tpu.memory_space<vmem_shared>>
          %dma_start3A_90 = arith.constant 9984 : i32
          %dma_start3A_91 = arith.constant 0 : i32
          %dma_start3A_92 = tpu.memref_slice %arg4[%dma_start3A_90, %dma_start3A_91] : memref<10000x128xf32, #tpu.memory_space<hbm>> -> memref<16x128xf32, #tpu.memory_space<hbm>>
          tpu.enqueue_dma source(%dma_start3A_92 : memref<16x128xf32, #tpu.memory_space<hbm>>) target(%dma_start3A_89 : memref<16x128xf32, #tpu.memory_space<vmem_shared>>) target_semaphore(%run_scoped3A : memref<!tpu.dma_semaphore, #tpu.memory_space<semaphore_mem>>)
          %dma_wait3A_93 = arith.constant 9984 : i32
          %dma_wait3A_94 = arith.constant 0 : i32
          %dma_wait3A_95 = tpu.memref_slice %arg9[%dma_wait3A_93, %dma_wait3A_94] : memref<10000x128xf32, #tpu.memory_space<vmem_shared>> -> memref<16x128xf32, #tpu.memory_space<vmem_shared>>
          %dma_wait3A_96 = arith.constant 9984 : i32
          %dma_wait3A_97 = arith.constant 0 : i32
          %dma_wait3A_98 = tpu.memref_slice %arg4[%dma_wait3A_96, %dma_wait3A_97] : memref<10000x128xf32, #tpu.memory_space<hbm>> -> memref<16x128xf32, #tpu.memory_space<hbm>>
          tpu.wait_dma2 semaphore(%run_scoped3A : memref<!tpu.dma_semaphore, #tpu.memory_space<semaphore_mem>>) src(%dma_wait3A_98 : memref<16x128xf32, #tpu.memory_space<hbm>>) dst(%dma_wait3A_95 : memref<16x128xf32, #tpu.memory_space<vmem_shared>>)
          tpu.yield
        }) : () -> ()
      } else {
      }
    } else {
    }
    %eq3A_5 = arith.constant 1 : i32
    %eq3A_6 = arith.cmpi eq, %arg0, %eq3A_5 : i32
    %convert_element_type3A_7 = arith.extui %eq3A_6 : i1 to i32
    %cond3A_8 = arith.constant 0 : i32
    %cond3A_9 = arith.cmpi ne, %convert_element_type3A_7, %cond3A_8 : i32
    scf.if %cond3A_9 {
      "tpu.region"() ({
        %run_scoped3A = tpu.sem_alloc : memref<!tpu.dma_semaphore, #tpu.memory_space<semaphore_mem>>
        %dma_start3A_87 = arith.constant 0 : i32
        %dma_start3A_88 = tpu.memref_slice %arg9[%multiple_of3A, %dma_start3A_87] : memref<10000x128xf32, #tpu.memory_space<vmem_shared>> -> memref<624x128xf32, #tpu.memory_space<vmem_shared>>
        %dma_start3A_89 = arith.constant 0 : i32
        %dma_start3A_90 = tpu.memref_slice %arg5[%multiple_of3A, %dma_start3A_89] : memref<10000x128xf32, #tpu.memory_space<hbm>> -> memref<624x128xf32, #tpu.memory_space<hbm>>
        tpu.enqueue_dma source(%dma_start3A_90 : memref<624x128xf32, #tpu.memory_space<hbm>>) target(%dma_start3A_88 : memref<624x128xf32, #tpu.memory_space<vmem_shared>>) target_semaphore(%run_scoped3A : memref<!tpu.dma_semaphore, #tpu.memory_space<semaphore_mem>>)
        %dma_wait3A_91 = arith.constant 0 : i32
        %dma_wait3A_92 = tpu.memref_slice %arg9[%multiple_of3A, %dma_wait3A_91] : memref<10000x128xf32, #tpu.memory_space<vmem_shared>> -> memref<624x128xf32, #tpu.memory_space<vmem_shared>>
        %dma_wait3A_93 = arith.constant 0 : i32
        %dma_wait3A_94 = tpu.memref_slice %arg5[%multiple_of3A, %dma_wait3A_93] : memref<10000x128xf32, #tpu.memory_space<hbm>> -> memref<624x128xf32, #tpu.memory_space<hbm>>
        tpu.wait_dma2 semaphore(%run_scoped3A : memref<!tpu.dma_semaphore, #tpu.memory_space<semaphore_mem>>) src(%dma_wait3A_94 : memref<624x128xf32, #tpu.memory_space<hbm>>) dst(%dma_wait3A_92 : memref<624x128xf32, #tpu.memory_space<vmem_shared>>)
        tpu.yield
      }) : () -> ()
      %eq3A_82 = arith.constant 15 : i32
      %eq3A_83 = arith.cmpi eq, %arg1, %eq3A_82 : i32
      %convert_element_type3A_84 = arith.extui %eq3A_83 : i1 to i32
      %cond3A_85 = arith.constant 0 : i32
      %cond3A_86 = arith.cmpi ne, %convert_element_type3A_84, %cond3A_85 : i32
      scf.if %cond3A_86 {
        "tpu.region"() ({
          %run_scoped3A = tpu.sem_alloc : memref<!tpu.dma_semaphore, #tpu.memory_space<semaphore_mem>>
          %dma_start3A_87 = arith.constant 9984 : i32
          %dma_start3A_88 = arith.constant 0 : i32
          %dma_start3A_89 = tpu.memref_slice %arg9[%dma_start3A_87, %dma_start3A_88] : memref<10000x128xf32, #tpu.memory_space<vmem_shared>> -> memref<16x128xf32, #tpu.memory_space<vmem_shared>>
          %dma_start3A_90 = arith.constant 9984 : i32
          %dma_start3A_91 = arith.constant 0 : i32
          %dma_start3A_92 = tpu.memref_slice %arg5[%dma_start3A_90, %dma_start3A_91] : memref<10000x128xf32, #tpu.memory_space<hbm>> -> memref<16x128xf32, #tpu.memory_space<hbm>>
          tpu.enqueue_dma source(%dma_start3A_92 : memref<16x128xf32, #tpu.memory_space<hbm>>) target(%dma_start3A_89 : memref<16x128xf32, #tpu.memory_space<vmem_shared>>) target_semaphore(%run_scoped3A : memref<!tpu.dma_semaphore, #tpu.memory_space<semaphore_mem>>)
          %dma_wait3A_93 = arith.constant 9984 : i32
          %dma_wait3A_94 = arith.constant 0 : i32
          %dma_wait3A_95 = tpu.memref_slice %arg9[%dma_wait3A_93, %dma_wait3A_94] : memref<10000x128xf32, #tpu.memory_space<vmem_shared>> -> memref<16x128xf32, #tpu.memory_space<vmem_shared>>
          %dma_wait3A_96 = arith.constant 9984 : i32
          %dma_wait3A_97 = arith.constant 0 : i32
          %dma_wait3A_98 = tpu.memref_slice %arg5[%dma_wait3A_96, %dma_wait3A_97] : memref<10000x128xf32, #tpu.memory_space<hbm>> -> memref<16x128xf32, #tpu.memory_space<hbm>>
          tpu.wait_dma2 semaphore(%run_scoped3A : memref<!tpu.dma_semaphore, #tpu.memory_space<semaphore_mem>>) src(%dma_wait3A_98 : memref<16x128xf32, #tpu.memory_space<hbm>>) dst(%dma_wait3A_95 : memref<16x128xf32, #tpu.memory_space<vmem_shared>>)
          tpu.yield
        }) : () -> ()
      } else {
      }
    } else {
    }
    "tpu.region"() ({
      %run_scoped3A = tpu.sem_alloc : memref<!tpu.dma_semaphore, #tpu.memory_space<semaphore_mem>>
      %dma_start3A_82 = arith.constant 0 : i32
      %dma_start3A_83 = arith.constant 0 : i32
      %dma_start3A_84 = tpu.memref_slice %arg2[%add3A, %dma_start3A_82, %dma_start3A_83] : memref<32x125x80xi32, #tpu.memory_space<hbm>> -> memref<1x125x80xi32, #tpu.memory_space<hbm>>
      %dma_start3A_85 = tpu.memref_squeeze %dma_start3A_84 : memref<1x125x80xi32, #tpu.memory_space<hbm>> -> memref<125x80xi32, #tpu.memory_space<hbm>>
      %dma_start3A_86 = arith.constant 0 : i32
      %dma_start3A_87 = arith.constant 0 : i32
      %dma_start3A_88 = tpu.memref_slice %arg2[%add3A, %dma_start3A_86, %dma_start3A_87] : memref<32x125x80xi32, #tpu.memory_space<hbm>> -> memref<1x125x80xi32, #tpu.memory_space<hbm>>
      %dma_start3A_89 = tpu.memref_squeeze %dma_start3A_88 : memref<1x125x80xi32, #tpu.memory_space<hbm>> -> memref<125x80xi32, #tpu.memory_space<hbm>>
      tpu.enqueue_dma source(%dma_start3A_89 : memref<125x80xi32, #tpu.memory_space<hbm>>) target(%arg7 : memref<125x80xi32, #tpu.memory_space<vmem>>) target_semaphore(%run_scoped3A : memref<!tpu.dma_semaphore, #tpu.memory_space<semaphore_mem>>)
      %dma_wait3A_90 = arith.constant 0 : i32
      %dma_wait3A_91 = arith.constant 0 : i32
      %dma_wait3A_92 = tpu.memref_slice %arg2[%add3A, %dma_wait3A_90, %dma_wait3A_91] : memref<32x125x80xi32, #tpu.memory_space<hbm>> -> memref<1x125x80xi32, #tpu.memory_space<hbm>>
      %dma_wait3A_93 = tpu.memref_squeeze %dma_wait3A_92 : memref<1x125x80xi32, #tpu.memory_space<hbm>> -> memref<125x80xi32, #tpu.memory_space<hbm>>
      %dma_wait3A_94 = arith.constant 0 : i32
      %dma_wait3A_95 = arith.constant 0 : i32
      %dma_wait3A_96 = tpu.memref_slice %arg2[%add3A, %dma_wait3A_94, %dma_wait3A_95] : memref<32x125x80xi32, #tpu.memory_space<hbm>> -> memref<1x125x80xi32, #tpu.memory_space<hbm>>
      %dma_wait3A_97 = tpu.memref_squeeze %dma_wait3A_96 : memref<1x125x80xi32, #tpu.memory_space<hbm>> -> memref<125x80xi32, #tpu.memory_space<hbm>>
      tpu.wait_dma2 semaphore(%run_scoped3A : memref<!tpu.dma_semaphore, #tpu.memory_space<semaphore_mem>>) src(%dma_wait3A_97 : memref<125x80xi32, #tpu.memory_space<hbm>>) dst(%arg7 : memref<125x80xi32, #tpu.memory_space<vmem>>)
      tpu.yield
    }) : () -> ()
    %dma_start3A = arith.constant 0 : i32
    %dma_start3A_10 = arith.constant 0 : i32
    %dma_start3A_11 = tpu.memref_slice %arg7[%dma_start3A, %dma_start3A_10] : memref<125x80xi32, #tpu.memory_space<vmem>> -> memref<1x80xi32, #tpu.memory_space<vmem>>
    %dma_start3A_12 = tpu.memref_squeeze %dma_start3A_11 : memref<1x80xi32, #tpu.memory_space<vmem>> -> memref<80xi32, #tpu.memory_space<vmem>>
    %dma_start3A_13 = arith.constant 0 : i32
    %dma_start3A_14 = arith.constant 0 : i32
    %dma_start3A_15 = tpu.memref_slice %arg4[%dma_start3A_13, %dma_start3A_14] : memref<10000x128xf32, #tpu.memory_space<hbm>> -> memref<10000x128xf32, #tpu.memory_space<hbm>>
    tpu.enqueue_indirect_dma source(%dma_start3A_15 : memref<10000x128xf32, #tpu.memory_space<hbm>>) target(%arg10 : memref<80x128xf32, #tpu.memory_space<vmem>>) offsets(%dma_start3A_12 : memref<80xi32, #tpu.memory_space<vmem>>) semaphore(%arg13 : memref<!tpu.dma_semaphore, #tpu.memory_space<semaphore_mem>>)
    %dma_start3A_16 = arith.constant 1 : i32
    %dma_start3A_17 = arith.constant 0 : i32
    %dma_start3A_18 = tpu.memref_slice %arg7[%dma_start3A_16, %dma_start3A_17] : memref<125x80xi32, #tpu.memory_space<vmem>> -> memref<1x80xi32, #tpu.memory_space<vmem>>
    %dma_start3A_19 = tpu.memref_squeeze %dma_start3A_18 : memref<1x80xi32, #tpu.memory_space<vmem>> -> memref<80xi32, #tpu.memory_space<vmem>>
    %dma_start3A_20 = arith.constant 0 : i32
    %dma_start3A_21 = arith.constant 0 : i32
    %dma_start3A_22 = tpu.memref_slice %arg4[%dma_start3A_20, %dma_start3A_21] : memref<10000x128xf32, #tpu.memory_space<hbm>> -> memref<10000x128xf32, #tpu.memory_space<hbm>>
    tpu.enqueue_indirect_dma source(%dma_start3A_22 : memref<10000x128xf32, #tpu.memory_space<hbm>>) target(%arg11 : memref<80x128xf32, #tpu.memory_space<vmem>>) offsets(%dma_start3A_19 : memref<80xi32, #tpu.memory_space<vmem>>) semaphore(%arg14 : memref<!tpu.dma_semaphore, #tpu.memory_space<semaphore_mem>>)
    "tpu.region"() ({
      %run_scoped3A = tpu.sem_alloc : memref<!tpu.dma_semaphore, #tpu.memory_space<semaphore_mem>>
      %dma_start3A_82 = arith.constant 0 : i32
      %dma_start3A_83 = arith.constant 0 : i32
      %dma_start3A_84 = tpu.memref_slice %arg3[%add3A, %dma_start3A_82, %dma_start3A_83] : memref<32x125x80xi32, #tpu.memory_space<hbm>> -> memref<1x125x80xi32, #tpu.memory_space<hbm>>
      %dma_start3A_85 = tpu.memref_squeeze %dma_start3A_84 : memref<1x125x80xi32, #tpu.memory_space<hbm>> -> memref<125x80xi32, #tpu.memory_space<hbm>>
      %dma_start3A_86 = arith.constant 0 : i32
      %dma_start3A_87 = arith.constant 0 : i32
      %dma_start3A_88 = tpu.memref_slice %arg3[%add3A, %dma_start3A_86, %dma_start3A_87] : memref<32x125x80xi32, #tpu.memory_space<hbm>> -> memref<1x125x80xi32, #tpu.memory_space<hbm>>
      %dma_start3A_89 = tpu.memref_squeeze %dma_start3A_88 : memref<1x125x80xi32, #tpu.memory_space<hbm>> -> memref<125x80xi32, #tpu.memory_space<hbm>>
      tpu.enqueue_dma source(%dma_start3A_89 : memref<125x80xi32, #tpu.memory_space<hbm>>) target(%arg8 : memref<125x80xi32, #tpu.memory_space<vmem>>) target_semaphore(%run_scoped3A : memref<!tpu.dma_semaphore, #tpu.memory_space<semaphore_mem>>)
      %dma_wait3A_90 = arith.constant 0 : i32
      %dma_wait3A_91 = arith.constant 0 : i32
      %dma_wait3A_92 = tpu.memref_slice %arg3[%add3A, %dma_wait3A_90, %dma_wait3A_91] : memref<32x125x80xi32, #tpu.memory_space<hbm>> -> memref<1x125x80xi32, #tpu.memory_space<hbm>>
      %dma_wait3A_93 = tpu.memref_squeeze %dma_wait3A_92 : memref<1x125x80xi32, #tpu.memory_space<hbm>> -> memref<125x80xi32, #tpu.memory_space<hbm>>
      %dma_wait3A_94 = arith.constant 0 : i32
      %dma_wait3A_95 = arith.constant 0 : i32
      %dma_wait3A_96 = tpu.memref_slice %arg3[%add3A, %dma_wait3A_94, %dma_wait3A_95] : memref<32x125x80xi32, #tpu.memory_space<hbm>> -> memref<1x125x80xi32, #tpu.memory_space<hbm>>
      %dma_wait3A_97 = tpu.memref_squeeze %dma_wait3A_96 : memref<1x125x80xi32, #tpu.memory_space<hbm>> -> memref<125x80xi32, #tpu.memory_space<hbm>>
      tpu.wait_dma2 semaphore(%run_scoped3A : memref<!tpu.dma_semaphore, #tpu.memory_space<semaphore_mem>>) src(%dma_wait3A_97 : memref<125x80xi32, #tpu.memory_space<hbm>>) dst(%arg8 : memref<125x80xi32, #tpu.memory_space<vmem>>)
      tpu.yield
    }) : () -> ()
    %barrier3A = arith.constant 0 : index
    tpu.barrier barrier_id(%barrier3A)
    %scan3A = arith.constant 0 : i32
    %scan3A_23 = arith.constant 0 : i32
    %scan3A_24 = arith.constant 41 : i32
    %scan3A_25 = arith.addi %scan3A_23, %scan3A_24 : i32
    %scan3A_26 = arith.constant 1 : i32
    scf.for %scan3A_82 = %scan3A_23 to %scan3A_25 step %scan3A_26  : i32 {
      %mul3A_83 = arith.constant 3 : i32
      %mul3A_84 = arith.muli %scan3A_82, %mul3A_83 : i32
      %add3A_85 = arith.constant 0 : i32
      %add3A_86 = arith.addi %mul3A_84, %add3A_85 : i32
      %dma_wait3A_87 = arith.constant 0 : i32
      %dma_wait3A_88 = tpu.memref_slice %arg7[%add3A_86, %dma_wait3A_87] : memref<125x80xi32, #tpu.memory_space<vmem>> -> memref<1x80xi32, #tpu.memory_space<vmem>>
      %dma_wait3A_89 = tpu.memref_squeeze %dma_wait3A_88 : memref<1x80xi32, #tpu.memory_space<vmem>> -> memref<80xi32, #tpu.memory_space<vmem>>
      %dma_wait3A_90 = arith.constant 0 : i32
      %dma_wait3A_91 = arith.constant 0 : i32
      %dma_wait3A_92 = tpu.memref_slice %arg4[%dma_wait3A_90, %dma_wait3A_91] : memref<10000x128xf32, #tpu.memory_space<hbm>> -> memref<10000x128xf32, #tpu.memory_space<hbm>>
      tpu.wait_indirect_dma semaphore(%arg13 : memref<!tpu.dma_semaphore, #tpu.memory_space<semaphore_mem>>) src(%dma_wait3A_92 : memref<10000x128xf32, #tpu.memory_space<hbm>>) dst(%arg10 : memref<80x128xf32, #tpu.memory_space<vmem>>)
      %dma_start3A_93 = arith.constant 0 : i32
      %dma_start3A_94 = tpu.memref_slice %arg8[%add3A_86, %dma_start3A_93] : memref<125x80xi32, #tpu.memory_space<vmem>> -> memref<1x80xi32, #tpu.memory_space<vmem>>
      %dma_start3A_95 = tpu.memref_squeeze %dma_start3A_94 : memref<1x80xi32, #tpu.memory_space<vmem>> -> memref<80xi32, #tpu.memory_space<vmem>>
      %dma_start3A_96 = arith.constant 0 : i32
      %dma_start3A_97 = arith.constant 0 : i32
      %dma_start3A_98 = tpu.memref_slice %arg9[%dma_start3A_96, %dma_start3A_97] : memref<10000x128xf32, #tpu.memory_space<vmem_shared>> -> memref<10000x128xf32, #tpu.memory_space<vmem_shared>>
      tpu.enqueue_indirect_dma source(%arg10 : memref<80x128xf32, #tpu.memory_space<vmem>>) target(%dma_start3A_98 : memref<10000x128xf32, #tpu.memory_space<vmem_shared>>) offsets(%dma_start3A_95 : memref<80xi32, #tpu.memory_space<vmem>>) semaphore(%arg16 : memref<!tpu.dma_semaphore, #tpu.memory_space<semaphore_mem>>) {add = true}
      %ge3A = arith.constant 1 : i32
      %ge3A_99 = arith.cmpi sge, %add3A_86, %ge3A : i32
      %convert_element_type3A_100 = arith.extui %ge3A_99 : i1 to i32
      %cond3A_101 = arith.constant 0 : i32
      %cond3A_102 = arith.cmpi ne, %convert_element_type3A_100, %cond3A_101 : i32
      scf.if %cond3A_102 {
        %sub3A = arith.constant 1 : i32
        %sub3A_165 = arith.subi %add3A_86, %sub3A : i32
        %dma_wait3A_166 = arith.constant 0 : i32
        %dma_wait3A_167 = tpu.memref_slice %arg8[%sub3A_165, %dma_wait3A_166] : memref<125x80xi32, #tpu.memory_space<vmem>> -> memref<1x80xi32, #tpu.memory_space<vmem>>
        %dma_wait3A_168 = tpu.memref_squeeze %dma_wait3A_167 : memref<1x80xi32, #tpu.memory_space<vmem>> -> memref<80xi32, #tpu.memory_space<vmem>>
        %dma_wait3A_169 = arith.constant 0 : i32
        %dma_wait3A_170 = arith.constant 0 : i32
        %dma_wait3A_171 = tpu.memref_slice %arg9[%dma_wait3A_169, %dma_wait3A_170] : memref<10000x128xf32, #tpu.memory_space<vmem_shared>> -> memref<10000x128xf32, #tpu.memory_space<vmem_shared>>
        tpu.wait_indirect_dma semaphore(%arg18 : memref<!tpu.dma_semaphore, #tpu.memory_space<semaphore_mem>>) src(%arg12 : memref<80x128xf32, #tpu.memory_space<vmem>>) dst(%dma_wait3A_171 : memref<10000x128xf32, #tpu.memory_space<vmem_shared>>)
      } else {
      }
      %add3A_103 = arith.constant 2 : i32
      %add3A_104 = arith.addi %add3A_86, %add3A_103 : i32
      %lt3A = arith.constant 125 : i32
      %lt3A_105 = arith.cmpi slt, %add3A_104, %lt3A : i32
      %convert_element_type3A_106 = arith.extui %lt3A_105 : i1 to i32
      %cond3A_107 = arith.constant 0 : i32
      %cond3A_108 = arith.cmpi ne, %convert_element_type3A_106, %cond3A_107 : i32
      scf.if %cond3A_108 {
        %add3A_165 = arith.constant 2 : i32
        %add3A_166 = arith.addi %add3A_86, %add3A_165 : i32
        %dma_start3A_167 = arith.constant 0 : i32
        %dma_start3A_168 = tpu.memref_slice %arg7[%add3A_166, %dma_start3A_167] : memref<125x80xi32, #tpu.memory_space<vmem>> -> memref<1x80xi32, #tpu.memory_space<vmem>>
        %dma_start3A_169 = tpu.memref_squeeze %dma_start3A_168 : memref<1x80xi32, #tpu.memory_space<vmem>> -> memref<80xi32, #tpu.memory_space<vmem>>
        %dma_start3A_170 = arith.constant 0 : i32
        %dma_start3A_171 = arith.constant 0 : i32
        %dma_start3A_172 = tpu.memref_slice %arg4[%dma_start3A_170, %dma_start3A_171] : memref<10000x128xf32, #tpu.memory_space<hbm>> -> memref<10000x128xf32, #tpu.memory_space<hbm>>
        tpu.enqueue_indirect_dma source(%dma_start3A_172 : memref<10000x128xf32, #tpu.memory_space<hbm>>) target(%arg12 : memref<80x128xf32, #tpu.memory_space<vmem>>) offsets(%dma_start3A_169 : memref<80xi32, #tpu.memory_space<vmem>>) semaphore(%arg15 : memref<!tpu.dma_semaphore, #tpu.memory_space<semaphore_mem>>)
      } else {
      }
      %mul3A_109 = arith.constant 3 : i32
      %mul3A_110 = arith.muli %scan3A_82, %mul3A_109 : i32
      %add3A_111 = arith.constant 1 : i32
      %add3A_112 = arith.addi %mul3A_110, %add3A_111 : i32
      %dma_wait3A_113 = arith.constant 0 : i32
      %dma_wait3A_114 = tpu.memref_slice %arg7[%add3A_112, %dma_wait3A_113] : memref<125x80xi32, #tpu.memory_space<vmem>> -> memref<1x80xi32, #tpu.memory_space<vmem>>
      %dma_wait3A_115 = tpu.memref_squeeze %dma_wait3A_114 : memref<1x80xi32, #tpu.memory_space<vmem>> -> memref<80xi32, #tpu.memory_space<vmem>>
      %dma_wait3A_116 = arith.constant 0 : i32
      %dma_wait3A_117 = arith.constant 0 : i32
      %dma_wait3A_118 = tpu.memref_slice %arg4[%dma_wait3A_116, %dma_wait3A_117] : memref<10000x128xf32, #tpu.memory_space<hbm>> -> memref<10000x128xf32, #tpu.memory_space<hbm>>
      tpu.wait_indirect_dma semaphore(%arg14 : memref<!tpu.dma_semaphore, #tpu.memory_space<semaphore_mem>>) src(%dma_wait3A_118 : memref<10000x128xf32, #tpu.memory_space<hbm>>) dst(%arg11 : memref<80x128xf32, #tpu.memory_space<vmem>>)
      %dma_start3A_119 = arith.constant 0 : i32
      %dma_start3A_120 = tpu.memref_slice %arg8[%add3A_112, %dma_start3A_119] : memref<125x80xi32, #tpu.memory_space<vmem>> -> memref<1x80xi32, #tpu.memory_space<vmem>>
      %dma_start3A_121 = tpu.memref_squeeze %dma_start3A_120 : memref<1x80xi32, #tpu.memory_space<vmem>> -> memref<80xi32, #tpu.memory_space<vmem>>
      %dma_start3A_122 = arith.constant 0 : i32
      %dma_start3A_123 = arith.constant 0 : i32
      %dma_start3A_124 = tpu.memref_slice %arg9[%dma_start3A_122, %dma_start3A_123] : memref<10000x128xf32, #tpu.memory_space<vmem_shared>> -> memref<10000x128xf32, #tpu.memory_space<vmem_shared>>
      tpu.enqueue_indirect_dma source(%arg11 : memref<80x128xf32, #tpu.memory_space<vmem>>) target(%dma_start3A_124 : memref<10000x128xf32, #tpu.memory_space<vmem_shared>>) offsets(%dma_start3A_121 : memref<80xi32, #tpu.memory_space<vmem>>) semaphore(%arg17 : memref<!tpu.dma_semaphore, #tpu.memory_space<semaphore_mem>>) {add = true}
      %ge3A_125 = arith.constant 1 : i32
      %ge3A_126 = arith.cmpi sge, %add3A_112, %ge3A_125 : i32
      %convert_element_type3A_127 = arith.extui %ge3A_126 : i1 to i32
      %cond3A_128 = arith.constant 0 : i32
      %cond3A_129 = arith.cmpi ne, %convert_element_type3A_127, %cond3A_128 : i32
      scf.if %cond3A_129 {
        %sub3A = arith.constant 1 : i32
        %sub3A_165 = arith.subi %add3A_112, %sub3A : i32
        %dma_wait3A_166 = arith.constant 0 : i32
        %dma_wait3A_167 = tpu.memref_slice %arg8[%sub3A_165, %dma_wait3A_166] : memref<125x80xi32, #tpu.memory_space<vmem>> -> memref<1x80xi32, #tpu.memory_space<vmem>>
        %dma_wait3A_168 = tpu.memref_squeeze %dma_wait3A_167 : memref<1x80xi32, #tpu.memory_space<vmem>> -> memref<80xi32, #tpu.memory_space<vmem>>
        %dma_wait3A_169 = arith.constant 0 : i32
        %dma_wait3A_170 = arith.constant 0 : i32
        %dma_wait3A_171 = tpu.memref_slice %arg9[%dma_wait3A_169, %dma_wait3A_170] : memref<10000x128xf32, #tpu.memory_space<vmem_shared>> -> memref<10000x128xf32, #tpu.memory_space<vmem_shared>>
        tpu.wait_indirect_dma semaphore(%arg16 : memref<!tpu.dma_semaphore, #tpu.memory_space<semaphore_mem>>) src(%arg10 : memref<80x128xf32, #tpu.memory_space<vmem>>) dst(%dma_wait3A_171 : memref<10000x128xf32, #tpu.memory_space<vmem_shared>>)
      } else {
      }
      %add3A_130 = arith.constant 2 : i32
      %add3A_131 = arith.addi %add3A_112, %add3A_130 : i32
      %lt3A_132 = arith.constant 125 : i32
      %lt3A_133 = arith.cmpi slt, %add3A_131, %lt3A_132 : i32
      %convert_element_type3A_134 = arith.extui %lt3A_133 : i1 to i32
      %cond3A_135 = arith.constant 0 : i32
      %cond3A_136 = arith.cmpi ne, %convert_element_type3A_134, %cond3A_135 : i32
      scf.if %cond3A_136 {
        %add3A_165 = arith.constant 2 : i32
        %add3A_166 = arith.addi %add3A_112, %add3A_165 : i32
        %dma_start3A_167 = arith.constant 0 : i32
        %dma_start3A_168 = tpu.memref_slice %arg7[%add3A_166, %dma_start3A_167] : memref<125x80xi32, #tpu.memory_space<vmem>> -> memref<1x80xi32, #tpu.memory_space<vmem>>
        %dma_start3A_169 = tpu.memref_squeeze %dma_start3A_168 : memref<1x80xi32, #tpu.memory_space<vmem>> -> memref<80xi32, #tpu.memory_space<vmem>>
        %dma_start3A_170 = arith.constant 0 : i32
        %dma_start3A_171 = arith.constant 0 : i32
        %dma_start3A_172 = tpu.memref_slice %arg4[%dma_start3A_170, %dma_start3A_171] : memref<10000x128xf32, #tpu.memory_space<hbm>> -> memref<10000x128xf32, #tpu.memory_space<hbm>>
        tpu.enqueue_indirect_dma source(%dma_start3A_172 : memref<10000x128xf32, #tpu.memory_space<hbm>>) target(%arg10 : memref<80x128xf32, #tpu.memory_space<vmem>>) offsets(%dma_start3A_169 : memref<80xi32, #tpu.memory_space<vmem>>) semaphore(%arg13 : memref<!tpu.dma_semaphore, #tpu.memory_space<semaphore_mem>>)
      } else {
      }
      %mul3A_137 = arith.constant 3 : i32
      %mul3A_138 = arith.muli %scan3A_82, %mul3A_137 : i32
      %add3A_139 = arith.constant 2 : i32
      %add3A_140 = arith.addi %mul3A_138, %add3A_139 : i32
      %dma_wait3A_141 = arith.constant 0 : i32
      %dma_wait3A_142 = tpu.memref_slice %arg7[%add3A_140, %dma_wait3A_141] : memref<125x80xi32, #tpu.memory_space<vmem>> -> memref<1x80xi32, #tpu.memory_space<vmem>>
      %dma_wait3A_143 = tpu.memref_squeeze %dma_wait3A_142 : memref<1x80xi32, #tpu.memory_space<vmem>> -> memref<80xi32, #tpu.memory_space<vmem>>
      %dma_wait3A_144 = arith.constant 0 : i32
      %dma_wait3A_145 = arith.constant 0 : i32
      %dma_wait3A_146 = tpu.memref_slice %arg4[%dma_wait3A_144, %dma_wait3A_145] : memref<10000x128xf32, #tpu.memory_space<hbm>> -> memref<10000x128xf32, #tpu.memory_space<hbm>>
      tpu.wait_indirect_dma semaphore(%arg15 : memref<!tpu.dma_semaphore, #tpu.memory_space<semaphore_mem>>) src(%dma_wait3A_146 : memref<10000x128xf32, #tpu.memory_space<hbm>>) dst(%arg12 : memref<80x128xf32, #tpu.memory_space<vmem>>)
      %dma_start3A_147 = arith.constant 0 : i32
      %dma_start3A_148 = tpu.memref_slice %arg8[%add3A_140, %dma_start3A_147] : memref<125x80xi32, #tpu.memory_space<vmem>> -> memref<1x80xi32, #tpu.memory_space<vmem>>
      %dma_start3A_149 = tpu.memref_squeeze %dma_start3A_148 : memref<1x80xi32, #tpu.memory_space<vmem>> -> memref<80xi32, #tpu.memory_space<vmem>>
      %dma_start3A_150 = arith.constant 0 : i32
      %dma_start3A_151 = arith.constant 0 : i32
      %dma_start3A_152 = tpu.memref_slice %arg9[%dma_start3A_150, %dma_start3A_151] : memref<10000x128xf32, #tpu.memory_space<vmem_shared>> -> memref<10000x128xf32, #tpu.memory_space<vmem_shared>>
      tpu.enqueue_indirect_dma source(%arg12 : memref<80x128xf32, #tpu.memory_space<vmem>>) target(%dma_start3A_152 : memref<10000x128xf32, #tpu.memory_space<vmem_shared>>) offsets(%dma_start3A_149 : memref<80xi32, #tpu.memory_space<vmem>>) semaphore(%arg18 : memref<!tpu.dma_semaphore, #tpu.memory_space<semaphore_mem>>) {add = true}
      %ge3A_153 = arith.constant 1 : i32
      %ge3A_154 = arith.cmpi sge, %add3A_140, %ge3A_153 : i32
      %convert_element_type3A_155 = arith.extui %ge3A_154 : i1 to i32
      %cond3A_156 = arith.constant 0 : i32
      %cond3A_157 = arith.cmpi ne, %convert_element_type3A_155, %cond3A_156 : i32
      scf.if %cond3A_157 {
        %sub3A = arith.constant 1 : i32
        %sub3A_165 = arith.subi %add3A_140, %sub3A : i32
        %dma_wait3A_166 = arith.constant 0 : i32
        %dma_wait3A_167 = tpu.memref_slice %arg8[%sub3A_165, %dma_wait3A_166] : memref<125x80xi32, #tpu.memory_space<vmem>> -> memref<1x80xi32, #tpu.memory_space<vmem>>
        %dma_wait3A_168 = tpu.memref_squeeze %dma_wait3A_167 : memref<1x80xi32, #tpu.memory_space<vmem>> -> memref<80xi32, #tpu.memory_space<vmem>>
        %dma_wait3A_169 = arith.constant 0 : i32
        %dma_wait3A_170 = arith.constant 0 : i32
        %dma_wait3A_171 = tpu.memref_slice %arg9[%dma_wait3A_169, %dma_wait3A_170] : memref<10000x128xf32, #tpu.memory_space<vmem_shared>> -> memref<10000x128xf32, #tpu.memory_space<vmem_shared>>
        tpu.wait_indirect_dma semaphore(%arg17 : memref<!tpu.dma_semaphore, #tpu.memory_space<semaphore_mem>>) src(%arg11 : memref<80x128xf32, #tpu.memory_space<vmem>>) dst(%dma_wait3A_171 : memref<10000x128xf32, #tpu.memory_space<vmem_shared>>)
      } else {
      }
      %add3A_158 = arith.constant 2 : i32
      %add3A_159 = arith.addi %add3A_140, %add3A_158 : i32
      %lt3A_160 = arith.constant 125 : i32
      %lt3A_161 = arith.cmpi slt, %add3A_159, %lt3A_160 : i32
      %convert_element_type3A_162 = arith.extui %lt3A_161 : i1 to i32
      %cond3A_163 = arith.constant 0 : i32
      %cond3A_164 = arith.cmpi ne, %convert_element_type3A_162, %cond3A_163 : i32
      scf.if %cond3A_164 {
        %add3A_165 = arith.constant 2 : i32
        %add3A_166 = arith.addi %add3A_140, %add3A_165 : i32
        %dma_start3A_167 = arith.constant 0 : i32
        %dma_start3A_168 = tpu.memref_slice %arg7[%add3A_166, %dma_start3A_167] : memref<125x80xi32, #tpu.memory_space<vmem>> -> memref<1x80xi32, #tpu.memory_space<vmem>>
        %dma_start3A_169 = tpu.memref_squeeze %dma_start3A_168 : memref<1x80xi32, #tpu.memory_space<vmem>> -> memref<80xi32, #tpu.memory_space<vmem>>
        %dma_start3A_170 = arith.constant 0 : i32
        %dma_start3A_171 = arith.constant 0 : i32
        %dma_start3A_172 = tpu.memref_slice %arg4[%dma_start3A_170, %dma_start3A_171] : memref<10000x128xf32, #tpu.memory_space<hbm>> -> memref<10000x128xf32, #tpu.memory_space<hbm>>
        tpu.enqueue_indirect_dma source(%dma_start3A_172 : memref<10000x128xf32, #tpu.memory_space<hbm>>) target(%arg11 : memref<80x128xf32, #tpu.memory_space<vmem>>) offsets(%dma_start3A_169 : memref<80xi32, #tpu.memory_space<vmem>>) semaphore(%arg14 : memref<!tpu.dma_semaphore, #tpu.memory_space<semaphore_mem>>)
      } else {
      }
    }
    %scan3A_27 = arith.constant 41 : i32
    %dma_wait3A = arith.constant 123 : i32
    %dma_wait3A_28 = arith.constant 0 : i32
    %dma_wait3A_29 = tpu.memref_slice %arg7[%dma_wait3A, %dma_wait3A_28] : memref<125x80xi32, #tpu.memory_space<vmem>> -> memref<1x80xi32, #tpu.memory_space<vmem>>
    %dma_wait3A_30 = tpu.memref_squeeze %dma_wait3A_29 : memref<1x80xi32, #tpu.memory_space<vmem>> -> memref<80xi32, #tpu.memory_space<vmem>>
    %dma_wait3A_31 = arith.constant 0 : i32
    %dma_wait3A_32 = arith.constant 0 : i32
    %dma_wait3A_33 = tpu.memref_slice %arg4[%dma_wait3A_31, %dma_wait3A_32] : memref<10000x128xf32, #tpu.memory_space<hbm>> -> memref<10000x128xf32, #tpu.memory_space<hbm>>
    tpu.wait_indirect_dma semaphore(%arg13 : memref<!tpu.dma_semaphore, #tpu.memory_space<semaphore_mem>>) src(%dma_wait3A_33 : memref<10000x128xf32, #tpu.memory_space<hbm>>) dst(%arg10 : memref<80x128xf32, #tpu.memory_space<vmem>>)
    %dma_start3A_34 = arith.constant 123 : i32
    %dma_start3A_35 = arith.constant 0 : i32
    %dma_start3A_36 = tpu.memref_slice %arg8[%dma_start3A_34, %dma_start3A_35] : memref<125x80xi32, #tpu.memory_space<vmem>> -> memref<1x80xi32, #tpu.memory_space<vmem>>
    %dma_start3A_37 = tpu.memref_squeeze %dma_start3A_36 : memref<1x80xi32, #tpu.memory_space<vmem>> -> memref<80xi32, #tpu.memory_space<vmem>>
    %dma_start3A_38 = arith.constant 0 : i32
    %dma_start3A_39 = arith.constant 0 : i32
    %dma_start3A_40 = tpu.memref_slice %arg9[%dma_start3A_38, %dma_start3A_39] : memref<10000x128xf32, #tpu.memory_space<vmem_shared>> -> memref<10000x128xf32, #tpu.memory_space<vmem_shared>>
    tpu.enqueue_indirect_dma source(%arg10 : memref<80x128xf32, #tpu.memory_space<vmem>>) target(%dma_start3A_40 : memref<10000x128xf32, #tpu.memory_space<vmem_shared>>) offsets(%dma_start3A_37 : memref<80xi32, #tpu.memory_space<vmem>>) semaphore(%arg16 : memref<!tpu.dma_semaphore, #tpu.memory_space<semaphore_mem>>) {add = true}
    %dma_wait3A_41 = arith.constant 122 : i32
    %dma_wait3A_42 = arith.constant 0 : i32
    %dma_wait3A_43 = tpu.memref_slice %arg8[%dma_wait3A_41, %dma_wait3A_42] : memref<125x80xi32, #tpu.memory_space<vmem>> -> memref<1x80xi32, #tpu.memory_space<vmem>>
    %dma_wait3A_44 = tpu.memref_squeeze %dma_wait3A_43 : memref<1x80xi32, #tpu.memory_space<vmem>> -> memref<80xi32, #tpu.memory_space<vmem>>
    %dma_wait3A_45 = arith.constant 0 : i32
    %dma_wait3A_46 = arith.constant 0 : i32
    %dma_wait3A_47 = tpu.memref_slice %arg9[%dma_wait3A_45, %dma_wait3A_46] : memref<10000x128xf32, #tpu.memory_space<vmem_shared>> -> memref<10000x128xf32, #tpu.memory_space<vmem_shared>>
    tpu.wait_indirect_dma semaphore(%arg18 : memref<!tpu.dma_semaphore, #tpu.memory_space<semaphore_mem>>) src(%arg12 : memref<80x128xf32, #tpu.memory_space<vmem>>) dst(%dma_wait3A_47 : memref<10000x128xf32, #tpu.memory_space<vmem_shared>>)
    %dma_wait3A_48 = arith.constant 124 : i32
    %dma_wait3A_49 = arith.constant 0 : i32
    %dma_wait3A_50 = tpu.memref_slice %arg7[%dma_wait3A_48, %dma_wait3A_49] : memref<125x80xi32, #tpu.memory_space<vmem>> -> memref<1x80xi32, #tpu.memory_space<vmem>>
    %dma_wait3A_51 = tpu.memref_squeeze %dma_wait3A_50 : memref<1x80xi32, #tpu.memory_space<vmem>> -> memref<80xi32, #tpu.memory_space<vmem>>
    %dma_wait3A_52 = arith.constant 0 : i32
    %dma_wait3A_53 = arith.constant 0 : i32
    %dma_wait3A_54 = tpu.memref_slice %arg4[%dma_wait3A_52, %dma_wait3A_53] : memref<10000x128xf32, #tpu.memory_space<hbm>> -> memref<10000x128xf32, #tpu.memory_space<hbm>>
    tpu.wait_indirect_dma semaphore(%arg14 : memref<!tpu.dma_semaphore, #tpu.memory_space<semaphore_mem>>) src(%dma_wait3A_54 : memref<10000x128xf32, #tpu.memory_space<hbm>>) dst(%arg11 : memref<80x128xf32, #tpu.memory_space<vmem>>)
    %dma_start3A_55 = arith.constant 124 : i32
    %dma_start3A_56 = arith.constant 0 : i32
    %dma_start3A_57 = tpu.memref_slice %arg8[%dma_start3A_55, %dma_start3A_56] : memref<125x80xi32, #tpu.memory_space<vmem>> -> memref<1x80xi32, #tpu.memory_space<vmem>>
    %dma_start3A_58 = tpu.memref_squeeze %dma_start3A_57 : memref<1x80xi32, #tpu.memory_space<vmem>> -> memref<80xi32, #tpu.memory_space<vmem>>
    %dma_start3A_59 = arith.constant 0 : i32
    %dma_start3A_60 = arith.constant 0 : i32
    %dma_start3A_61 = tpu.memref_slice %arg9[%dma_start3A_59, %dma_start3A_60] : memref<10000x128xf32, #tpu.memory_space<vmem_shared>> -> memref<10000x128xf32, #tpu.memory_space<vmem_shared>>
    tpu.enqueue_indirect_dma source(%arg11 : memref<80x128xf32, #tpu.memory_space<vmem>>) target(%dma_start3A_61 : memref<10000x128xf32, #tpu.memory_space<vmem_shared>>) offsets(%dma_start3A_58 : memref<80xi32, #tpu.memory_space<vmem>>) semaphore(%arg17 : memref<!tpu.dma_semaphore, #tpu.memory_space<semaphore_mem>>) {add = true}
    %dma_wait3A_62 = arith.constant 123 : i32
    %dma_wait3A_63 = arith.constant 0 : i32
    %dma_wait3A_64 = tpu.memref_slice %arg8[%dma_wait3A_62, %dma_wait3A_63] : memref<125x80xi32, #tpu.memory_space<vmem>> -> memref<1x80xi32, #tpu.memory_space<vmem>>
    %dma_wait3A_65 = tpu.memref_squeeze %dma_wait3A_64 : memref<1x80xi32, #tpu.memory_space<vmem>> -> memref<80xi32, #tpu.memory_space<vmem>>
    %dma_wait3A_66 = arith.constant 0 : i32
    %dma_wait3A_67 = arith.constant 0 : i32
    %dma_wait3A_68 = tpu.memref_slice %arg9[%dma_wait3A_66, %dma_wait3A_67] : memref<10000x128xf32, #tpu.memory_space<vmem_shared>> -> memref<10000x128xf32, #tpu.memory_space<vmem_shared>>
    tpu.wait_indirect_dma semaphore(%arg16 : memref<!tpu.dma_semaphore, #tpu.memory_space<semaphore_mem>>) src(%arg10 : memref<80x128xf32, #tpu.memory_space<vmem>>) dst(%dma_wait3A_68 : memref<10000x128xf32, #tpu.memory_space<vmem_shared>>)
    %dma_wait3A_69 = arith.constant 124 : i32
    %dma_wait3A_70 = arith.constant 0 : i32
    %dma_wait3A_71 = tpu.memref_slice %arg8[%dma_wait3A_69, %dma_wait3A_70] : memref<125x80xi32, #tpu.memory_space<vmem>> -> memref<1x80xi32, #tpu.memory_space<vmem>>
    %dma_wait3A_72 = tpu.memref_squeeze %dma_wait3A_71 : memref<1x80xi32, #tpu.memory_space<vmem>> -> memref<80xi32, #tpu.memory_space<vmem>>
    %dma_wait3A_73 = arith.constant 0 : i32
    %dma_wait3A_74 = arith.constant 0 : i32
    %dma_wait3A_75 = tpu.memref_slice %arg9[%dma_wait3A_73, %dma_wait3A_74] : memref<10000x128xf32, #tpu.memory_space<vmem_shared>> -> memref<10000x128xf32, #tpu.memory_space<vmem_shared>>
    tpu.wait_indirect_dma semaphore(%arg17 : memref<!tpu.dma_semaphore, #tpu.memory_space<semaphore_mem>>) src(%arg11 : memref<80x128xf32, #tpu.memory_space<vmem>>) dst(%dma_wait3A_75 : memref<10000x128xf32, #tpu.memory_space<vmem_shared>>)
    %barrier3A_76 = arith.constant 0 : index
    tpu.barrier barrier_id(%barrier3A_76)
    "tpu.region"() ({
      %run_scoped3A = tpu.sem_alloc : memref<!tpu.dma_semaphore, #tpu.memory_space<semaphore_mem>>
      %dma_start3A_82 = arith.constant 0 : i32
      %dma_start3A_83 = tpu.memref_slice %arg6[%arg0, %multiple_of3A, %dma_start3A_82] : memref<2x10000x128xf32, #tpu.memory_space<hbm>> -> memref<1x624x128xf32, #tpu.memory_space<hbm>>
      %dma_start3A_84 = tpu.memref_squeeze %dma_start3A_83 : memref<1x624x128xf32, #tpu.memory_space<hbm>> -> memref<624x128xf32, #tpu.memory_space<hbm>>
      %dma_start3A_85 = arith.constant 0 : i32
      %dma_start3A_86 = tpu.memref_slice %arg9[%multiple_of3A, %dma_start3A_85] : memref<10000x128xf32, #tpu.memory_space<vmem_shared>> -> memref<624x128xf32, #tpu.memory_space<vmem_shared>>
      tpu.enqueue_dma source(%dma_start3A_86 : memref<624x128xf32, #tpu.memory_space<vmem_shared>>) target(%dma_start3A_84 : memref<624x128xf32, #tpu.memory_space<hbm>>) target_semaphore(%run_scoped3A : memref<!tpu.dma_semaphore, #tpu.memory_space<semaphore_mem>>)
      %dma_wait3A_87 = arith.constant 0 : i32
      %dma_wait3A_88 = tpu.memref_slice %arg6[%arg0, %multiple_of3A, %dma_wait3A_87] : memref<2x10000x128xf32, #tpu.memory_space<hbm>> -> memref<1x624x128xf32, #tpu.memory_space<hbm>>
      %dma_wait3A_89 = tpu.memref_squeeze %dma_wait3A_88 : memref<1x624x128xf32, #tpu.memory_space<hbm>> -> memref<624x128xf32, #tpu.memory_space<hbm>>
      %dma_wait3A_90 = arith.constant 0 : i32
      %dma_wait3A_91 = tpu.memref_slice %arg9[%multiple_of3A, %dma_wait3A_90] : memref<10000x128xf32, #tpu.memory_space<vmem_shared>> -> memref<624x128xf32, #tpu.memory_space<vmem_shared>>
      tpu.wait_dma2 semaphore(%run_scoped3A : memref<!tpu.dma_semaphore, #tpu.memory_space<semaphore_mem>>) src(%dma_wait3A_91 : memref<624x128xf32, #tpu.memory_space<vmem_shared>>) dst(%dma_wait3A_89 : memref<624x128xf32, #tpu.memory_space<hbm>>)
      tpu.yield
    }) : () -> ()
    %eq3A_77 = arith.constant 15 : i32
    %eq3A_78 = arith.cmpi eq, %arg1, %eq3A_77 : i32
    %convert_element_type3A_79 = arith.extui %eq3A_78 : i1 to i32
    %cond3A_80 = arith.constant 0 : i32
    %cond3A_81 = arith.cmpi ne, %convert_element_type3A_79, %cond3A_80 : i32
    scf.if %cond3A_81 {
      "tpu.region"() ({
        %run_scoped3A = tpu.sem_alloc : memref<!tpu.dma_semaphore, #tpu.memory_space<semaphore_mem>>
        %dma_start3A_82 = arith.constant 9984 : i32
        %dma_start3A_83 = arith.constant 0 : i32
        %dma_start3A_84 = tpu.memref_slice %arg6[%arg0, %dma_start3A_82, %dma_start3A_83] : memref<2x10000x128xf32, #tpu.memory_space<hbm>> -> memref<1x16x128xf32, #tpu.memory_space<hbm>>
        %dma_start3A_85 = tpu.memref_squeeze %dma_start3A_84 : memref<1x16x128xf32, #tpu.memory_space<hbm>> -> memref<16x128xf32, #tpu.memory_space<hbm>>
        %dma_start3A_86 = arith.constant 9984 : i32
        %dma_start3A_87 = arith.constant 0 : i32
        %dma_start3A_88 = tpu.memref_slice %arg9[%dma_start3A_86, %dma_start3A_87] : memref<10000x128xf32, #tpu.memory_space<vmem_shared>> -> memref<16x128xf32, #tpu.memory_space<vmem_shared>>
        tpu.enqueue_dma source(%dma_start3A_88 : memref<16x128xf32, #tpu.memory_space<vmem_shared>>) target(%dma_start3A_85 : memref<16x128xf32, #tpu.memory_space<hbm>>) target_semaphore(%run_scoped3A : memref<!tpu.dma_semaphore, #tpu.memory_space<semaphore_mem>>)
        %dma_wait3A_89 = arith.constant 9984 : i32
        %dma_wait3A_90 = arith.constant 0 : i32
        %dma_wait3A_91 = tpu.memref_slice %arg6[%arg0, %dma_wait3A_89, %dma_wait3A_90] : memref<2x10000x128xf32, #tpu.memory_space<hbm>> -> memref<1x16x128xf32, #tpu.memory_space<hbm>>
        %dma_wait3A_92 = tpu.memref_squeeze %dma_wait3A_91 : memref<1x16x128xf32, #tpu.memory_space<hbm>> -> memref<16x128xf32, #tpu.memory_space<hbm>>
        %dma_wait3A_93 = arith.constant 9984 : i32
        %dma_wait3A_94 = arith.constant 0 : i32
        %dma_wait3A_95 = tpu.memref_slice %arg9[%dma_wait3A_93, %dma_wait3A_94] : memref<10000x128xf32, #tpu.memory_space<vmem_shared>> -> memref<16x128xf32, #tpu.memory_space<vmem_shared>>
        tpu.wait_dma2 semaphore(%run_scoped3A : memref<!tpu.dma_semaphore, #tpu.memory_space<semaphore_mem>>) src(%dma_wait3A_95 : memref<16x128xf32, #tpu.memory_space<vmem_shared>>) dst(%dma_wait3A_92 : memref<16x128xf32, #tpu.memory_space<hbm>>)
        tpu.yield
      }) : () -> ()
    } else {
    }
    return
  }
}

#map = affine_map<(d0, d1) -> (0, 0, 0)>
#map1 = affine_map<(d0, d1) -> (0)>
#map2 = affine_map<(d0, d1) -> (0, 0)>
module attributes {stable_mosaic.version = 14 : i64} {
  func.func @_deg_kernel(%arg0: i32, %arg1: i32, %arg2: memref<32x80x125xi32, #tpu.memory_space<hbm>>, %arg3: memref<10000xf32, #tpu.memory_space<hbm>>, %arg4: memref<2x10000xf32, #tpu.memory_space<hbm>>, %arg5: memref<80x125xi32, #tpu.memory_space<vmem>>, %arg6: memref<128xf32, #tpu.memory_space<vmem>>, %arg7: memref<10000xf32, #tpu.memory_space<vmem_shared>>, %arg8: memref<!tpu.dma_semaphore, #tpu.memory_space<semaphore_mem>>) attributes {dimension_semantics = [#tpu.dimension_semantics<core_parallel>, #tpu.dimension_semantics<subcore_parallel>], iteration_bounds = array<i64: 2, 16>, scalar_prefetch = 0 : i64, scratch_operands = 4 : i64, tpu.core_type = #tpu.core_type<sc_vector_subcore>, window_params = [{transform_indices = #map}, {transform_indices = #map1}, {transform_indices = #map2}]} {
    %mul3A = arith.constant 2 : i32
    %mul3A_0 = arith.muli %arg1, %mul3A : i32
    %add3A = arith.addi %mul3A_0, %arg0 : i32
    %eq3A = arith.constant 0 : i32
    %eq3A_1 = arith.cmpi eq, %arg1, %eq3A : i32
    %convert_element_type3A = arith.extui %eq3A_1 : i1 to i32
    %cond3A = arith.constant 0 : i32
    %cond3A_2 = arith.cmpi ne, %convert_element_type3A, %cond3A : i32
    scf.if %cond3A_2 {
      "tpu.region"() ({
        %run_scoped3A = tpu.sem_alloc : memref<!tpu.dma_semaphore, #tpu.memory_space<semaphore_mem>>
        tpu.enqueue_dma source(%arg3 : memref<10000xf32, #tpu.memory_space<hbm>>) target(%arg7 : memref<10000xf32, #tpu.memory_space<vmem_shared>>) target_semaphore(%run_scoped3A : memref<!tpu.dma_semaphore, #tpu.memory_space<semaphore_mem>>)
        tpu.wait_dma2 semaphore(%run_scoped3A : memref<!tpu.dma_semaphore, #tpu.memory_space<semaphore_mem>>) src(%arg3 : memref<10000xf32, #tpu.memory_space<hbm>>) dst(%arg7 : memref<10000xf32, #tpu.memory_space<vmem_shared>>)
        tpu.yield
      }) : () -> ()
    } else {
    }
    %broadcast_in_dim3A = arith.constant 1.000000e+00 : f32
    %broadcast_in_dim3A_3 = vector.broadcast %broadcast_in_dim3A : f32 to vector<16xf32>
    %swap3A = arith.constant 0 : index
    %swap3A_4 = tpu.vector_load %arg6[%swap3A] {strides = array<i32>} : memref<128xf32, #tpu.memory_space<vmem>>, vector<16xf32>,
    %swap3A_5 = vector.shape_cast %swap3A_4 : vector<16xf32> to vector<16xf32>
    %swap3A_6 = vector.shape_cast %broadcast_in_dim3A_3 : vector<16xf32> to vector<16xf32>
    tpu.vector_store %arg6[%swap3A], %swap3A_6 {strides = array<i32>} : memref<128xf32, #tpu.memory_space<vmem>>, vector<16xf32>,
    %broadcast_in_dim3A_7 = arith.constant 1.000000e+00 : f32
    %broadcast_in_dim3A_8 = vector.broadcast %broadcast_in_dim3A_7 : f32 to vector<16xf32>
    %swap3A_9 = arith.constant 16 : index
    %swap3A_10 = tpu.vector_load %arg6[%swap3A_9] {strides = array<i32>} : memref<128xf32, #tpu.memory_space<vmem>>, vector<16xf32>,
    %swap3A_11 = vector.shape_cast %swap3A_10 : vector<16xf32> to vector<16xf32>
    %swap3A_12 = vector.shape_cast %broadcast_in_dim3A_8 : vector<16xf32> to vector<16xf32>
    tpu.vector_store %arg6[%swap3A_9], %swap3A_12 {strides = array<i32>} : memref<128xf32, #tpu.memory_space<vmem>>, vector<16xf32>,
    %broadcast_in_dim3A_13 = arith.constant 1.000000e+00 : f32
    %broadcast_in_dim3A_14 = vector.broadcast %broadcast_in_dim3A_13 : f32 to vector<16xf32>
    %swap3A_15 = arith.constant 32 : index
    %swap3A_16 = tpu.vector_load %arg6[%swap3A_15] {strides = array<i32>} : memref<128xf32, #tpu.memory_space<vmem>>, vector<16xf32>,
    %swap3A_17 = vector.shape_cast %swap3A_16 : vector<16xf32> to vector<16xf32>
    %swap3A_18 = vector.shape_cast %broadcast_in_dim3A_14 : vector<16xf32> to vector<16xf32>
    tpu.vector_store %arg6[%swap3A_15], %swap3A_18 {strides = array<i32>} : memref<128xf32, #tpu.memory_space<vmem>>, vector<16xf32>,
    %broadcast_in_dim3A_19 = arith.constant 1.000000e+00 : f32
    %broadcast_in_dim3A_20 = vector.broadcast %broadcast_in_dim3A_19 : f32 to vector<16xf32>
    %swap3A_21 = arith.constant 48 : index
    %swap3A_22 = tpu.vector_load %arg6[%swap3A_21] {strides = array<i32>} : memref<128xf32, #tpu.memory_space<vmem>>, vector<16xf32>,
    %swap3A_23 = vector.shape_cast %swap3A_22 : vector<16xf32> to vector<16xf32>
    %swap3A_24 = vector.shape_cast %broadcast_in_dim3A_20 : vector<16xf32> to vector<16xf32>
    tpu.vector_store %arg6[%swap3A_21], %swap3A_24 {strides = array<i32>} : memref<128xf32, #tpu.memory_space<vmem>>, vector<16xf32>,
    %broadcast_in_dim3A_25 = arith.constant 1.000000e+00 : f32
    %broadcast_in_dim3A_26 = vector.broadcast %broadcast_in_dim3A_25 : f32 to vector<16xf32>
    %swap3A_27 = arith.constant 64 : index
    %swap3A_28 = tpu.vector_load %arg6[%swap3A_27] {strides = array<i32>} : memref<128xf32, #tpu.memory_space<vmem>>, vector<16xf32>,
    %swap3A_29 = vector.shape_cast %swap3A_28 : vector<16xf32> to vector<16xf32>
    %swap3A_30 = vector.shape_cast %broadcast_in_dim3A_26 : vector<16xf32> to vector<16xf32>
    tpu.vector_store %arg6[%swap3A_27], %swap3A_30 {strides = array<i32>} : memref<128xf32, #tpu.memory_space<vmem>>, vector<16xf32>,
    %broadcast_in_dim3A_31 = arith.constant 1.000000e+00 : f32
    %broadcast_in_dim3A_32 = vector.broadcast %broadcast_in_dim3A_31 : f32 to vector<16xf32>
    %swap3A_33 = arith.constant 80 : index
    %swap3A_34 = tpu.vector_load %arg6[%swap3A_33] {strides = array<i32>} : memref<128xf32, #tpu.memory_space<vmem>>, vector<16xf32>,
    %swap3A_35 = vector.shape_cast %swap3A_34 : vector<16xf32> to vector<16xf32>
    %swap3A_36 = vector.shape_cast %broadcast_in_dim3A_32 : vector<16xf32> to vector<16xf32>
    tpu.vector_store %arg6[%swap3A_33], %swap3A_36 {strides = array<i32>} : memref<128xf32, #tpu.memory_space<vmem>>, vector<16xf32>,
    %broadcast_in_dim3A_37 = arith.constant 1.000000e+00 : f32
    %broadcast_in_dim3A_38 = vector.broadcast %broadcast_in_dim3A_37 : f32 to vector<16xf32>
    %swap3A_39 = arith.constant 96 : index
    %swap3A_40 = tpu.vector_load %arg6[%swap3A_39] {strides = array<i32>} : memref<128xf32, #tpu.memory_space<vmem>>, vector<16xf32>,
    %swap3A_41 = vector.shape_cast %swap3A_40 : vector<16xf32> to vector<16xf32>
    %swap3A_42 = vector.shape_cast %broadcast_in_dim3A_38 : vector<16xf32> to vector<16xf32>
    tpu.vector_store %arg6[%swap3A_39], %swap3A_42 {strides = array<i32>} : memref<128xf32, #tpu.memory_space<vmem>>, vector<16xf32>,
    %broadcast_in_dim3A_43 = arith.constant 1.000000e+00 : f32
    %broadcast_in_dim3A_44 = vector.broadcast %broadcast_in_dim3A_43 : f32 to vector<16xf32>
    %swap3A_45 = arith.constant 112 : index
    %swap3A_46 = tpu.vector_load %arg6[%swap3A_45] {strides = array<i32>} : memref<128xf32, #tpu.memory_space<vmem>>, vector<16xf32>,
    %swap3A_47 = vector.shape_cast %swap3A_46 : vector<16xf32> to vector<16xf32>
    %swap3A_48 = vector.shape_cast %broadcast_in_dim3A_44 : vector<16xf32> to vector<16xf32>
    tpu.vector_store %arg6[%swap3A_45], %swap3A_48 {strides = array<i32>} : memref<128xf32, #tpu.memory_space<vmem>>, vector<16xf32>,
    "tpu.region"() ({
      %run_scoped3A = tpu.sem_alloc : memref<!tpu.dma_semaphore, #tpu.memory_space<semaphore_mem>>
      %dma_start3A = arith.constant 0 : i32
      %dma_start3A_60 = arith.constant 0 : i32
      %dma_start3A_61 = tpu.memref_slice %arg2[%add3A, %dma_start3A, %dma_start3A_60] : memref<32x80x125xi32, #tpu.memory_space<hbm>> -> memref<1x80x125xi32, #tpu.memory_space<hbm>>
      %dma_start3A_62 = tpu.memref_squeeze %dma_start3A_61 : memref<1x80x125xi32, #tpu.memory_space<hbm>> -> memref<80x125xi32, #tpu.memory_space<hbm>>
      %dma_start3A_63 = arith.constant 0 : i32
      %dma_start3A_64 = arith.constant 0 : i32
      %dma_start3A_65 = tpu.memref_slice %arg2[%add3A, %dma_start3A_63, %dma_start3A_64] : memref<32x80x125xi32, #tpu.memory_space<hbm>> -> memref<1x80x125xi32, #tpu.memory_space<hbm>>
      %dma_start3A_66 = tpu.memref_squeeze %dma_start3A_65 : memref<1x80x125xi32, #tpu.memory_space<hbm>> -> memref<80x125xi32, #tpu.memory_space<hbm>>
      tpu.enqueue_dma source(%dma_start3A_66 : memref<80x125xi32, #tpu.memory_space<hbm>>) target(%arg5 : memref<80x125xi32, #tpu.memory_space<vmem>>) target_semaphore(%run_scoped3A : memref<!tpu.dma_semaphore, #tpu.memory_space<semaphore_mem>>)
      %dma_wait3A = arith.constant 0 : i32
      %dma_wait3A_67 = arith.constant 0 : i32
      %dma_wait3A_68 = tpu.memref_slice %arg2[%add3A, %dma_wait3A, %dma_wait3A_67] : memref<32x80x125xi32, #tpu.memory_space<hbm>> -> memref<1x80x125xi32, #tpu.memory_space<hbm>>
      %dma_wait3A_69 = tpu.memref_squeeze %dma_wait3A_68 : memref<1x80x125xi32, #tpu.memory_space<hbm>> -> memref<80x125xi32, #tpu.memory_space<hbm>>
      %dma_wait3A_70 = arith.constant 0 : i32
      %dma_wait3A_71 = arith.constant 0 : i32
      %dma_wait3A_72 = tpu.memref_slice %arg2[%add3A, %dma_wait3A_70, %dma_wait3A_71] : memref<32x80x125xi32, #tpu.memory_space<hbm>> -> memref<1x80x125xi32, #tpu.memory_space<hbm>>
      %dma_wait3A_73 = tpu.memref_squeeze %dma_wait3A_72 : memref<1x80x125xi32, #tpu.memory_space<hbm>> -> memref<80x125xi32, #tpu.memory_space<hbm>>
      tpu.wait_dma2 semaphore(%run_scoped3A : memref<!tpu.dma_semaphore, #tpu.memory_space<semaphore_mem>>) src(%dma_wait3A_73 : memref<80x125xi32, #tpu.memory_space<hbm>>) dst(%arg5 : memref<80x125xi32, #tpu.memory_space<vmem>>)
      tpu.yield
    }) : () -> ()
    %barrier3A = arith.constant 0 : index
    tpu.barrier barrier_id(%barrier3A)
    %scan3A = arith.constant 0 : i32
    %scan3A_49 = arith.constant 0 : i32
    %scan3A_50 = arith.constant 4 : i32
    %scan3A_51 = arith.addi %scan3A_49, %scan3A_50 : i32
    %scan3A_52 = arith.constant 1 : i32
    scf.for %scan3A_60 = %scan3A_49 to %scan3A_51 step %scan3A_52  : i32 {
      %mul3A_61 = arith.constant 20 : i32
      %mul3A_62 = arith.muli %scan3A_60, %mul3A_61 : i32
      %add3A_63 = arith.constant 0 : i32
      %add3A_64 = arith.addi %mul3A_62, %add3A_63 : i32
      %dma_start3A = arith.constant 0 : i32
      %dma_start3A_65 = tpu.memref_slice %arg6[%dma_start3A] : memref<128xf32, #tpu.memory_space<vmem>> -> memref<125xf32, #tpu.memory_space<vmem>>
      %dma_start3A_66 = arith.constant 0 : i32
      %dma_start3A_67 = tpu.memref_slice %arg5[%add3A_64, %dma_start3A_66] : memref<80x125xi32, #tpu.memory_space<vmem>> -> memref<1x125xi32, #tpu.memory_space<vmem>>
      %dma_start3A_68 = tpu.memref_squeeze %dma_start3A_67 : memref<1x125xi32, #tpu.memory_space<vmem>> -> memref<125xi32, #tpu.memory_space<vmem>>
      %dma_start3A_69 = arith.constant 0 : i32
      %dma_start3A_70 = tpu.memref_slice %arg7[%dma_start3A_69] : memref<10000xf32, #tpu.memory_space<vmem_shared>> -> memref<10000xf32, #tpu.memory_space<vmem_shared>>
      tpu.enqueue_indirect_dma source(%dma_start3A_65 : memref<125xf32, #tpu.memory_space<vmem>>) target(%dma_start3A_70 : memref<10000xf32, #tpu.memory_space<vmem_shared>>) offsets(%dma_start3A_68 : memref<125xi32, #tpu.memory_space<vmem>>) semaphore(%arg8 : memref<!tpu.dma_semaphore, #tpu.memory_space<semaphore_mem>>) {add = true}
      %mul3A_71 = arith.constant 20 : i32
      %mul3A_72 = arith.muli %scan3A_60, %mul3A_71 : i32
      %add3A_73 = arith.constant 1 : i32
      %add3A_74 = arith.addi %mul3A_72, %add3A_73 : i32
      %dma_start3A_75 = arith.constant 0 : i32
      %dma_start3A_76 = tpu.memref_slice %arg6[%dma_start3A_75] : memref<128xf32, #tpu.memory_space<vmem>> -> memref<125xf32, #tpu.memory_space<vmem>>
      %dma_start3A_77 = arith.constant 0 : i32
      %dma_start3A_78 = tpu.memref_slice %arg5[%add3A_74, %dma_start3A_77] : memref<80x125xi32, #tpu.memory_space<vmem>> -> memref<1x125xi32, #tpu.memory_space<vmem>>
      %dma_start3A_79 = tpu.memref_squeeze %dma_start3A_78 : memref<1x125xi32, #tpu.memory_space<vmem>> -> memref<125xi32, #tpu.memory_space<vmem>>
      %dma_start3A_80 = arith.constant 0 : i32
      %dma_start3A_81 = tpu.memref_slice %arg7[%dma_start3A_80] : memref<10000xf32, #tpu.memory_space<vmem_shared>> -> memref<10000xf32, #tpu.memory_space<vmem_shared>>
      tpu.enqueue_indirect_dma source(%dma_start3A_76 : memref<125xf32, #tpu.memory_space<vmem>>) target(%dma_start3A_81 : memref<10000xf32, #tpu.memory_space<vmem_shared>>) offsets(%dma_start3A_79 : memref<125xi32, #tpu.memory_space<vmem>>) semaphore(%arg8 : memref<!tpu.dma_semaphore, #tpu.memory_space<semaphore_mem>>) {add = true}
      %mul3A_82 = arith.constant 20 : i32
      %mul3A_83 = arith.muli %scan3A_60, %mul3A_82 : i32
      %add3A_84 = arith.constant 2 : i32
      %add3A_85 = arith.addi %mul3A_83, %add3A_84 : i32
      %dma_start3A_86 = arith.constant 0 : i32
      %dma_start3A_87 = tpu.memref_slice %arg6[%dma_start3A_86] : memref<128xf32, #tpu.memory_space<vmem>> -> memref<125xf32, #tpu.memory_space<vmem>>
      %dma_start3A_88 = arith.constant 0 : i32
      %dma_start3A_89 = tpu.memref_slice %arg5[%add3A_85, %dma_start3A_88] : memref<80x125xi32, #tpu.memory_space<vmem>> -> memref<1x125xi32, #tpu.memory_space<vmem>>
      %dma_start3A_90 = tpu.memref_squeeze %dma_start3A_89 : memref<1x125xi32, #tpu.memory_space<vmem>> -> memref<125xi32, #tpu.memory_space<vmem>>
      %dma_start3A_91 = arith.constant 0 : i32
      %dma_start3A_92 = tpu.memref_slice %arg7[%dma_start3A_91] : memref<10000xf32, #tpu.memory_space<vmem_shared>> -> memref<10000xf32, #tpu.memory_space<vmem_shared>>
      tpu.enqueue_indirect_dma source(%dma_start3A_87 : memref<125xf32, #tpu.memory_space<vmem>>) target(%dma_start3A_92 : memref<10000xf32, #tpu.memory_space<vmem_shared>>) offsets(%dma_start3A_90 : memref<125xi32, #tpu.memory_space<vmem>>) semaphore(%arg8 : memref<!tpu.dma_semaphore, #tpu.memory_space<semaphore_mem>>) {add = true}
      %mul3A_93 = arith.constant 20 : i32
      %mul3A_94 = arith.muli %scan3A_60, %mul3A_93 : i32
      %add3A_95 = arith.constant 3 : i32
      %add3A_96 = arith.addi %mul3A_94, %add3A_95 : i32
      %dma_start3A_97 = arith.constant 0 : i32
      %dma_start3A_98 = tpu.memref_slice %arg6[%dma_start3A_97] : memref<128xf32, #tpu.memory_space<vmem>> -> memref<125xf32, #tpu.memory_space<vmem>>
      %dma_start3A_99 = arith.constant 0 : i32
      %dma_start3A_100 = tpu.memref_slice %arg5[%add3A_96, %dma_start3A_99] : memref<80x125xi32, #tpu.memory_space<vmem>> -> memref<1x125xi32, #tpu.memory_space<vmem>>
      %dma_start3A_101 = tpu.memref_squeeze %dma_start3A_100 : memref<1x125xi32, #tpu.memory_space<vmem>> -> memref<125xi32, #tpu.memory_space<vmem>>
      %dma_start3A_102 = arith.constant 0 : i32
      %dma_start3A_103 = tpu.memref_slice %arg7[%dma_start3A_102] : memref<10000xf32, #tpu.memory_space<vmem_shared>> -> memref<10000xf32, #tpu.memory_space<vmem_shared>>
      tpu.enqueue_indirect_dma source(%dma_start3A_98 : memref<125xf32, #tpu.memory_space<vmem>>) target(%dma_start3A_103 : memref<10000xf32, #tpu.memory_space<vmem_shared>>) offsets(%dma_start3A_101 : memref<125xi32, #tpu.memory_space<vmem>>) semaphore(%arg8 : memref<!tpu.dma_semaphore, #tpu.memory_space<semaphore_mem>>) {add = true}
      %mul3A_104 = arith.constant 20 : i32
      %mul3A_105 = arith.muli %scan3A_60, %mul3A_104 : i32
      %add3A_106 = arith.constant 4 : i32
      %add3A_107 = arith.addi %mul3A_105, %add3A_106 : i32
      %dma_start3A_108 = arith.constant 0 : i32
      %dma_start3A_109 = tpu.memref_slice %arg6[%dma_start3A_108] : memref<128xf32, #tpu.memory_space<vmem>> -> memref<125xf32, #tpu.memory_space<vmem>>
      %dma_start3A_110 = arith.constant 0 : i32
      %dma_start3A_111 = tpu.memref_slice %arg5[%add3A_107, %dma_start3A_110] : memref<80x125xi32, #tpu.memory_space<vmem>> -> memref<1x125xi32, #tpu.memory_space<vmem>>
      %dma_start3A_112 = tpu.memref_squeeze %dma_start3A_111 : memref<1x125xi32, #tpu.memory_space<vmem>> -> memref<125xi32, #tpu.memory_space<vmem>>
      %dma_start3A_113 = arith.constant 0 : i32
      %dma_start3A_114 = tpu.memref_slice %arg7[%dma_start3A_113] : memref<10000xf32, #tpu.memory_space<vmem_shared>> -> memref<10000xf32, #tpu.memory_space<vmem_shared>>
      tpu.enqueue_indirect_dma source(%dma_start3A_109 : memref<125xf32, #tpu.memory_space<vmem>>) target(%dma_start3A_114 : memref<10000xf32, #tpu.memory_space<vmem_shared>>) offsets(%dma_start3A_112 : memref<125xi32, #tpu.memory_space<vmem>>) semaphore(%arg8 : memref<!tpu.dma_semaphore, #tpu.memory_space<semaphore_mem>>) {add = true}
      %mul3A_115 = arith.constant 20 : i32
      %mul3A_116 = arith.muli %scan3A_60, %mul3A_115 : i32
      %add3A_117 = arith.constant 5 : i32
      %add3A_118 = arith.addi %mul3A_116, %add3A_117 : i32
      %dma_start3A_119 = arith.constant 0 : i32
      %dma_start3A_120 = tpu.memref_slice %arg6[%dma_start3A_119] : memref<128xf32, #tpu.memory_space<vmem>> -> memref<125xf32, #tpu.memory_space<vmem>>
      %dma_start3A_121 = arith.constant 0 : i32
      %dma_start3A_122 = tpu.memref_slice %arg5[%add3A_118, %dma_start3A_121] : memref<80x125xi32, #tpu.memory_space<vmem>> -> memref<1x125xi32, #tpu.memory_space<vmem>>
      %dma_start3A_123 = tpu.memref_squeeze %dma_start3A_122 : memref<1x125xi32, #tpu.memory_space<vmem>> -> memref<125xi32, #tpu.memory_space<vmem>>
      %dma_start3A_124 = arith.constant 0 : i32
      %dma_start3A_125 = tpu.memref_slice %arg7[%dma_start3A_124] : memref<10000xf32, #tpu.memory_space<vmem_shared>> -> memref<10000xf32, #tpu.memory_space<vmem_shared>>
      tpu.enqueue_indirect_dma source(%dma_start3A_120 : memref<125xf32, #tpu.memory_space<vmem>>) target(%dma_start3A_125 : memref<10000xf32, #tpu.memory_space<vmem_shared>>) offsets(%dma_start3A_123 : memref<125xi32, #tpu.memory_space<vmem>>) semaphore(%arg8 : memref<!tpu.dma_semaphore, #tpu.memory_space<semaphore_mem>>) {add = true}
      %mul3A_126 = arith.constant 20 : i32
      %mul3A_127 = arith.muli %scan3A_60, %mul3A_126 : i32
      %add3A_128 = arith.constant 6 : i32
      %add3A_129 = arith.addi %mul3A_127, %add3A_128 : i32
      %dma_start3A_130 = arith.constant 0 : i32
      %dma_start3A_131 = tpu.memref_slice %arg6[%dma_start3A_130] : memref<128xf32, #tpu.memory_space<vmem>> -> memref<125xf32, #tpu.memory_space<vmem>>
      %dma_start3A_132 = arith.constant 0 : i32
      %dma_start3A_133 = tpu.memref_slice %arg5[%add3A_129, %dma_start3A_132] : memref<80x125xi32, #tpu.memory_space<vmem>> -> memref<1x125xi32, #tpu.memory_space<vmem>>
      %dma_start3A_134 = tpu.memref_squeeze %dma_start3A_133 : memref<1x125xi32, #tpu.memory_space<vmem>> -> memref<125xi32, #tpu.memory_space<vmem>>
      %dma_start3A_135 = arith.constant 0 : i32
      %dma_start3A_136 = tpu.memref_slice %arg7[%dma_start3A_135] : memref<10000xf32, #tpu.memory_space<vmem_shared>> -> memref<10000xf32, #tpu.memory_space<vmem_shared>>
      tpu.enqueue_indirect_dma source(%dma_start3A_131 : memref<125xf32, #tpu.memory_space<vmem>>) target(%dma_start3A_136 : memref<10000xf32, #tpu.memory_space<vmem_shared>>) offsets(%dma_start3A_134 : memref<125xi32, #tpu.memory_space<vmem>>) semaphore(%arg8 : memref<!tpu.dma_semaphore, #tpu.memory_space<semaphore_mem>>) {add = true}
      %mul3A_137 = arith.constant 20 : i32
      %mul3A_138 = arith.muli %scan3A_60, %mul3A_137 : i32
      %add3A_139 = arith.constant 7 : i32
      %add3A_140 = arith.addi %mul3A_138, %add3A_139 : i32
      %dma_start3A_141 = arith.constant 0 : i32
      %dma_start3A_142 = tpu.memref_slice %arg6[%dma_start3A_141] : memref<128xf32, #tpu.memory_space<vmem>> -> memref<125xf32, #tpu.memory_space<vmem>>
      %dma_start3A_143 = arith.constant 0 : i32
      %dma_start3A_144 = tpu.memref_slice %arg5[%add3A_140, %dma_start3A_143] : memref<80x125xi32, #tpu.memory_space<vmem>> -> memref<1x125xi32, #tpu.memory_space<vmem>>
      %dma_start3A_145 = tpu.memref_squeeze %dma_start3A_144 : memref<1x125xi32, #tpu.memory_space<vmem>> -> memref<125xi32, #tpu.memory_space<vmem>>
      %dma_start3A_146 = arith.constant 0 : i32
      %dma_start3A_147 = tpu.memref_slice %arg7[%dma_start3A_146] : memref<10000xf32, #tpu.memory_space<vmem_shared>> -> memref<10000xf32, #tpu.memory_space<vmem_shared>>
      tpu.enqueue_indirect_dma source(%dma_start3A_142 : memref<125xf32, #tpu.memory_space<vmem>>) target(%dma_start3A_147 : memref<10000xf32, #tpu.memory_space<vmem_shared>>) offsets(%dma_start3A_145 : memref<125xi32, #tpu.memory_space<vmem>>) semaphore(%arg8 : memref<!tpu.dma_semaphore, #tpu.memory_space<semaphore_mem>>) {add = true}
      %mul3A_148 = arith.constant 20 : i32
      %mul3A_149 = arith.muli %scan3A_60, %mul3A_148 : i32
      %add3A_150 = arith.constant 8 : i32
      %add3A_151 = arith.addi %mul3A_149, %add3A_150 : i32
      %dma_start3A_152 = arith.constant 0 : i32
      %dma_start3A_153 = tpu.memref_slice %arg6[%dma_start3A_152] : memref<128xf32, #tpu.memory_space<vmem>> -> memref<125xf32, #tpu.memory_space<vmem>>
      %dma_start3A_154 = arith.constant 0 : i32
      %dma_start3A_155 = tpu.memref_slice %arg5[%add3A_151, %dma_start3A_154] : memref<80x125xi32, #tpu.memory_space<vmem>> -> memref<1x125xi32, #tpu.memory_space<vmem>>
      %dma_start3A_156 = tpu.memref_squeeze %dma_start3A_155 : memref<1x125xi32, #tpu.memory_space<vmem>> -> memref<125xi32, #tpu.memory_space<vmem>>
      %dma_start3A_157 = arith.constant 0 : i32
      %dma_start3A_158 = tpu.memref_slice %arg7[%dma_start3A_157] : memref<10000xf32, #tpu.memory_space<vmem_shared>> -> memref<10000xf32, #tpu.memory_space<vmem_shared>>
      tpu.enqueue_indirect_dma source(%dma_start3A_153 : memref<125xf32, #tpu.memory_space<vmem>>) target(%dma_start3A_158 : memref<10000xf32, #tpu.memory_space<vmem_shared>>) offsets(%dma_start3A_156 : memref<125xi32, #tpu.memory_space<vmem>>) semaphore(%arg8 : memref<!tpu.dma_semaphore, #tpu.memory_space<semaphore_mem>>) {add = true}
      %mul3A_159 = arith.constant 20 : i32
      %mul3A_160 = arith.muli %scan3A_60, %mul3A_159 : i32
      %add3A_161 = arith.constant 9 : i32
      %add3A_162 = arith.addi %mul3A_160, %add3A_161 : i32
      %dma_start3A_163 = arith.constant 0 : i32
      %dma_start3A_164 = tpu.memref_slice %arg6[%dma_start3A_163] : memref<128xf32, #tpu.memory_space<vmem>> -> memref<125xf32, #tpu.memory_space<vmem>>
      %dma_start3A_165 = arith.constant 0 : i32
      %dma_start3A_166 = tpu.memref_slice %arg5[%add3A_162, %dma_start3A_165] : memref<80x125xi32, #tpu.memory_space<vmem>> -> memref<1x125xi32, #tpu.memory_space<vmem>>
      %dma_start3A_167 = tpu.memref_squeeze %dma_start3A_166 : memref<1x125xi32, #tpu.memory_space<vmem>> -> memref<125xi32, #tpu.memory_space<vmem>>
      %dma_start3A_168 = arith.constant 0 : i32
      %dma_start3A_169 = tpu.memref_slice %arg7[%dma_start3A_168] : memref<10000xf32, #tpu.memory_space<vmem_shared>> -> memref<10000xf32, #tpu.memory_space<vmem_shared>>
      tpu.enqueue_indirect_dma source(%dma_start3A_164 : memref<125xf32, #tpu.memory_space<vmem>>) target(%dma_start3A_169 : memref<10000xf32, #tpu.memory_space<vmem_shared>>) offsets(%dma_start3A_167 : memref<125xi32, #tpu.memory_space<vmem>>) semaphore(%arg8 : memref<!tpu.dma_semaphore, #tpu.memory_space<semaphore_mem>>) {add = true}
      %mul3A_170 = arith.constant 20 : i32
      %mul3A_171 = arith.muli %scan3A_60, %mul3A_170 : i32
      %add3A_172 = arith.constant 10 : i32
      %add3A_173 = arith.addi %mul3A_171, %add3A_172 : i32
      %dma_start3A_174 = arith.constant 0 : i32
      %dma_start3A_175 = tpu.memref_slice %arg6[%dma_start3A_174] : memref<128xf32, #tpu.memory_space<vmem>> -> memref<125xf32, #tpu.memory_space<vmem>>
      %dma_start3A_176 = arith.constant 0 : i32
      %dma_start3A_177 = tpu.memref_slice %arg5[%add3A_173, %dma_start3A_176] : memref<80x125xi32, #tpu.memory_space<vmem>> -> memref<1x125xi32, #tpu.memory_space<vmem>>
      %dma_start3A_178 = tpu.memref_squeeze %dma_start3A_177 : memref<1x125xi32, #tpu.memory_space<vmem>> -> memref<125xi32, #tpu.memory_space<vmem>>
      %dma_start3A_179 = arith.constant 0 : i32
      %dma_start3A_180 = tpu.memref_slice %arg7[%dma_start3A_179] : memref<10000xf32, #tpu.memory_space<vmem_shared>> -> memref<10000xf32, #tpu.memory_space<vmem_shared>>
      tpu.enqueue_indirect_dma source(%dma_start3A_175 : memref<125xf32, #tpu.memory_space<vmem>>) target(%dma_start3A_180 : memref<10000xf32, #tpu.memory_space<vmem_shared>>) offsets(%dma_start3A_178 : memref<125xi32, #tpu.memory_space<vmem>>) semaphore(%arg8 : memref<!tpu.dma_semaphore, #tpu.memory_space<semaphore_mem>>) {add = true}
      %mul3A_181 = arith.constant 20 : i32
      %mul3A_182 = arith.muli %scan3A_60, %mul3A_181 : i32
      %add3A_183 = arith.constant 11 : i32
      %add3A_184 = arith.addi %mul3A_182, %add3A_183 : i32
      %dma_start3A_185 = arith.constant 0 : i32
      %dma_start3A_186 = tpu.memref_slice %arg6[%dma_start3A_185] : memref<128xf32, #tpu.memory_space<vmem>> -> memref<125xf32, #tpu.memory_space<vmem>>
      %dma_start3A_187 = arith.constant 0 : i32
      %dma_start3A_188 = tpu.memref_slice %arg5[%add3A_184, %dma_start3A_187] : memref<80x125xi32, #tpu.memory_space<vmem>> -> memref<1x125xi32, #tpu.memory_space<vmem>>
      %dma_start3A_189 = tpu.memref_squeeze %dma_start3A_188 : memref<1x125xi32, #tpu.memory_space<vmem>> -> memref<125xi32, #tpu.memory_space<vmem>>
      %dma_start3A_190 = arith.constant 0 : i32
      %dma_start3A_191 = tpu.memref_slice %arg7[%dma_start3A_190] : memref<10000xf32, #tpu.memory_space<vmem_shared>> -> memref<10000xf32, #tpu.memory_space<vmem_shared>>
      tpu.enqueue_indirect_dma source(%dma_start3A_186 : memref<125xf32, #tpu.memory_space<vmem>>) target(%dma_start3A_191 : memref<10000xf32, #tpu.memory_space<vmem_shared>>) offsets(%dma_start3A_189 : memref<125xi32, #tpu.memory_space<vmem>>) semaphore(%arg8 : memref<!tpu.dma_semaphore, #tpu.memory_space<semaphore_mem>>) {add = true}
      %mul3A_192 = arith.constant 20 : i32
      %mul3A_193 = arith.muli %scan3A_60, %mul3A_192 : i32
      %add3A_194 = arith.constant 12 : i32
      %add3A_195 = arith.addi %mul3A_193, %add3A_194 : i32
      %dma_start3A_196 = arith.constant 0 : i32
      %dma_start3A_197 = tpu.memref_slice %arg6[%dma_start3A_196] : memref<128xf32, #tpu.memory_space<vmem>> -> memref<125xf32, #tpu.memory_space<vmem>>
      %dma_start3A_198 = arith.constant 0 : i32
      %dma_start3A_199 = tpu.memref_slice %arg5[%add3A_195, %dma_start3A_198] : memref<80x125xi32, #tpu.memory_space<vmem>> -> memref<1x125xi32, #tpu.memory_space<vmem>>
      %dma_start3A_200 = tpu.memref_squeeze %dma_start3A_199 : memref<1x125xi32, #tpu.memory_space<vmem>> -> memref<125xi32, #tpu.memory_space<vmem>>
      %dma_start3A_201 = arith.constant 0 : i32
      %dma_start3A_202 = tpu.memref_slice %arg7[%dma_start3A_201] : memref<10000xf32, #tpu.memory_space<vmem_shared>> -> memref<10000xf32, #tpu.memory_space<vmem_shared>>
      tpu.enqueue_indirect_dma source(%dma_start3A_197 : memref<125xf32, #tpu.memory_space<vmem>>) target(%dma_start3A_202 : memref<10000xf32, #tpu.memory_space<vmem_shared>>) offsets(%dma_start3A_200 : memref<125xi32, #tpu.memory_space<vmem>>) semaphore(%arg8 : memref<!tpu.dma_semaphore, #tpu.memory_space<semaphore_mem>>) {add = true}
      %mul3A_203 = arith.constant 20 : i32
      %mul3A_204 = arith.muli %scan3A_60, %mul3A_203 : i32
      %add3A_205 = arith.constant 13 : i32
      %add3A_206 = arith.addi %mul3A_204, %add3A_205 : i32
      %dma_start3A_207 = arith.constant 0 : i32
      %dma_start3A_208 = tpu.memref_slice %arg6[%dma_start3A_207] : memref<128xf32, #tpu.memory_space<vmem>> -> memref<125xf32, #tpu.memory_space<vmem>>
      %dma_start3A_209 = arith.constant 0 : i32
      %dma_start3A_210 = tpu.memref_slice %arg5[%add3A_206, %dma_start3A_209] : memref<80x125xi32, #tpu.memory_space<vmem>> -> memref<1x125xi32, #tpu.memory_space<vmem>>
      %dma_start3A_211 = tpu.memref_squeeze %dma_start3A_210 : memref<1x125xi32, #tpu.memory_space<vmem>> -> memref<125xi32, #tpu.memory_space<vmem>>
      %dma_start3A_212 = arith.constant 0 : i32
      %dma_start3A_213 = tpu.memref_slice %arg7[%dma_start3A_212] : memref<10000xf32, #tpu.memory_space<vmem_shared>> -> memref<10000xf32, #tpu.memory_space<vmem_shared>>
      tpu.enqueue_indirect_dma source(%dma_start3A_208 : memref<125xf32, #tpu.memory_space<vmem>>) target(%dma_start3A_213 : memref<10000xf32, #tpu.memory_space<vmem_shared>>) offsets(%dma_start3A_211 : memref<125xi32, #tpu.memory_space<vmem>>) semaphore(%arg8 : memref<!tpu.dma_semaphore, #tpu.memory_space<semaphore_mem>>) {add = true}
      %mul3A_214 = arith.constant 20 : i32
      %mul3A_215 = arith.muli %scan3A_60, %mul3A_214 : i32
      %add3A_216 = arith.constant 14 : i32
      %add3A_217 = arith.addi %mul3A_215, %add3A_216 : i32
      %dma_start3A_218 = arith.constant 0 : i32
      %dma_start3A_219 = tpu.memref_slice %arg6[%dma_start3A_218] : memref<128xf32, #tpu.memory_space<vmem>> -> memref<125xf32, #tpu.memory_space<vmem>>
      %dma_start3A_220 = arith.constant 0 : i32
      %dma_start3A_221 = tpu.memref_slice %arg5[%add3A_217, %dma_start3A_220] : memref<80x125xi32, #tpu.memory_space<vmem>> -> memref<1x125xi32, #tpu.memory_space<vmem>>
      %dma_start3A_222 = tpu.memref_squeeze %dma_start3A_221 : memref<1x125xi32, #tpu.memory_space<vmem>> -> memref<125xi32, #tpu.memory_space<vmem>>
      %dma_start3A_223 = arith.constant 0 : i32
      %dma_start3A_224 = tpu.memref_slice %arg7[%dma_start3A_223] : memref<10000xf32, #tpu.memory_space<vmem_shared>> -> memref<10000xf32, #tpu.memory_space<vmem_shared>>
      tpu.enqueue_indirect_dma source(%dma_start3A_219 : memref<125xf32, #tpu.memory_space<vmem>>) target(%dma_start3A_224 : memref<10000xf32, #tpu.memory_space<vmem_shared>>) offsets(%dma_start3A_222 : memref<125xi32, #tpu.memory_space<vmem>>) semaphore(%arg8 : memref<!tpu.dma_semaphore, #tpu.memory_space<semaphore_mem>>) {add = true}
      %mul3A_225 = arith.constant 20 : i32
      %mul3A_226 = arith.muli %scan3A_60, %mul3A_225 : i32
      %add3A_227 = arith.constant 15 : i32
      %add3A_228 = arith.addi %mul3A_226, %add3A_227 : i32
      %dma_start3A_229 = arith.constant 0 : i32
      %dma_start3A_230 = tpu.memref_slice %arg6[%dma_start3A_229] : memref<128xf32, #tpu.memory_space<vmem>> -> memref<125xf32, #tpu.memory_space<vmem>>
      %dma_start3A_231 = arith.constant 0 : i32
      %dma_start3A_232 = tpu.memref_slice %arg5[%add3A_228, %dma_start3A_231] : memref<80x125xi32, #tpu.memory_space<vmem>> -> memref<1x125xi32, #tpu.memory_space<vmem>>
      %dma_start3A_233 = tpu.memref_squeeze %dma_start3A_232 : memref<1x125xi32, #tpu.memory_space<vmem>> -> memref<125xi32, #tpu.memory_space<vmem>>
      %dma_start3A_234 = arith.constant 0 : i32
      %dma_start3A_235 = tpu.memref_slice %arg7[%dma_start3A_234] : memref<10000xf32, #tpu.memory_space<vmem_shared>> -> memref<10000xf32, #tpu.memory_space<vmem_shared>>
      tpu.enqueue_indirect_dma source(%dma_start3A_230 : memref<125xf32, #tpu.memory_space<vmem>>) target(%dma_start3A_235 : memref<10000xf32, #tpu.memory_space<vmem_shared>>) offsets(%dma_start3A_233 : memref<125xi32, #tpu.memory_space<vmem>>) semaphore(%arg8 : memref<!tpu.dma_semaphore, #tpu.memory_space<semaphore_mem>>) {add = true}
      %mul3A_236 = arith.constant 20 : i32
      %mul3A_237 = arith.muli %scan3A_60, %mul3A_236 : i32
      %add3A_238 = arith.constant 16 : i32
      %add3A_239 = arith.addi %mul3A_237, %add3A_238 : i32
      %dma_start3A_240 = arith.constant 0 : i32
      %dma_start3A_241 = tpu.memref_slice %arg6[%dma_start3A_240] : memref<128xf32, #tpu.memory_space<vmem>> -> memref<125xf32, #tpu.memory_space<vmem>>
      %dma_start3A_242 = arith.constant 0 : i32
      %dma_start3A_243 = tpu.memref_slice %arg5[%add3A_239, %dma_start3A_242] : memref<80x125xi32, #tpu.memory_space<vmem>> -> memref<1x125xi32, #tpu.memory_space<vmem>>
      %dma_start3A_244 = tpu.memref_squeeze %dma_start3A_243 : memref<1x125xi32, #tpu.memory_space<vmem>> -> memref<125xi32, #tpu.memory_space<vmem>>
      %dma_start3A_245 = arith.constant 0 : i32
      %dma_start3A_246 = tpu.memref_slice %arg7[%dma_start3A_245] : memref<10000xf32, #tpu.memory_space<vmem_shared>> -> memref<10000xf32, #tpu.memory_space<vmem_shared>>
      tpu.enqueue_indirect_dma source(%dma_start3A_241 : memref<125xf32, #tpu.memory_space<vmem>>) target(%dma_start3A_246 : memref<10000xf32, #tpu.memory_space<vmem_shared>>) offsets(%dma_start3A_244 : memref<125xi32, #tpu.memory_space<vmem>>) semaphore(%arg8 : memref<!tpu.dma_semaphore, #tpu.memory_space<semaphore_mem>>) {add = true}
      %mul3A_247 = arith.constant 20 : i32
      %mul3A_248 = arith.muli %scan3A_60, %mul3A_247 : i32
      %add3A_249 = arith.constant 17 : i32
      %add3A_250 = arith.addi %mul3A_248, %add3A_249 : i32
      %dma_start3A_251 = arith.constant 0 : i32
      %dma_start3A_252 = tpu.memref_slice %arg6[%dma_start3A_251] : memref<128xf32, #tpu.memory_space<vmem>> -> memref<125xf32, #tpu.memory_space<vmem>>
      %dma_start3A_253 = arith.constant 0 : i32
      %dma_start3A_254 = tpu.memref_slice %arg5[%add3A_250, %dma_start3A_253] : memref<80x125xi32, #tpu.memory_space<vmem>> -> memref<1x125xi32, #tpu.memory_space<vmem>>
      %dma_start3A_255 = tpu.memref_squeeze %dma_start3A_254 : memref<1x125xi32, #tpu.memory_space<vmem>> -> memref<125xi32, #tpu.memory_space<vmem>>
      %dma_start3A_256 = arith.constant 0 : i32
      %dma_start3A_257 = tpu.memref_slice %arg7[%dma_start3A_256] : memref<10000xf32, #tpu.memory_space<vmem_shared>> -> memref<10000xf32, #tpu.memory_space<vmem_shared>>
      tpu.enqueue_indirect_dma source(%dma_start3A_252 : memref<125xf32, #tpu.memory_space<vmem>>) target(%dma_start3A_257 : memref<10000xf32, #tpu.memory_space<vmem_shared>>) offsets(%dma_start3A_255 : memref<125xi32, #tpu.memory_space<vmem>>) semaphore(%arg8 : memref<!tpu.dma_semaphore, #tpu.memory_space<semaphore_mem>>) {add = true}
      %mul3A_258 = arith.constant 20 : i32
      %mul3A_259 = arith.muli %scan3A_60, %mul3A_258 : i32
      %add3A_260 = arith.constant 18 : i32
      %add3A_261 = arith.addi %mul3A_259, %add3A_260 : i32
      %dma_start3A_262 = arith.constant 0 : i32
      %dma_start3A_263 = tpu.memref_slice %arg6[%dma_start3A_262] : memref<128xf32, #tpu.memory_space<vmem>> -> memref<125xf32, #tpu.memory_space<vmem>>
      %dma_start3A_264 = arith.constant 0 : i32
      %dma_start3A_265 = tpu.memref_slice %arg5[%add3A_261, %dma_start3A_264] : memref<80x125xi32, #tpu.memory_space<vmem>> -> memref<1x125xi32, #tpu.memory_space<vmem>>
      %dma_start3A_266 = tpu.memref_squeeze %dma_start3A_265 : memref<1x125xi32, #tpu.memory_space<vmem>> -> memref<125xi32, #tpu.memory_space<vmem>>
      %dma_start3A_267 = arith.constant 0 : i32
      %dma_start3A_268 = tpu.memref_slice %arg7[%dma_start3A_267] : memref<10000xf32, #tpu.memory_space<vmem_shared>> -> memref<10000xf32, #tpu.memory_space<vmem_shared>>
      tpu.enqueue_indirect_dma source(%dma_start3A_263 : memref<125xf32, #tpu.memory_space<vmem>>) target(%dma_start3A_268 : memref<10000xf32, #tpu.memory_space<vmem_shared>>) offsets(%dma_start3A_266 : memref<125xi32, #tpu.memory_space<vmem>>) semaphore(%arg8 : memref<!tpu.dma_semaphore, #tpu.memory_space<semaphore_mem>>) {add = true}
      %mul3A_269 = arith.constant 20 : i32
      %mul3A_270 = arith.muli %scan3A_60, %mul3A_269 : i32
      %add3A_271 = arith.constant 19 : i32
      %add3A_272 = arith.addi %mul3A_270, %add3A_271 : i32
      %dma_start3A_273 = arith.constant 0 : i32
      %dma_start3A_274 = tpu.memref_slice %arg6[%dma_start3A_273] : memref<128xf32, #tpu.memory_space<vmem>> -> memref<125xf32, #tpu.memory_space<vmem>>
      %dma_start3A_275 = arith.constant 0 : i32
      %dma_start3A_276 = tpu.memref_slice %arg5[%add3A_272, %dma_start3A_275] : memref<80x125xi32, #tpu.memory_space<vmem>> -> memref<1x125xi32, #tpu.memory_space<vmem>>
      %dma_start3A_277 = tpu.memref_squeeze %dma_start3A_276 : memref<1x125xi32, #tpu.memory_space<vmem>> -> memref<125xi32, #tpu.memory_space<vmem>>
      %dma_start3A_278 = arith.constant 0 : i32
      %dma_start3A_279 = tpu.memref_slice %arg7[%dma_start3A_278] : memref<10000xf32, #tpu.memory_space<vmem_shared>> -> memref<10000xf32, #tpu.memory_space<vmem_shared>>
      tpu.enqueue_indirect_dma source(%dma_start3A_274 : memref<125xf32, #tpu.memory_space<vmem>>) target(%dma_start3A_279 : memref<10000xf32, #tpu.memory_space<vmem_shared>>) offsets(%dma_start3A_277 : memref<125xi32, #tpu.memory_space<vmem>>) semaphore(%arg8 : memref<!tpu.dma_semaphore, #tpu.memory_space<semaphore_mem>>) {add = true}
      %mul3A_280 = arith.constant 20 : i32
      %mul3A_281 = arith.muli %scan3A_60, %mul3A_280 : i32
      %add3A_282 = arith.constant 0 : i32
      %add3A_283 = arith.addi %mul3A_281, %add3A_282 : i32
      %dma_wait3A = arith.constant 0 : i32
      %dma_wait3A_284 = tpu.memref_slice %arg6[%dma_wait3A] : memref<128xf32, #tpu.memory_space<vmem>> -> memref<125xf32, #tpu.memory_space<vmem>>
      %dma_wait3A_285 = arith.constant 0 : i32
      %dma_wait3A_286 = tpu.memref_slice %arg5[%add3A_283, %dma_wait3A_285] : memref<80x125xi32, #tpu.memory_space<vmem>> -> memref<1x125xi32, #tpu.memory_space<vmem>>
      %dma_wait3A_287 = tpu.memref_squeeze %dma_wait3A_286 : memref<1x125xi32, #tpu.memory_space<vmem>> -> memref<125xi32, #tpu.memory_space<vmem>>
      %dma_wait3A_288 = arith.constant 0 : i32
      %dma_wait3A_289 = tpu.memref_slice %arg7[%dma_wait3A_288] : memref<10000xf32, #tpu.memory_space<vmem_shared>> -> memref<10000xf32, #tpu.memory_space<vmem_shared>>
      tpu.wait_indirect_dma semaphore(%arg8 : memref<!tpu.dma_semaphore, #tpu.memory_space<semaphore_mem>>) src(%dma_wait3A_284 : memref<125xf32, #tpu.memory_space<vmem>>) dst(%dma_wait3A_289 : memref<10000xf32, #tpu.memory_space<vmem_shared>>)
      %mul3A_290 = arith.constant 20 : i32
      %mul3A_291 = arith.muli %scan3A_60, %mul3A_290 : i32
      %add3A_292 = arith.constant 1 : i32
      %add3A_293 = arith.addi %mul3A_291, %add3A_292 : i32
      %dma_wait3A_294 = arith.constant 0 : i32
      %dma_wait3A_295 = tpu.memref_slice %arg6[%dma_wait3A_294] : memref<128xf32, #tpu.memory_space<vmem>> -> memref<125xf32, #tpu.memory_space<vmem>>
      %dma_wait3A_296 = arith.constant 0 : i32
      %dma_wait3A_297 = tpu.memref_slice %arg5[%add3A_293, %dma_wait3A_296] : memref<80x125xi32, #tpu.memory_space<vmem>> -> memref<1x125xi32, #tpu.memory_space<vmem>>
      %dma_wait3A_298 = tpu.memref_squeeze %dma_wait3A_297 : memref<1x125xi32, #tpu.memory_space<vmem>> -> memref<125xi32, #tpu.memory_space<vmem>>
      %dma_wait3A_299 = arith.constant 0 : i32
      %dma_wait3A_300 = tpu.memref_slice %arg7[%dma_wait3A_299] : memref<10000xf32, #tpu.memory_space<vmem_shared>> -> memref<10000xf32, #tpu.memory_space<vmem_shared>>
      tpu.wait_indirect_dma semaphore(%arg8 : memref<!tpu.dma_semaphore, #tpu.memory_space<semaphore_mem>>) src(%dma_wait3A_295 : memref<125xf32, #tpu.memory_space<vmem>>) dst(%dma_wait3A_300 : memref<10000xf32, #tpu.memory_space<vmem_shared>>)
      %mul3A_301 = arith.constant 20 : i32
      %mul3A_302 = arith.muli %scan3A_60, %mul3A_301 : i32
      %add3A_303 = arith.constant 2 : i32
      %add3A_304 = arith.addi %mul3A_302, %add3A_303 : i32
      %dma_wait3A_305 = arith.constant 0 : i32
      %dma_wait3A_306 = tpu.memref_slice %arg6[%dma_wait3A_305] : memref<128xf32, #tpu.memory_space<vmem>> -> memref<125xf32, #tpu.memory_space<vmem>>
      %dma_wait3A_307 = arith.constant 0 : i32
      %dma_wait3A_308 = tpu.memref_slice %arg5[%add3A_304, %dma_wait3A_307] : memref<80x125xi32, #tpu.memory_space<vmem>> -> memref<1x125xi32, #tpu.memory_space<vmem>>
      %dma_wait3A_309 = tpu.memref_squeeze %dma_wait3A_308 : memref<1x125xi32, #tpu.memory_space<vmem>> -> memref<125xi32, #tpu.memory_space<vmem>>
      %dma_wait3A_310 = arith.constant 0 : i32
      %dma_wait3A_311 = tpu.memref_slice %arg7[%dma_wait3A_310] : memref<10000xf32, #tpu.memory_space<vmem_shared>> -> memref<10000xf32, #tpu.memory_space<vmem_shared>>
      tpu.wait_indirect_dma semaphore(%arg8 : memref<!tpu.dma_semaphore, #tpu.memory_space<semaphore_mem>>) src(%dma_wait3A_306 : memref<125xf32, #tpu.memory_space<vmem>>) dst(%dma_wait3A_311 : memref<10000xf32, #tpu.memory_space<vmem_shared>>)
      %mul3A_312 = arith.constant 20 : i32
      %mul3A_313 = arith.muli %scan3A_60, %mul3A_312 : i32
      %add3A_314 = arith.constant 3 : i32
      %add3A_315 = arith.addi %mul3A_313, %add3A_314 : i32
      %dma_wait3A_316 = arith.constant 0 : i32
      %dma_wait3A_317 = tpu.memref_slice %arg6[%dma_wait3A_316] : memref<128xf32, #tpu.memory_space<vmem>> -> memref<125xf32, #tpu.memory_space<vmem>>
      %dma_wait3A_318 = arith.constant 0 : i32
      %dma_wait3A_319 = tpu.memref_slice %arg5[%add3A_315, %dma_wait3A_318] : memref<80x125xi32, #tpu.memory_space<vmem>> -> memref<1x125xi32, #tpu.memory_space<vmem>>
      %dma_wait3A_320 = tpu.memref_squeeze %dma_wait3A_319 : memref<1x125xi32, #tpu.memory_space<vmem>> -> memref<125xi32, #tpu.memory_space<vmem>>
      %dma_wait3A_321 = arith.constant 0 : i32
      %dma_wait3A_322 = tpu.memref_slice %arg7[%dma_wait3A_321] : memref<10000xf32, #tpu.memory_space<vmem_shared>> -> memref<10000xf32, #tpu.memory_space<vmem_shared>>
      tpu.wait_indirect_dma semaphore(%arg8 : memref<!tpu.dma_semaphore, #tpu.memory_space<semaphore_mem>>) src(%dma_wait3A_317 : memref<125xf32, #tpu.memory_space<vmem>>) dst(%dma_wait3A_322 : memref<10000xf32, #tpu.memory_space<vmem_shared>>)
      %mul3A_323 = arith.constant 20 : i32
      %mul3A_324 = arith.muli %scan3A_60, %mul3A_323 : i32
      %add3A_325 = arith.constant 4 : i32
      %add3A_326 = arith.addi %mul3A_324, %add3A_325 : i32
      %dma_wait3A_327 = arith.constant 0 : i32
      %dma_wait3A_328 = tpu.memref_slice %arg6[%dma_wait3A_327] : memref<128xf32, #tpu.memory_space<vmem>> -> memref<125xf32, #tpu.memory_space<vmem>>
      %dma_wait3A_329 = arith.constant 0 : i32
      %dma_wait3A_330 = tpu.memref_slice %arg5[%add3A_326, %dma_wait3A_329] : memref<80x125xi32, #tpu.memory_space<vmem>> -> memref<1x125xi32, #tpu.memory_space<vmem>>
      %dma_wait3A_331 = tpu.memref_squeeze %dma_wait3A_330 : memref<1x125xi32, #tpu.memory_space<vmem>> -> memref<125xi32, #tpu.memory_space<vmem>>
      %dma_wait3A_332 = arith.constant 0 : i32
      %dma_wait3A_333 = tpu.memref_slice %arg7[%dma_wait3A_332] : memref<10000xf32, #tpu.memory_space<vmem_shared>> -> memref<10000xf32, #tpu.memory_space<vmem_shared>>
      tpu.wait_indirect_dma semaphore(%arg8 : memref<!tpu.dma_semaphore, #tpu.memory_space<semaphore_mem>>) src(%dma_wait3A_328 : memref<125xf32, #tpu.memory_space<vmem>>) dst(%dma_wait3A_333 : memref<10000xf32, #tpu.memory_space<vmem_shared>>)
      %mul3A_334 = arith.constant 20 : i32
      %mul3A_335 = arith.muli %scan3A_60, %mul3A_334 : i32
      %add3A_336 = arith.constant 5 : i32
      %add3A_337 = arith.addi %mul3A_335, %add3A_336 : i32
      %dma_wait3A_338 = arith.constant 0 : i32
      %dma_wait3A_339 = tpu.memref_slice %arg6[%dma_wait3A_338] : memref<128xf32, #tpu.memory_space<vmem>> -> memref<125xf32, #tpu.memory_space<vmem>>
      %dma_wait3A_340 = arith.constant 0 : i32
      %dma_wait3A_341 = tpu.memref_slice %arg5[%add3A_337, %dma_wait3A_340] : memref<80x125xi32, #tpu.memory_space<vmem>> -> memref<1x125xi32, #tpu.memory_space<vmem>>
      %dma_wait3A_342 = tpu.memref_squeeze %dma_wait3A_341 : memref<1x125xi32, #tpu.memory_space<vmem>> -> memref<125xi32, #tpu.memory_space<vmem>>
      %dma_wait3A_343 = arith.constant 0 : i32
      %dma_wait3A_344 = tpu.memref_slice %arg7[%dma_wait3A_343] : memref<10000xf32, #tpu.memory_space<vmem_shared>> -> memref<10000xf32, #tpu.memory_space<vmem_shared>>
      tpu.wait_indirect_dma semaphore(%arg8 : memref<!tpu.dma_semaphore, #tpu.memory_space<semaphore_mem>>) src(%dma_wait3A_339 : memref<125xf32, #tpu.memory_space<vmem>>) dst(%dma_wait3A_344 : memref<10000xf32, #tpu.memory_space<vmem_shared>>)
      %mul3A_345 = arith.constant 20 : i32
      %mul3A_346 = arith.muli %scan3A_60, %mul3A_345 : i32
      %add3A_347 = arith.constant 6 : i32
      %add3A_348 = arith.addi %mul3A_346, %add3A_347 : i32
      %dma_wait3A_349 = arith.constant 0 : i32
      %dma_wait3A_350 = tpu.memref_slice %arg6[%dma_wait3A_349] : memref<128xf32, #tpu.memory_space<vmem>> -> memref<125xf32, #tpu.memory_space<vmem>>
      %dma_wait3A_351 = arith.constant 0 : i32
      %dma_wait3A_352 = tpu.memref_slice %arg5[%add3A_348, %dma_wait3A_351] : memref<80x125xi32, #tpu.memory_space<vmem>> -> memref<1x125xi32, #tpu.memory_space<vmem>>
      %dma_wait3A_353 = tpu.memref_squeeze %dma_wait3A_352 : memref<1x125xi32, #tpu.memory_space<vmem>> -> memref<125xi32, #tpu.memory_space<vmem>>
      %dma_wait3A_354 = arith.constant 0 : i32
      %dma_wait3A_355 = tpu.memref_slice %arg7[%dma_wait3A_354] : memref<10000xf32, #tpu.memory_space<vmem_shared>> -> memref<10000xf32, #tpu.memory_space<vmem_shared>>
      tpu.wait_indirect_dma semaphore(%arg8 : memref<!tpu.dma_semaphore, #tpu.memory_space<semaphore_mem>>) src(%dma_wait3A_350 : memref<125xf32, #tpu.memory_space<vmem>>) dst(%dma_wait3A_355 : memref<10000xf32, #tpu.memory_space<vmem_shared>>)
      %mul3A_356 = arith.constant 20 : i32
      %mul3A_357 = arith.muli %scan3A_60, %mul3A_356 : i32
      %add3A_358 = arith.constant 7 : i32
      %add3A_359 = arith.addi %mul3A_357, %add3A_358 : i32
      %dma_wait3A_360 = arith.constant 0 : i32
      %dma_wait3A_361 = tpu.memref_slice %arg6[%dma_wait3A_360] : memref<128xf32, #tpu.memory_space<vmem>> -> memref<125xf32, #tpu.memory_space<vmem>>
      %dma_wait3A_362 = arith.constant 0 : i32
      %dma_wait3A_363 = tpu.memref_slice %arg5[%add3A_359, %dma_wait3A_362] : memref<80x125xi32, #tpu.memory_space<vmem>> -> memref<1x125xi32, #tpu.memory_space<vmem>>
      %dma_wait3A_364 = tpu.memref_squeeze %dma_wait3A_363 : memref<1x125xi32, #tpu.memory_space<vmem>> -> memref<125xi32, #tpu.memory_space<vmem>>
      %dma_wait3A_365 = arith.constant 0 : i32
      %dma_wait3A_366 = tpu.memref_slice %arg7[%dma_wait3A_365] : memref<10000xf32, #tpu.memory_space<vmem_shared>> -> memref<10000xf32, #tpu.memory_space<vmem_shared>>
      tpu.wait_indirect_dma semaphore(%arg8 : memref<!tpu.dma_semaphore, #tpu.memory_space<semaphore_mem>>) src(%dma_wait3A_361 : memref<125xf32, #tpu.memory_space<vmem>>) dst(%dma_wait3A_366 : memref<10000xf32, #tpu.memory_space<vmem_shared>>)
      %mul3A_367 = arith.constant 20 : i32
      %mul3A_368 = arith.muli %scan3A_60, %mul3A_367 : i32
      %add3A_369 = arith.constant 8 : i32
      %add3A_370 = arith.addi %mul3A_368, %add3A_369 : i32
      %dma_wait3A_371 = arith.constant 0 : i32
      %dma_wait3A_372 = tpu.memref_slice %arg6[%dma_wait3A_371] : memref<128xf32, #tpu.memory_space<vmem>> -> memref<125xf32, #tpu.memory_space<vmem>>
      %dma_wait3A_373 = arith.constant 0 : i32
      %dma_wait3A_374 = tpu.memref_slice %arg5[%add3A_370, %dma_wait3A_373] : memref<80x125xi32, #tpu.memory_space<vmem>> -> memref<1x125xi32, #tpu.memory_space<vmem>>
      %dma_wait3A_375 = tpu.memref_squeeze %dma_wait3A_374 : memref<1x125xi32, #tpu.memory_space<vmem>> -> memref<125xi32, #tpu.memory_space<vmem>>
      %dma_wait3A_376 = arith.constant 0 : i32
      %dma_wait3A_377 = tpu.memref_slice %arg7[%dma_wait3A_376] : memref<10000xf32, #tpu.memory_space<vmem_shared>> -> memref<10000xf32, #tpu.memory_space<vmem_shared>>
      tpu.wait_indirect_dma semaphore(%arg8 : memref<!tpu.dma_semaphore, #tpu.memory_space<semaphore_mem>>) src(%dma_wait3A_372 : memref<125xf32, #tpu.memory_space<vmem>>) dst(%dma_wait3A_377 : memref<10000xf32, #tpu.memory_space<vmem_shared>>)
      %mul3A_378 = arith.constant 20 : i32
      %mul3A_379 = arith.muli %scan3A_60, %mul3A_378 : i32
      %add3A_380 = arith.constant 9 : i32
      %add3A_381 = arith.addi %mul3A_379, %add3A_380 : i32
      %dma_wait3A_382 = arith.constant 0 : i32
      %dma_wait3A_383 = tpu.memref_slice %arg6[%dma_wait3A_382] : memref<128xf32, #tpu.memory_space<vmem>> -> memref<125xf32, #tpu.memory_space<vmem>>
      %dma_wait3A_384 = arith.constant 0 : i32
      %dma_wait3A_385 = tpu.memref_slice %arg5[%add3A_381, %dma_wait3A_384] : memref<80x125xi32, #tpu.memory_space<vmem>> -> memref<1x125xi32, #tpu.memory_space<vmem>>
      %dma_wait3A_386 = tpu.memref_squeeze %dma_wait3A_385 : memref<1x125xi32, #tpu.memory_space<vmem>> -> memref<125xi32, #tpu.memory_space<vmem>>
      %dma_wait3A_387 = arith.constant 0 : i32
      %dma_wait3A_388 = tpu.memref_slice %arg7[%dma_wait3A_387] : memref<10000xf32, #tpu.memory_space<vmem_shared>> -> memref<10000xf32, #tpu.memory_space<vmem_shared>>
      tpu.wait_indirect_dma semaphore(%arg8 : memref<!tpu.dma_semaphore, #tpu.memory_space<semaphore_mem>>) src(%dma_wait3A_383 : memref<125xf32, #tpu.memory_space<vmem>>) dst(%dma_wait3A_388 : memref<10000xf32, #tpu.memory_space<vmem_shared>>)
      %mul3A_389 = arith.constant 20 : i32
      %mul3A_390 = arith.muli %scan3A_60, %mul3A_389 : i32
      %add3A_391 = arith.constant 10 : i32
      %add3A_392 = arith.addi %mul3A_390, %add3A_391 : i32
      %dma_wait3A_393 = arith.constant 0 : i32
      %dma_wait3A_394 = tpu.memref_slice %arg6[%dma_wait3A_393] : memref<128xf32, #tpu.memory_space<vmem>> -> memref<125xf32, #tpu.memory_space<vmem>>
      %dma_wait3A_395 = arith.constant 0 : i32
      %dma_wait3A_396 = tpu.memref_slice %arg5[%add3A_392, %dma_wait3A_395] : memref<80x125xi32, #tpu.memory_space<vmem>> -> memref<1x125xi32, #tpu.memory_space<vmem>>
      %dma_wait3A_397 = tpu.memref_squeeze %dma_wait3A_396 : memref<1x125xi32, #tpu.memory_space<vmem>> -> memref<125xi32, #tpu.memory_space<vmem>>
      %dma_wait3A_398 = arith.constant 0 : i32
      %dma_wait3A_399 = tpu.memref_slice %arg7[%dma_wait3A_398] : memref<10000xf32, #tpu.memory_space<vmem_shared>> -> memref<10000xf32, #tpu.memory_space<vmem_shared>>
      tpu.wait_indirect_dma semaphore(%arg8 : memref<!tpu.dma_semaphore, #tpu.memory_space<semaphore_mem>>) src(%dma_wait3A_394 : memref<125xf32, #tpu.memory_space<vmem>>) dst(%dma_wait3A_399 : memref<10000xf32, #tpu.memory_space<vmem_shared>>)
      %mul3A_400 = arith.constant 20 : i32
      %mul3A_401 = arith.muli %scan3A_60, %mul3A_400 : i32
      %add3A_402 = arith.constant 11 : i32
      %add3A_403 = arith.addi %mul3A_401, %add3A_402 : i32
      %dma_wait3A_404 = arith.constant 0 : i32
      %dma_wait3A_405 = tpu.memref_slice %arg6[%dma_wait3A_404] : memref<128xf32, #tpu.memory_space<vmem>> -> memref<125xf32, #tpu.memory_space<vmem>>
      %dma_wait3A_406 = arith.constant 0 : i32
      %dma_wait3A_407 = tpu.memref_slice %arg5[%add3A_403, %dma_wait3A_406] : memref<80x125xi32, #tpu.memory_space<vmem>> -> memref<1x125xi32, #tpu.memory_space<vmem>>
      %dma_wait3A_408 = tpu.memref_squeeze %dma_wait3A_407 : memref<1x125xi32, #tpu.memory_space<vmem>> -> memref<125xi32, #tpu.memory_space<vmem>>
      %dma_wait3A_409 = arith.constant 0 : i32
      %dma_wait3A_410 = tpu.memref_slice %arg7[%dma_wait3A_409] : memref<10000xf32, #tpu.memory_space<vmem_shared>> -> memref<10000xf32, #tpu.memory_space<vmem_shared>>
      tpu.wait_indirect_dma semaphore(%arg8 : memref<!tpu.dma_semaphore, #tpu.memory_space<semaphore_mem>>) src(%dma_wait3A_405 : memref<125xf32, #tpu.memory_space<vmem>>) dst(%dma_wait3A_410 : memref<10000xf32, #tpu.memory_space<vmem_shared>>)
      %mul3A_411 = arith.constant 20 : i32
      %mul3A_412 = arith.muli %scan3A_60, %mul3A_411 : i32
      %add3A_413 = arith.constant 12 : i32
      %add3A_414 = arith.addi %mul3A_412, %add3A_413 : i32
      %dma_wait3A_415 = arith.constant 0 : i32
      %dma_wait3A_416 = tpu.memref_slice %arg6[%dma_wait3A_415] : memref<128xf32, #tpu.memory_space<vmem>> -> memref<125xf32, #tpu.memory_space<vmem>>
      %dma_wait3A_417 = arith.constant 0 : i32
      %dma_wait3A_418 = tpu.memref_slice %arg5[%add3A_414, %dma_wait3A_417] : memref<80x125xi32, #tpu.memory_space<vmem>> -> memref<1x125xi32, #tpu.memory_space<vmem>>
      %dma_wait3A_419 = tpu.memref_squeeze %dma_wait3A_418 : memref<1x125xi32, #tpu.memory_space<vmem>> -> memref<125xi32, #tpu.memory_space<vmem>>
      %dma_wait3A_420 = arith.constant 0 : i32
      %dma_wait3A_421 = tpu.memref_slice %arg7[%dma_wait3A_420] : memref<10000xf32, #tpu.memory_space<vmem_shared>> -> memref<10000xf32, #tpu.memory_space<vmem_shared>>
      tpu.wait_indirect_dma semaphore(%arg8 : memref<!tpu.dma_semaphore, #tpu.memory_space<semaphore_mem>>) src(%dma_wait3A_416 : memref<125xf32, #tpu.memory_space<vmem>>) dst(%dma_wait3A_421 : memref<10000xf32, #tpu.memory_space<vmem_shared>>)
      %mul3A_422 = arith.constant 20 : i32
      %mul3A_423 = arith.muli %scan3A_60, %mul3A_422 : i32
      %add3A_424 = arith.constant 13 : i32
      %add3A_425 = arith.addi %mul3A_423, %add3A_424 : i32
      %dma_wait3A_426 = arith.constant 0 : i32
      %dma_wait3A_427 = tpu.memref_slice %arg6[%dma_wait3A_426] : memref<128xf32, #tpu.memory_space<vmem>> -> memref<125xf32, #tpu.memory_space<vmem>>
      %dma_wait3A_428 = arith.constant 0 : i32
      %dma_wait3A_429 = tpu.memref_slice %arg5[%add3A_425, %dma_wait3A_428] : memref<80x125xi32, #tpu.memory_space<vmem>> -> memref<1x125xi32, #tpu.memory_space<vmem>>
      %dma_wait3A_430 = tpu.memref_squeeze %dma_wait3A_429 : memref<1x125xi32, #tpu.memory_space<vmem>> -> memref<125xi32, #tpu.memory_space<vmem>>
      %dma_wait3A_431 = arith.constant 0 : i32
      %dma_wait3A_432 = tpu.memref_slice %arg7[%dma_wait3A_431] : memref<10000xf32, #tpu.memory_space<vmem_shared>> -> memref<10000xf32, #tpu.memory_space<vmem_shared>>
      tpu.wait_indirect_dma semaphore(%arg8 : memref<!tpu.dma_semaphore, #tpu.memory_space<semaphore_mem>>) src(%dma_wait3A_427 : memref<125xf32, #tpu.memory_space<vmem>>) dst(%dma_wait3A_432 : memref<10000xf32, #tpu.memory_space<vmem_shared>>)
      %mul3A_433 = arith.constant 20 : i32
      %mul3A_434 = arith.muli %scan3A_60, %mul3A_433 : i32
      %add3A_435 = arith.constant 14 : i32
      %add3A_436 = arith.addi %mul3A_434, %add3A_435 : i32
      %dma_wait3A_437 = arith.constant 0 : i32
      %dma_wait3A_438 = tpu.memref_slice %arg6[%dma_wait3A_437] : memref<128xf32, #tpu.memory_space<vmem>> -> memref<125xf32, #tpu.memory_space<vmem>>
      %dma_wait3A_439 = arith.constant 0 : i32
      %dma_wait3A_440 = tpu.memref_slice %arg5[%add3A_436, %dma_wait3A_439] : memref<80x125xi32, #tpu.memory_space<vmem>> -> memref<1x125xi32, #tpu.memory_space<vmem>>
      %dma_wait3A_441 = tpu.memref_squeeze %dma_wait3A_440 : memref<1x125xi32, #tpu.memory_space<vmem>> -> memref<125xi32, #tpu.memory_space<vmem>>
      %dma_wait3A_442 = arith.constant 0 : i32
      %dma_wait3A_443 = tpu.memref_slice %arg7[%dma_wait3A_442] : memref<10000xf32, #tpu.memory_space<vmem_shared>> -> memref<10000xf32, #tpu.memory_space<vmem_shared>>
      tpu.wait_indirect_dma semaphore(%arg8 : memref<!tpu.dma_semaphore, #tpu.memory_space<semaphore_mem>>) src(%dma_wait3A_438 : memref<125xf32, #tpu.memory_space<vmem>>) dst(%dma_wait3A_443 : memref<10000xf32, #tpu.memory_space<vmem_shared>>)
      %mul3A_444 = arith.constant 20 : i32
      %mul3A_445 = arith.muli %scan3A_60, %mul3A_444 : i32
      %add3A_446 = arith.constant 15 : i32
      %add3A_447 = arith.addi %mul3A_445, %add3A_446 : i32
      %dma_wait3A_448 = arith.constant 0 : i32
      %dma_wait3A_449 = tpu.memref_slice %arg6[%dma_wait3A_448] : memref<128xf32, #tpu.memory_space<vmem>> -> memref<125xf32, #tpu.memory_space<vmem>>
      %dma_wait3A_450 = arith.constant 0 : i32
      %dma_wait3A_451 = tpu.memref_slice %arg5[%add3A_447, %dma_wait3A_450] : memref<80x125xi32, #tpu.memory_space<vmem>> -> memref<1x125xi32, #tpu.memory_space<vmem>>
      %dma_wait3A_452 = tpu.memref_squeeze %dma_wait3A_451 : memref<1x125xi32, #tpu.memory_space<vmem>> -> memref<125xi32, #tpu.memory_space<vmem>>
      %dma_wait3A_453 = arith.constant 0 : i32
      %dma_wait3A_454 = tpu.memref_slice %arg7[%dma_wait3A_453] : memref<10000xf32, #tpu.memory_space<vmem_shared>> -> memref<10000xf32, #tpu.memory_space<vmem_shared>>
      tpu.wait_indirect_dma semaphore(%arg8 : memref<!tpu.dma_semaphore, #tpu.memory_space<semaphore_mem>>) src(%dma_wait3A_449 : memref<125xf32, #tpu.memory_space<vmem>>) dst(%dma_wait3A_454 : memref<10000xf32, #tpu.memory_space<vmem_shared>>)
      %mul3A_455 = arith.constant 20 : i32
      %mul3A_456 = arith.muli %scan3A_60, %mul3A_455 : i32
      %add3A_457 = arith.constant 16 : i32
      %add3A_458 = arith.addi %mul3A_456, %add3A_457 : i32
      %dma_wait3A_459 = arith.constant 0 : i32
      %dma_wait3A_460 = tpu.memref_slice %arg6[%dma_wait3A_459] : memref<128xf32, #tpu.memory_space<vmem>> -> memref<125xf32, #tpu.memory_space<vmem>>
      %dma_wait3A_461 = arith.constant 0 : i32
      %dma_wait3A_462 = tpu.memref_slice %arg5[%add3A_458, %dma_wait3A_461] : memref<80x125xi32, #tpu.memory_space<vmem>> -> memref<1x125xi32, #tpu.memory_space<vmem>>
      %dma_wait3A_463 = tpu.memref_squeeze %dma_wait3A_462 : memref<1x125xi32, #tpu.memory_space<vmem>> -> memref<125xi32, #tpu.memory_space<vmem>>
      %dma_wait3A_464 = arith.constant 0 : i32
      %dma_wait3A_465 = tpu.memref_slice %arg7[%dma_wait3A_464] : memref<10000xf32, #tpu.memory_space<vmem_shared>> -> memref<10000xf32, #tpu.memory_space<vmem_shared>>
      tpu.wait_indirect_dma semaphore(%arg8 : memref<!tpu.dma_semaphore, #tpu.memory_space<semaphore_mem>>) src(%dma_wait3A_460 : memref<125xf32, #tpu.memory_space<vmem>>) dst(%dma_wait3A_465 : memref<10000xf32, #tpu.memory_space<vmem_shared>>)
      %mul3A_466 = arith.constant 20 : i32
      %mul3A_467 = arith.muli %scan3A_60, %mul3A_466 : i32
      %add3A_468 = arith.constant 17 : i32
      %add3A_469 = arith.addi %mul3A_467, %add3A_468 : i32
      %dma_wait3A_470 = arith.constant 0 : i32
      %dma_wait3A_471 = tpu.memref_slice %arg6[%dma_wait3A_470] : memref<128xf32, #tpu.memory_space<vmem>> -> memref<125xf32, #tpu.memory_space<vmem>>
      %dma_wait3A_472 = arith.constant 0 : i32
      %dma_wait3A_473 = tpu.memref_slice %arg5[%add3A_469, %dma_wait3A_472] : memref<80x125xi32, #tpu.memory_space<vmem>> -> memref<1x125xi32, #tpu.memory_space<vmem>>
      %dma_wait3A_474 = tpu.memref_squeeze %dma_wait3A_473 : memref<1x125xi32, #tpu.memory_space<vmem>> -> memref<125xi32, #tpu.memory_space<vmem>>
      %dma_wait3A_475 = arith.constant 0 : i32
      %dma_wait3A_476 = tpu.memref_slice %arg7[%dma_wait3A_475] : memref<10000xf32, #tpu.memory_space<vmem_shared>> -> memref<10000xf32, #tpu.memory_space<vmem_shared>>
      tpu.wait_indirect_dma semaphore(%arg8 : memref<!tpu.dma_semaphore, #tpu.memory_space<semaphore_mem>>) src(%dma_wait3A_471 : memref<125xf32, #tpu.memory_space<vmem>>) dst(%dma_wait3A_476 : memref<10000xf32, #tpu.memory_space<vmem_shared>>)
      %mul3A_477 = arith.constant 20 : i32
      %mul3A_478 = arith.muli %scan3A_60, %mul3A_477 : i32
      %add3A_479 = arith.constant 18 : i32
      %add3A_480 = arith.addi %mul3A_478, %add3A_479 : i32
      %dma_wait3A_481 = arith.constant 0 : i32
      %dma_wait3A_482 = tpu.memref_slice %arg6[%dma_wait3A_481] : memref<128xf32, #tpu.memory_space<vmem>> -> memref<125xf32, #tpu.memory_space<vmem>>
      %dma_wait3A_483 = arith.constant 0 : i32
      %dma_wait3A_484 = tpu.memref_slice %arg5[%add3A_480, %dma_wait3A_483] : memref<80x125xi32, #tpu.memory_space<vmem>> -> memref<1x125xi32, #tpu.memory_space<vmem>>
      %dma_wait3A_485 = tpu.memref_squeeze %dma_wait3A_484 : memref<1x125xi32, #tpu.memory_space<vmem>> -> memref<125xi32, #tpu.memory_space<vmem>>
      %dma_wait3A_486 = arith.constant 0 : i32
      %dma_wait3A_487 = tpu.memref_slice %arg7[%dma_wait3A_486] : memref<10000xf32, #tpu.memory_space<vmem_shared>> -> memref<10000xf32, #tpu.memory_space<vmem_shared>>
      tpu.wait_indirect_dma semaphore(%arg8 : memref<!tpu.dma_semaphore, #tpu.memory_space<semaphore_mem>>) src(%dma_wait3A_482 : memref<125xf32, #tpu.memory_space<vmem>>) dst(%dma_wait3A_487 : memref<10000xf32, #tpu.memory_space<vmem_shared>>)
      %mul3A_488 = arith.constant 20 : i32
      %mul3A_489 = arith.muli %scan3A_60, %mul3A_488 : i32
      %add3A_490 = arith.constant 19 : i32
      %add3A_491 = arith.addi %mul3A_489, %add3A_490 : i32
      %dma_wait3A_492 = arith.constant 0 : i32
      %dma_wait3A_493 = tpu.memref_slice %arg6[%dma_wait3A_492] : memref<128xf32, #tpu.memory_space<vmem>> -> memref<125xf32, #tpu.memory_space<vmem>>
      %dma_wait3A_494 = arith.constant 0 : i32
      %dma_wait3A_495 = tpu.memref_slice %arg5[%add3A_491, %dma_wait3A_494] : memref<80x125xi32, #tpu.memory_space<vmem>> -> memref<1x125xi32, #tpu.memory_space<vmem>>
      %dma_wait3A_496 = tpu.memref_squeeze %dma_wait3A_495 : memref<1x125xi32, #tpu.memory_space<vmem>> -> memref<125xi32, #tpu.memory_space<vmem>>
      %dma_wait3A_497 = arith.constant 0 : i32
      %dma_wait3A_498 = tpu.memref_slice %arg7[%dma_wait3A_497] : memref<10000xf32, #tpu.memory_space<vmem_shared>> -> memref<10000xf32, #tpu.memory_space<vmem_shared>>
      tpu.wait_indirect_dma semaphore(%arg8 : memref<!tpu.dma_semaphore, #tpu.memory_space<semaphore_mem>>) src(%dma_wait3A_493 : memref<125xf32, #tpu.memory_space<vmem>>) dst(%dma_wait3A_498 : memref<10000xf32, #tpu.memory_space<vmem_shared>>)
    }
    %scan3A_53 = arith.constant 4 : i32
    %barrier3A_54 = arith.constant 0 : index
    tpu.barrier barrier_id(%barrier3A_54)
    %eq3A_55 = arith.constant 0 : i32
    %eq3A_56 = arith.cmpi eq, %arg1, %eq3A_55 : i32
    %convert_element_type3A_57 = arith.extui %eq3A_56 : i1 to i32
    %cond3A_58 = arith.constant 0 : i32
    %cond3A_59 = arith.cmpi ne, %convert_element_type3A_57, %cond3A_58 : i32
    scf.if %cond3A_59 {
      "tpu.region"() ({
        %run_scoped3A = tpu.sem_alloc : memref<!tpu.dma_semaphore, #tpu.memory_space<semaphore_mem>>
        %dma_start3A = arith.constant 0 : i32
        %dma_start3A_60 = tpu.memref_slice %arg4[%arg0, %dma_start3A] : memref<2x10000xf32, #tpu.memory_space<hbm>> -> memref<1x10000xf32, #tpu.memory_space<hbm>>
        %dma_start3A_61 = tpu.memref_squeeze %dma_start3A_60 : memref<1x10000xf32, #tpu.memory_space<hbm>> -> memref<10000xf32, #tpu.memory_space<hbm>>
        tpu.enqueue_dma source(%arg7 : memref<10000xf32, #tpu.memory_space<vmem_shared>>) target(%dma_start3A_61 : memref<10000xf32, #tpu.memory_space<hbm>>) target_semaphore(%run_scoped3A : memref<!tpu.dma_semaphore, #tpu.memory_space<semaphore_mem>>)
        %dma_wait3A = arith.constant 0 : i32
        %dma_wait3A_62 = tpu.memref_slice %arg4[%arg0, %dma_wait3A] : memref<2x10000xf32, #tpu.memory_space<hbm>> -> memref<1x10000xf32, #tpu.memory_space<hbm>>
        %dma_wait3A_63 = tpu.memref_squeeze %dma_wait3A_62 : memref<1x10000xf32, #tpu.memory_space<hbm>> -> memref<10000xf32, #tpu.memory_space<hbm>>
        tpu.wait_dma2 semaphore(%run_scoped3A : memref<!tpu.dma_semaphore, #tpu.memory_space<semaphore_mem>>) src(%arg7 : memref<10000xf32, #tpu.memory_space<vmem_shared>>) dst(%dma_wait3A_63 : memref<10000xf32, #tpu.memory_space<hbm>>)
        tpu.yield
      }) : () -> ()
    } else {
    }
    return
  }
}

module attributes {stable_mosaic.version = 14 : i64} {
  func.func @_scale_body(%arg0: i32, %arg1: memref<1x1x1000xf32, #tpu.memory_space<vmem>>, %arg2: memref<1x1x1000xf32, #tpu.memory_space<vmem>>, %arg3: memref<1000x128xf32, #tpu.memory_space<vmem>>, %arg4: memref<128x128xf32, #tpu.memory_space<vmem>>, %arg5: memref<1x1x1000xf32, #tpu.memory_space<vmem>>, %arg6: memref<1000x128xf32, #tpu.memory_space<vmem>>) attributes {dimension_semantics = [#tpu.dimension_semantics<arbitrary>], iteration_bounds = array<i64: 10>, scalar_prefetch = 0 : i64, scratch_operands = 0 : i64, tpu.core_type = #tpu.core_type<tc>, window_params = [{transform_indices = @transform_0, window_bounds = array<i64: 1, 1, 1000>}, {transform_indices = @transform_1, window_bounds = array<i64: 1, 1, 1000>}, {transform_indices = @transform_2, window_bounds = array<i64: 1000, 128>}, {pipeline_mode = #tpu.pipeline_mode<synchronous>, transform_indices = @transform_3, window_bounds = array<i64: 128, 128>}, {transform_indices = @transform_4, window_bounds = array<i64: 1, 1, 1000>}, {transform_indices = @transform_5, window_bounds = array<i64: 1000, 128>}]} {
    %get3A = arith.constant 0 : index
    %get3A_0 = arith.constant 0 : index
    %get3A_1 = arith.constant 0 : index
    %get3A_2 = vector.load %arg1[%get3A, %get3A_0, %get3A_1] : memref<1x1x1000xf32, #tpu.memory_space<vmem>>, vector<1x1x1000xf32>
    %get3A_3 = vector.shape_cast %get3A_2 : vector<1x1x1000xf32> to vector<1000xf32>
    %get3A_4 = arith.constant 0 : index
    %get3A_5 = arith.constant 0 : index
    %get3A_6 = arith.constant 0 : index
    %get3A_7 = vector.load %arg2[%get3A_4, %get3A_5, %get3A_6] : memref<1x1x1000xf32, #tpu.memory_space<vmem>>, vector<1x1x1000xf32>
    %get3A_8 = vector.shape_cast %get3A_7 : vector<1x1x1000xf32> to vector<1000xf32>
    %add3A = arith.addf %get3A_3, %get3A_8 : vector<1000xf32>
    %add3A_9 = arith.constant 1.000000e+00 : f32
    %add3A_10 = vector.broadcast %add3A_9 : f32 to vector<1000xf32>
    %add3A_11 = arith.addf %add3A, %add3A_10 : vector<1000xf32>
    %rsqrt3A = math.rsqrt %add3A_11 : vector<1000xf32>
    %swap3A = arith.constant 0 : index
    %swap3A_12 = arith.constant 0 : index
    %swap3A_13 = arith.constant 0 : index
    %swap3A_14 = vector.load %arg5[%swap3A, %swap3A_12, %swap3A_13] : memref<1x1x1000xf32, #tpu.memory_space<vmem>>, vector<1x1x1000xf32>
    %swap3A_15 = vector.shape_cast %swap3A_14 : vector<1x1x1000xf32> to vector<1000xf32>
    %swap3A_16 = vector.shape_cast %rsqrt3A : vector<1000xf32> to vector<1x1x1000xf32>
    tpu.vector_store %arg5[%swap3A, %swap3A_12, %swap3A_13], %swap3A_16 {strides = array<i32>} : memref<1x1x1000xf32, #tpu.memory_space<vmem>>, vector<1x1x1000xf32>,
    %get3A_17 = arith.constant 0 : index
    %get3A_18 = arith.constant 0 : index
    %get3A_19 = vector.load %arg3[%get3A_17, %get3A_18] : memref<1000x128xf32, #tpu.memory_space<vmem>>, vector<1000x128xf32>
    %get3A_20 = arith.constant 0 : index
    %get3A_21 = arith.constant 0 : index
    %get3A_22 = vector.load %arg4[%get3A_20, %get3A_21] : memref<128x128xf32, #tpu.memory_space<vmem>>, vector<128x128xf32>
    %dot_general3A = arith.constant dense<0.000000e+00> : vector<1000x128xf32>
    %dot_general3A_23 = tpu.matmul %get3A_19, %get3A_22, %dot_general3A {dimension_numbers = #tpu.dot_dimension_numbers<[1], [0], [0], [1], [0, 0, 1, 1], [], []>, transpose_lhs_hint = false} : vector<1000x128xf32>, vector<128x128xf32>, vector<1000x128xf32> -> vector<1000x128xf32>
    %broadcast_in_dim3A = vector.shape_cast %rsqrt3A : vector<1000xf32> to vector<1000x1xf32>
    %mul3A = vector.broadcast %broadcast_in_dim3A : vector<1000x1xf32> to vector<1000x128xf32>
    %mul3A_24 = arith.mulf %dot_general3A_23, %mul3A : vector<1000x128xf32>
    %swap3A_25 = arith.constant 0 : index
    %swap3A_26 = arith.constant 0 : index
    %swap3A_27 = vector.load %arg6[%swap3A_25, %swap3A_26] : memref<1000x128xf32, #tpu.memory_space<vmem>>, vector<1000x128xf32>
    tpu.vector_store %arg6[%swap3A_25, %swap3A_26], %mul3A_24 {strides = array<i32>} : memref<1000x128xf32, #tpu.memory_space<vmem>>, vector<1000x128xf32>,
    return
  }
  func.func @transform_0(%arg0: i32) -> (i32, i32, i32) {
    %c0_i32 = arith.constant 0 : i32
    %c0_i32_0 = arith.constant 0 : i32
    %c0_i32_1 = arith.constant 0 : i32
    return %arg0, %c0_i32, %c0_i32_0 : i32, i32, i32
  }
  func.func @transform_1(%arg0: i32) -> (i32, i32, i32) {
    %c0_i32 = arith.constant 0 : i32
    %c0_i32_0 = arith.constant 0 : i32
    %c0_i32_1 = arith.constant 0 : i32
    return %arg0, %c0_i32, %c0_i32_0 : i32, i32, i32
  }
  func.func @transform_2(%arg0: i32) -> (i32, i32) {
    %c0_i32 = arith.constant 0 : i32
    %c0_i32_0 = arith.constant 0 : i32
    return %arg0, %c0_i32 : i32, i32
  }
  func.func @transform_3(%arg0: i32) -> (i32, i32) {
    %c0_i32 = arith.constant 0 : i32
    %c0_i32_0 = arith.constant 0 : i32
    %c0_i32_1 = arith.constant 0 : i32
    return %c0_i32, %c0_i32_0 : i32, i32
  }
  func.func @transform_4(%arg0: i32) -> (i32, i32, i32) {
    %c0_i32 = arith.constant 0 : i32
    %c0_i32_0 = arith.constant 0 : i32
    %c0_i32_1 = arith.constant 0 : i32
    return %arg0, %c0_i32, %c0_i32_0 : i32, i32, i32
  }
  func.func @transform_5(%arg0: i32) -> (i32, i32) {
    %c0_i32 = arith.constant 0 : i32
    %c0_i32_0 = arith.constant 0 : i32
    return %arg0, %c0_i32 : i32, i32
  }
}

module attributes {stable_mosaic.version = 14 : i64} {
  func.func @_dense_body(%arg0: i32, %arg1: memref<1000x128xf32, #tpu.memory_space<vmem>>, %arg2: memref<1000x128xf32, #tpu.memory_space<vmem>>, %arg3: memref<1x1x1000xf32, #tpu.memory_space<vmem>>, %arg4: memref<1x128xf32, #tpu.memory_space<vmem>>, %arg5: memref<128x1xf32, #tpu.memory_space<vmem>>, %arg6: memref<1x1x1000xf32, #tpu.memory_space<vmem>>) attributes {dimension_semantics = [#tpu.dimension_semantics<arbitrary>], iteration_bounds = array<i64: 10>, scalar_prefetch = 0 : i64, scratch_operands = 0 : i64, tpu.core_type = #tpu.core_type<tc>, window_params = [{transform_indices = @transform_0, window_bounds = array<i64: 1000, 128>}, {transform_indices = @transform_1, window_bounds = array<i64: 1000, 128>}, {transform_indices = @transform_2, window_bounds = array<i64: 1, 1, 1000>}, {pipeline_mode = #tpu.pipeline_mode<synchronous>, transform_indices = @transform_3, window_bounds = array<i64: 1, 128>}, {pipeline_mode = #tpu.pipeline_mode<synchronous>, transform_indices = @transform_4, window_bounds = array<i64: 128, 1>}, {transform_indices = @transform_5, window_bounds = array<i64: 1, 1, 1000>}]} {
    %get3A = arith.constant 0 : index
    %get3A_0 = arith.constant 0 : index
    %get3A_1 = arith.constant 0 : index
    %get3A_2 = vector.load %arg3[%get3A, %get3A_0, %get3A_1] : memref<1x1x1000xf32, #tpu.memory_space<vmem>>, vector<1x1x1000xf32>
    %get3A_3 = vector.shape_cast %get3A_2 : vector<1x1x1000xf32> to vector<1000xf32>
    %get3A_4 = arith.constant 0 : index
    %get3A_5 = arith.constant 0 : index
    %get3A_6 = vector.load %arg1[%get3A_4, %get3A_5] : memref<1000x128xf32, #tpu.memory_space<vmem>>, vector<1000x128xf32>
    %get3A_7 = arith.constant 0 : index
    %get3A_8 = arith.constant 0 : index
    %get3A_9 = vector.load %arg2[%get3A_7, %get3A_8] : memref<1000x128xf32, #tpu.memory_space<vmem>>, vector<1000x128xf32>
    %add3A = arith.addf %get3A_6, %get3A_9 : vector<1000x128xf32>
    %broadcast_in_dim3A = vector.shape_cast %get3A_3 : vector<1000xf32> to vector<1000x1xf32>
    %mul3A = vector.broadcast %broadcast_in_dim3A : vector<1000x1xf32> to vector<1000x128xf32>
    %mul3A_10 = arith.mulf %add3A, %mul3A : vector<1000x128xf32>
    %get3A_11 = arith.constant 0 : index
    %get3A_12 = arith.constant 0 : index
    %get3A_13 = vector.load %arg4[%get3A_11, %get3A_12] : memref<1x128xf32, #tpu.memory_space<vmem>>, vector<1x128xf32>
    %add3A_14 = vector.broadcast %get3A_13 : vector<1x128xf32> to vector<1000x128xf32>
    %add3A_15 = arith.addf %mul3A_10, %add3A_14 : vector<1000x128xf32>
    %max3A = arith.constant 0.000000e+00 : f32
    %max3A_16 = vector.broadcast %max3A : f32 to vector<1000x128xf32>
    %max3A_17 = arith.maximumf %add3A_15, %max3A_16 : vector<1000x128xf32>
    %get3A_18 = arith.constant 0 : index
    %get3A_19 = arith.constant 0 : index
    %get3A_20 = vector.load %arg5[%get3A_18, %get3A_19] : memref<128x1xf32, #tpu.memory_space<vmem>>, vector<128x1xf32>
    %dot_general3A = arith.constant dense<0.000000e+00> : vector<1000x1xf32>
    %dot_general3A_21 = tpu.matmul %max3A_17, %get3A_20, %dot_general3A {dimension_numbers = #tpu.dot_dimension_numbers<[1], [0], [0], [1], [0, 0, 1, 1], [], []>, transpose_lhs_hint = false} : vector<1000x128xf32>, vector<128x1xf32>, vector<1000x1xf32> -> vector<1000x1xf32>
    %squeeze3A = vector.shape_cast %dot_general3A_21 : vector<1000x1xf32> to vector<1000xf32>
    %mul3A_22 = arith.mulf %get3A_3, %squeeze3A : vector<1000xf32>
    %swap3A = arith.constant 0 : index
    %swap3A_23 = arith.constant 0 : index
    %swap3A_24 = arith.constant 0 : index
    %swap3A_25 = vector.load %arg6[%swap3A, %swap3A_23, %swap3A_24] : memref<1x1x1000xf32, #tpu.memory_space<vmem>>, vector<1x1x1000xf32>
    %swap3A_26 = vector.shape_cast %swap3A_25 : vector<1x1x1000xf32> to vector<1000xf32>
    %swap3A_27 = vector.shape_cast %mul3A_22 : vector<1000xf32> to vector<1x1x1000xf32>
    tpu.vector_store %arg6[%swap3A, %swap3A_23, %swap3A_24], %swap3A_27 {strides = array<i32>} : memref<1x1x1000xf32, #tpu.memory_space<vmem>>, vector<1x1x1000xf32>,
    return
  }
  func.func @transform_0(%arg0: i32) -> (i32, i32) {
    %c0_i32 = arith.constant 0 : i32
    %c0_i32_0 = arith.constant 0 : i32
    return %arg0, %c0_i32 : i32, i32
  }
  func.func @transform_1(%arg0: i32) -> (i32, i32) {
    %c0_i32 = arith.constant 0 : i32
    %c0_i32_0 = arith.constant 0 : i32
    return %arg0, %c0_i32 : i32, i32
  }
  func.func @transform_2(%arg0: i32) -> (i32, i32, i32) {
    %c0_i32 = arith.constant 0 : i32
    %c0_i32_0 = arith.constant 0 : i32
    %c0_i32_1 = arith.constant 0 : i32
    return %arg0, %c0_i32, %c0_i32_0 : i32, i32, i32
  }
  func.func @transform_3(%arg0: i32) -> (i32, i32) {
    %c0_i32 = arith.constant 0 : i32
    %c0_i32_0 = arith.constant 0 : i32
    %c0_i32_1 = arith.constant 0 : i32
    return %c0_i32, %c0_i32_0 : i32, i32
  }
  func.func @transform_4(%arg0: i32) -> (i32, i32) {
    %c0_i32 = arith.constant 0 : i32
    %c0_i32_0 = arith.constant 0 : i32
    %c0_i32_1 = arith.constant 0 : i32
    return %c0_i32, %c0_i32_0 : i32, i32
  }
  func.func @transform_5(%arg0: i32) -> (i32, i32, i32) {
    %c0_i32 = arith.constant 0 : i32
    %c0_i32_0 = arith.constant 0 : i32
    %c0_i32_1 = arith.constant 0 : i32
    return %arg0, %c0_i32, %c0_i32_0 : i32, i32, i32
  }
}

module attributes {stable_mosaic.version = 14 : i64} {
  func.func @_final_body(%arg0: i32, %arg1: memref<1x1x1000xf32, #tpu.memory_space<vmem>>, %arg2: memref<1x1x1000xf32, #tpu.memory_space<vmem>>, %arg3: memref<1x1x1000xf32, #tpu.memory_space<vmem>>, %arg4: memref<1x1x1000xf32, #tpu.memory_space<vmem>>, %arg5: memref<1x1xf32, #tpu.memory_space<vmem>>, %arg6: memref<1x1x1000xf32, #tpu.memory_space<vmem>>) attributes {dimension_semantics = [#tpu.dimension_semantics<arbitrary>], iteration_bounds = array<i64: 10>, scalar_prefetch = 0 : i64, scratch_operands = 0 : i64, tpu.core_type = #tpu.core_type<tc>, window_params = [{transform_indices = @transform_0, window_bounds = array<i64: 1, 1, 1000>}, {transform_indices = @transform_1, window_bounds = array<i64: 1, 1, 1000>}, {transform_indices = @transform_2, window_bounds = array<i64: 1, 1, 1000>}, {transform_indices = @transform_3, window_bounds = array<i64: 1, 1, 1000>}, {pipeline_mode = #tpu.pipeline_mode<synchronous>, transform_indices = @transform_4, window_bounds = array<i64: 1, 1>}, {transform_indices = @transform_5, window_bounds = array<i64: 1, 1, 1000>}]} {
    %get3A = arith.constant 0 : index
    %get3A_0 = arith.constant 0 : index
    %get3A_1 = arith.constant 0 : index
    %get3A_2 = vector.load %arg4[%get3A, %get3A_0, %get3A_1] : memref<1x1x1000xf32, #tpu.memory_space<vmem>>, vector<1x1x1000xf32>
    %get3A_3 = arith.constant 0 : index
    %get3A_4 = arith.constant 0 : index
    %get3A_5 = arith.constant 0 : index
    %get3A_6 = vector.load %arg1[%get3A_3, %get3A_4, %get3A_5] : memref<1x1x1000xf32, #tpu.memory_space<vmem>>, vector<1x1x1000xf32>
    %get3A_7 = arith.constant 0 : index
    %get3A_8 = arith.constant 0 : index
    %get3A_9 = arith.constant 0 : index
    %get3A_10 = vector.load %arg2[%get3A_7, %get3A_8, %get3A_9] : memref<1x1x1000xf32, #tpu.memory_space<vmem>>, vector<1x1x1000xf32>
    %add3A = arith.addf %get3A_6, %get3A_10 : vector<1x1x1000xf32>
    %get3A_11 = arith.constant 0 : index
    %get3A_12 = arith.constant 0 : index
    %get3A_13 = arith.constant 0 : index
    %get3A_14 = vector.load %arg3[%get3A_11, %get3A_12, %get3A_13] : memref<1x1x1000xf32, #tpu.memory_space<vmem>>, vector<1x1x1000xf32>
    %add3A_15 = arith.addf %add3A, %get3A_14 : vector<1x1x1000xf32>
    %mul3A = arith.mulf %get3A_2, %add3A_15 : vector<1x1x1000xf32>
    %get3A_16 = arith.constant 0 : index
    %get3A_17 = arith.constant 0 : index
    %get3A_18 = vector.load %arg5[%get3A_16, %get3A_17] : memref<1x1xf32, #tpu.memory_space<vmem>>, vector<1x1xf32>
    %get3A_19 = vector.extract %get3A_18[0, 0] : f32 from vector<1x1xf32>
    %add3A_20 = vector.broadcast %get3A_19 : f32 to vector<1x1x1000xf32>
    %add3A_21 = arith.addf %mul3A, %add3A_20 : vector<1x1x1000xf32>
    %swap3A = arith.constant 0 : index
    %swap3A_22 = arith.constant 0 : index
    %swap3A_23 = arith.constant 0 : index
    %swap3A_24 = vector.load %arg6[%swap3A, %swap3A_22, %swap3A_23] : memref<1x1x1000xf32, #tpu.memory_space<vmem>>, vector<1x1x1000xf32>
    tpu.vector_store %arg6[%swap3A, %swap3A_22, %swap3A_23], %add3A_21 {strides = array<i32>} : memref<1x1x1000xf32, #tpu.memory_space<vmem>>, vector<1x1x1000xf32>,
    return
  }
  func.func @transform_0(%arg0: i32) -> (i32, i32, i32) {
    %c0_i32 = arith.constant 0 : i32
    %c0_i32_0 = arith.constant 0 : i32
    %c0_i32_1 = arith.constant 0 : i32
    return %arg0, %c0_i32, %c0_i32_0 : i32, i32, i32
  }
  func.func @transform_1(%arg0: i32) -> (i32, i32, i32) {
    %c0_i32 = arith.constant 0 : i32
    %c0_i32_0 = arith.constant 0 : i32
    %c0_i32_1 = arith.constant 0 : i32
    return %arg0, %c0_i32, %c0_i32_0 : i32, i32, i32
  }
  func.func @transform_2(%arg0: i32) -> (i32, i32, i32) {
    %c0_i32 = arith.constant 0 : i32
    %c0_i32_0 = arith.constant 0 : i32
    %c0_i32_1 = arith.constant 0 : i32
    return %arg0, %c0_i32, %c0_i32_0 : i32, i32, i32
  }
  func.func @transform_3(%arg0: i32) -> (i32, i32, i32) {
    %c0_i32 = arith.constant 0 : i32
    %c0_i32_0 = arith.constant 0 : i32
    %c0_i32_1 = arith.constant 0 : i32
    return %arg0, %c0_i32, %c0_i32_0 : i32, i32, i32
  }
  func.func @transform_4(%arg0: i32) -> (i32, i32) {
    %c0_i32 = arith.constant 0 : i32
    %c0_i32_0 = arith.constant 0 : i32
    %c0_i32_1 = arith.constant 0 : i32
    return %c0_i32, %c0_i32_0 : i32, i32
  }
  func.func @transform_5(%arg0: i32) -> (i32, i32, i32) {
    %c0_i32 = arith.constant 0 : i32
    %c0_i32_0 = arith.constant 0 : i32
    %c0_i32_1 = arith.constant 0 : i32
    return %arg0, %c0_i32, %c0_i32_0 : i32, i32, i32
  }
}

</mosaic_0001>

<sc_bundles>
// kernel: kernel.11.cloned.1.call-start
scs
__scs_entry_jumppad:
0x0: {  	(pc) =	sbr.rel $0x88, $3  }
0x1: {  	(tag) =	ssettag $0x0;
	lr =	simm.s32 $0x1  }
0x2: {  	[smem:$0x3F9B] =	sst lr;
	_ =	strace $0xD0000000  }
0x3: {  	_ = 	snop  }
0x4: {  	_ = 	snop  }
0x5: {  	_ = 	snop  }
0x6: {  	_ = 	snop  }
0x7: {  	_ = 	snop  }
__scs_overlays_trampoline_lowered:
0x8: {  	[smem:$0x3FAA] =	sst s0  }
0x9: {  	[smem:$0x3FAB] =	sst s1  }
0xa: {  	[smem:$0x3FAC] =	sst s2  }
0xb: {  	[smem:$0x3FAD] =	sst s3  }
0xc: {  	[smem:$0x3FAE] =	sst s4  }
0xd: {  	[smem:$0x3FAF] =	sst s5  }
0xe: {  	[smem:$0x3FB0] =	sst s6  }
0xf: {  	[smem:$0x3FB1] =	sst s7  }
0x10: {  	[smem:$0x3FB2] =	sst s8  }
0x11: {  	[smem:$0x3FB3] =	sst s9;
	s0 =	simm.s32 @!p0 $0x0  }
0x12: {  	s1 =	sld [smem:$0x3F99];
	s0 =	simm.s32 @p0 $0x1  }
0x13: {  	[smem:$0x3FB4] =	sst s0;
	s0 =	simm.s32 @!p1 $0x0  }
0x14: {  	s2 =	sld [smem:$0x3F98];
	s0 =	simm.s32 @p1 $0x1  }
0x15: {  	[smem:$0x3FB5] =	sst s0;
	s0 =	simm.s32 @!p2 $0x0  }
0x16: {  	s3 =	sld [smem:$0x3FDB];
	s0 =	simm.s32 @p2 $0x1  }
0x17: {  	s4 =	simm.s32 $0x1BF5;
	[smem:$0x3FB7] =	sst s0  }
0x18: {  	s0 =	sld [smem:$0x3F9A];
	_ =	swait.ge [sflag:s4], $0x0  }
0x19: {  	s7 =	sld [smem:$0x3F9B]  }
0x1a: {  	s8 =	sadd.s32 $0xFFFFE003, lr  }
0x1b: {  	s9 =	sadd.s32 $0xFFFFFEF7, lr;
	s5 =	simm.s32 $0xFFFFFFFF;
	p2 =	slt.u32 s8, $0xFFFFF086  }
0x1c: {  	p1 =	slt.u32 s9, $0xF7A;
	s5 =	simm.s32 @!p2 $0x0  }
0x1d: {  	s5 =	simm.s32 @p1 $0x1;
	p0 =	seq.s32 s7, s2  }
0x1e: {  	s7 =	smul.u32 @!p0 $0xF7A, s2;
	p2 =	seq.s32 @!p0 s5, $0x0  }
0x1f: {  	s9 =	smul.u32 $0xF7A, s1;
	s8 =	simm.s32 @!p0 $0x1BF5;
	p2 =	por !p2, p0  }
0x20: {  	[sflag:s8] =	ssyncset.s32 @!p0 $0xFFFFF086;
	s6 =	sadd.s32 @!p0 s3, s7;
	s7 =	simm.s32 @!p0 $0x108  }
0x21: {  	s3 =	sadd.s32 s3, s9;
	s6 =	sadd.s32 @!p0 $0x88, s6;
	s7 =	simm.s32 @p2 $0x1082  }
0x22: {  	[simem:s7], [sflag:s8] =	dma.local @!p0 [hbm:s6], $0xF7A  }
0x23: {  	s9 =	sor.u32 $0xD0000000, s2;
	s6 =	simm.s32 $0x108;
	_ =	swait.ge @!p0 [sflag:s8], $0x0  }
0x24: {  	s3 =	sadd.s32 $0x88, s3;
	s6 =	simm.s32 @!p1 $0x1082;
	[sflag:s4] =	ssyncset.s32 $0xFFFFF086  }
0x25: {  	[simem:s6], [sflag:s4] =	dma.local [hbm:s3], $0xF7A  }
0x26: {  	[smem:$0x3F9B] =	sst s1;
	(tag) =	ssettag s2;
	_ =	strace s9  }
0x27: {  	s1 =	sld [smem:$0x3FAB]  }
0x28: {  	s2 =	sld [smem:$0x3FAC]  }
0x29: {  	s4 =	sld [smem:$0x3FAE]  }
0x2a: {  	p0 =	seq.s32 s5, $0x0;
	s5 =	sld [smem:$0x3FAF]  }
0x2b: {  	s6 =	sld [smem:$0x3FB0]  }
0x2c: {  	s7 =	sld [smem:$0x3FB1]  }
0x2d: {  	s3 =	simm.s32 $0x108;
	s8 =	sld [smem:$0x3FB2]  }
0x2e: {  	s3 =	simm.s32 @!p0 $0x1082;
	s9 =	sld [smem:$0x3FB3]  }
0x2f: {  	lr =	sadd.s32 s0, s3;
	s0 =	sld [smem:$0x3FAA]  }
0x30: {  	s3 =	sld [smem:$0x3FAD]  }
0x31: {  	[smem:$0x3FB6] =	sst s10  }
0x32: {  	s10 =	sld [smem:$0x3FB4];
	_ =	sdelay $0x3  }
0x33: {  	p0 =	seq.s32 s10, $0x1;
	s10 =	sld [smem:$0x3FB6];
	_ =	sdelay $0x3  }
0x34: {  	[smem:$0x3FB6] =	sst s10  }
0x35: {  	s10 =	sld [smem:$0x3FB5];
	_ =	sdelay $0x3  }
0x36: {  	p1 =	seq.s32 s10, $0x1;
	s10 =	sld [smem:$0x3FB6];
	_ =	sdelay $0x3  }
0x37: {  	[smem:$0x3FB6] =	sst s10  }
0x38: {  	s10 =	sld [smem:$0x3FB7]  }
0x39: {  	_ = 	snop;
	(pc) =	sbr.ind lr, $3  }
0x3a: {  	_ = 	snop  }
0x3b: {  	_ = 	snop  }
0x3c: {  	p2 =	seq.s32 s10, $0x1;
	s10 =	sld [smem:$0x3FB6]  }
0x3d: {  	_ =	shalt  }
0x3e: {  	_ =	shalt  }
0x3f: {  	_ =	shalt  }
0x40: {  	_ =	shalt  }
0x41: {  	_ =	shalt  }
0x42: {  	_ =	shalt  }
0x43: {  	_ =	shalt  }
0x44: {  	_ =	shalt  }
0x45: {  	_ =	shalt  }
0x46: {  	_ =	shalt  }
0x47: {  	_ =	shalt  }
0x48: {  	_ =	shalt  }
0x49: {  	_ =	shalt  }
0x4a: {  	_ =	shalt  }
0x4b: {  	_ =	shalt  }
0x4c: {  	_ =	shalt  }
0x4d: {  	_ =	shalt  }
0x4e: {  	_ =	shalt  }
0x4f: {  	_ =	shalt  }
0x50: {  	_ =	shalt  }
0x51: {  	_ =	shalt  }
0x52: {  	_ =	shalt  }
0x53: {  	_ =	shalt  }
0x54: {  	_ =	shalt  }
0x55: {  	_ =	shalt  }
0x56: {  	_ =	shalt  }
0x57: {  	_ =	shalt  }
0x58: {  	_ =	shalt  }
0x59: {  	_ =	shalt  }
0x5a: {  	_ =	shalt  }
0x5b: {  	_ =	shalt  }
0x5c: {  	_ =	shalt  }
0x5d: {  	_ =	shalt  }
0x5e: {  	_ =	shalt  }
0x5f: {  	_ =	shalt  }
0x60: {  	_ =	shalt  }
0x61: {  	_ =	shalt  }
0x62: {  	_ =	shalt  }
0x63: {  	_ =	shalt  }
0x64: {  	_ =	shalt  }
0x65: {  	_ =	shalt  }
0x66: {  	_ =	shalt  }
0x67: {  	_ =	shalt  }
0x68: {  	_ =	shalt  }
0x69: {  	_ =	shalt  }
0x6a: {  	_ =	shalt  }
0x6b: {  	_ =	shalt  }
0x6c: {  	_ =	shalt  }
0x6d: {  	_ =	shalt  }
0x6e: {  	_ =	shalt  }
0x6f: {  	_ =	shalt  }
0x70: {  	_ =	shalt  }
0x71: {  	_ =	shalt  }
0x72: {  	_ =	shalt  }
0x73: {  	_ =	shalt  }
0x74: {  	_ =	shalt  }
0x75: {  	_ =	shalt  }
0x76: {  	_ =	shalt  }
0x77: {  	_ =	shalt  }
0x78: {  	_ =	shalt  }
0x79: {  	_ =	shalt  }
0x7a: {  	_ =	shalt  }
0x7b: {  	_ =	shalt  }
0x7c: {  	_ =	shalt  }
0x7d: {  	_ =	shalt  }
0x7e: {  	_ =	shalt  }
0x7f: {  	_ =	shalt  }
0x80: {  	_ =	shalt  }
0x81: {  	_ =	shalt  }
0x82: {  	_ =	shalt  }
0x83: {  	_ =	shalt  }
0x84: {  	_ =	shalt  }
0x85: {  	_ =	shalt  }
0x86: {  	_ =	shalt  }
0x87: {  	_ =	shalt  }
.Lfunc_end0:
.L_simem_size_0:
called_computation.1_lowered:
.L_overlay_start_0:
0x88: {  	s2 =	sld [smem:$0x3FD9]  }
0x89: {  	s3 =	sld [smem:$0x3FFE];
	_ =	sdelay $0x1  }
0x8a: {  	s1 =	srdreg.scid  }
0x8b: {  	s0 =	sand.u32 $0x1, s1  }
0x8c: {  	s16 =	sshll.u32 s0, $0xA;
	s2 =	sadd.s32 s3, s2  }
0x8d: {  	s2 =	sadd.s32 s2, s16  }
0x8e: {  	[smem:$0x3FC2] =	sst s2  }
0x8f: {  	_ = 	snop  }
0x90: {  	(tm) =	ssettm $0x1  }
0x91: {  	s17 =	sld [smem:$0x3FFB];
	_ =	sdelay $0x3  }
0x92: {  	_ =	strace s17  }
0x93: {  	s2 =	sld [smem:$0x3FFC];
	_ =	sdelay $0x3  }
0x94: {  	_ =	strace s2  }
0x95: {  	s2 =	sld [smem:$0x3FFD];
	_ =	sdelay $0x3  }
0x96: {  	_ =	strace s2  }
0x97: {  	_ =	strace $0x8FFFFFFF  }
0x98: {  	s18 =	sld [smem:$0x3FDB];
	_ =	sdelay $0x1  }
0x99: {  	s19 =	simm.s32 $_scs_section_size  }
0x9a: {  	s4 =	simm.s32 $_size__tile_overlayer_lowered;
	s5 =	simm.s32 $_tile_overlayer_lowered  }
0x9b: {  	s22 =	simm.s32 $0x1BFF;
	s21 =	sshll.u32 s5, $0x1;
	s2 =	sadd.s32 s19, s18  }
0x9c: {  	s6 =	simm.s32 $0x0;
	s20 =	sshll.u32 s4, $0x1;
	s4 =	sadd.s32 s21, s2  }
0x9d: {  	[timem:s6], [sflag:s22] =	dma.local [hbm:s4], s20  }
0x9e: {  	_ =	swait.ge [sflag:s22], s20  }
0x9f: {  	s3 =	ssub.s32 $0x0, s20;
	[sflag:s22] =	ssyncset.done $0x0  }
0xa0: {  	[sflag:s22] =	ssyncadd.s32 s3;
	_ =	sdelay $0x1  }
0xa1: {  	s23 =	simm.s32 $0x1B8B  }
0xa2: {  	_ =	swait.ge [sflag:s23], $0x1  }
0xa3: {  	[sflag:s23] =	ssyncset.done $0x0  }
0xa4: {  	s25 =	simm.s32 $0x1B8E;
	s24 =	sld [smem:$0x3FFE];
	[sflag:s23] =	ssyncadd.s32 $0xFFFFFFFF  }
0xa5: {  	s26 =	simm.s32 $execute0_lowered;
	[smem:$0x3FD2] =	sst s25  }
0xa6: {  	s4 =	sshll.u32 s26, $0x1;
	_ =	strace $0x80000049;
	[dreg:$0x1] =	wrdreg $0xFFFFFFFF  }
0xa7: {  	s28 =	simm.s32 $_size_execute0_lowered;
	s2 =	sadd.s32 s2, s4;
	[dreg:$0x0] =	wrdreg $0x0  }
0xa8: {  	s4 =	sshll.u32 s28, $0x1;
	[dreg:$0x2] =	wrdreg s2  }
0xa9: {  	[dreg:$0x3] =	wrdreg s4  }
0xaa: {  	[dreg:$0x4] =	wrdreg $0xC0  }
0xab: {  	_ =	task [dreg:s6], $0x5FFFF  }
0xac: {  	[dreg:$0x1] =	wrdreg $0xFFFFFFFF  }
0xad: {  	[dreg:$0x0] =	wrdreg $0x60  }
0xae: {  	[dreg:$0x2] =	wrdreg s24  }
0xaf: {  	[dreg:$0x3] =	wrdreg $0x4E200  }
0xb0: {  	[dreg:$0x4] =	wrdreg $0x9  }
0xb1: {  	_ =	task.clear_ibuf [dreg:s6], $0x5FFFF;
	_ =	strace $0x90000049  }
0xb2: {  	s29 =	simm.s32 $0x9;
	_ =	strace $0x8000004B  }
0xb3: {  	_ =	swait.ge [sflag:s29], $0x1  }
0xb4: {  	[sflag:s29] =	ssyncadd.s32 $0xFFFFFFFF  }
0xb5: {  	_ =	strace $0x9000004B  }
0xb6: {  	_ =	sfence  }
0xb7: {  	s30 =	sld [smem:$0x0];
	_ =	sdelay $0x2  }
0xb8: {  	s31 =	sshll.u32 s1, $0xD;
	s1 =	sshrl.u32 s1, $0x2  }
0xb9: {  	s3 =	sand.u32 $0x4000, s31;
	s1 =	sadd.s32 s1, s30  }
0xba: {  	s0 =	sor.u32 s3, s0;
	s1 =	sshll.u32 s1, $0x11  }
0xbb: {  	s0 =	sor.u32 s1, s0  }
0xbc: {  	s0 =	sadd.s32 $0x8F2B, s0  }
0xbd: {  	[sflag:s0] =	ssyncadd.remote.s32 $0x1  }
0xbe: {  	_ =	sfence.sel $0xFFFF  }
0xbf: {  	[dreg:$0x0] =	wrdreg $0xFFFFFFFF;
	(pc) =	sbr.abs _section_cstart, $3  }
0xc0: {  	[dreg:$0x1] =	wrdreg $0xFFFFFFFF  }
0xc1: {  	_ =	task.clear_ibuf [dreg:s6], $0x2FFFF;
	_ =	strace $0x9FFFFFFF  }
0xc2: {  	(tm) =	ssettm $0x7FFFFFFF  }
0xc3: {  	_ =	shalt  }
tec
execute0_lowered:
.L_overlay_start_1:
0x0: {  	(tag) =	ssettag $0x1  }
0x1: {  	s0 =	rddreg [dreg:$0x0]  }
0x2: {  	s1 =	rddreg [dreg:$0x1];
	s2 =	simm.s32 $0x0  }
0x3: {  	s3 =	srdreg.scid;
	s18 =	stileid.u32;
	s17 =	simm.s32 $0x7  }
0x4: {  	s19 =	simm.s32 $0x50;
	s20 =	simm.s32 $0x186A0;
	s21 =	simm.s32 $0x1AEA0  }
0x5: {  	s22 =	simm.s32 $0x2710;
	s23 =	simm.s32 $0x1;
	s29 =	simm.s32 $0x4  }
0x6: {  	s31 =	simm.s32 $0x3;
	[smem:$0x7FF] =	sst s2;
	s4 =	sadd.s32 $0x13C00, s0  }
0x7: {  	s3 =	sand.u32 $0x1, s3;
	s10 =	sadd.s32 $0x3AE00, s0;
	s7 =	sshll.u32 s18, $0x1  }
0x8: {  	s8 =	smul.u32 $0x13800, s18;
	s12 =	sadd.s32 $0x62000, s0;
	s14 =	sshll.u32 s18, $0x6  }
0x9: {  	p1 =	sne.s32 s18, $0xF;
	p2 =	seq.s32 s18, $0xF;
	_ =	strace $0x8000004A  }
0xa: {  	s5 =	ssub.s32 $0x2, s3;
	s24 =	sor.u32 s3, s7;
	p0 =	seq.s32 s3, $0x1  }
0xb: {  	s3 =	smul.u32 $0x138800, s3;
	s7 =	sadd.s32 $0x138000, s1;
	[dreg:$0x3] =	wrdreg s10  }
0xc: {  	s15 =	sor.u32 $0x1C07, s14;
	s6 =	sshrl.u32 s5, $0x1;
	s9 =	sshrl.u32 s8, $0x3  }
0xd: {  	s16 =	sadd.s32 s8, s1;
	s30 =	sshrl.u32 s7, $0x3;
	s5 =	ssub.s32 s5, s6  }
0xe: {  	s25 =	sadd.s32 s4, s9;
	s6 =	smul.u32 $0x4E2, s24;
	s9 =	sadd.s32 s10, s9  }
0xf: {  	s8 =	sadd.s32 s8, s3;
	s3 =	sshrl.u32 s3, $0x3;
	[dreg:$0x6] =	wrdreg s30  }
0x10: {  	s16 =	sshrl.u32 s16, $0x3;
	s24 =	simm.s32 $0x4DD0;
	[dreg:$0x4] =	wrdreg s25  }
0x11: {  	[dreg:$0x5] =	wrdreg s9;
	s26 =	sshrl.u32 s8, $0x3;
	s28 =	sadd.s32 s12, s3  }
0x12: {  	s13 =	smax.u32 s5, $0x1;
	s25 =	simm.s32 $0x1D6A0;
	s3 =	simm.s32 $0x5  }
0x13: {  	s8 =	simm.s32 $0x6;
	s5 =	simm.s32 $0x4D80;
	s9 =	sadd.s32 s0, s6  }
0x14: {  	s11 =	sadd.s32 s12, s26;
	s12 =	sadd.s32 $0x27000, s28;
	s26 =	simm.s32 $0x2  }
0x15: {  	s0 =	simm.s32 $0x27B0;
	s6 =	simm.s32 $0x140;
	s10 =	sadd.s32 $0x9E00, s9  }
.LBB2_1:
.Ltmp0:
0x16: {  	(pc) =	sbr.rel @!p0 .LBB2_2-.Ltmp0, $1  }
0x17: {  	_ =	sdelay $0x3  }
0x18: {  	s18 =	rddreg [dreg:$0x5]  }
0x19: {  	[spmem:s16], [sflag:s15] =	dma.local [hbm:s18], $0x2700  }
.Ltmp1:
0x1a: {  	_ = 	snop;
	(pc) =	sbr.rel @p1 .LBB2_5-.Ltmp1, $4  }
.Ltmp2:
0x1b: {  	_ = 	snop;
	(pc) =	sbr.rel @!p1 .LBB2_4-.Ltmp2, $4  }
0x1c: {  	_ =	swait.ge [sflag:s17], $0x2700  }
0x1d: {  	[sflag:s17] =	ssyncset.done $0x0  }
0x1e: {  	s18 =	smov.u32 s15;
	s28 =	rddreg [dreg:$0x3];
	[sflag:s17] =	ssyncadd.s32 $0xFFFFD900  }
0x1f: {  	_ = 	snop  }
.LBB2_2:
.Ltmp3:
0x20: {  	s18 =	sor.u32 $0x1C07, s14;
	s28 =	rddreg [dreg:$0x4];
	(pc) =	sbr.rel @!p2 .LBB2_5-.Ltmp3, $4  }
0x21: {  	[spmem:s16], [sflag:s18] =	dma.local [hbm:s28], $0x2700  }
0x22: {  	_ =	swait.ge [sflag:s17], $0x2700  }
0x23: {  	[sflag:s17] =	ssyncset.done $0x0  }
0x24: {  	s28 =	smov.u32 s4;
	[sflag:s17] =	ssyncadd.s32 $0xFFFFD900  }
.LBB2_4:
0x25: {  	s28 =	sadd.s32 $0x27000, s28;
	s30 =	rddreg [dreg:$0x6]  }
0x26: {  	[spmem:s30], [sflag:s18] =	dma.local [hbm:s28], $0x100  }
0x27: {  	_ =	swait.ge [sflag:s17], $0x100  }
0x28: {  	[sflag:s17] =	ssyncset.done $0x0  }
0x29: {  	[sflag:s17] =	ssyncadd.s32 $0xFFFFFF00  }
.LBB2_5:
0x2a: {  	s18 =	simm.s32 $0x0  }
0x2b: {  	[tilespmem:s18], [sflag:$0x7] =	stream.linear.gather [hbm4b:s9+s18], $0x2710, $0x38;
	[tilespmem:$0x1FEA0] =	vst v63  }
0x2c: {  	_ =	swait.ge [sflag:s17], $0x2710  }
0x2d: {  	[sflag:s17] =	ssyncset.done $0x0  }
0x2e: {  	[sflag:s17] =	ssyncadd.s32 $0xFFFFD8F0  }
0x2f: {  	[tilespmem:s20], [sflag:$0x1] =	stream.indirect.gather [hbm4b:s4+s19], $0x80, s18, s19, $0xb8;
	[tilespmem:$0x1FEA0] =	vst v63  }
0x30: {  	_ = 	snop  }
0x31: {  	[tilespmem:s21], [sflag:$0x2] =	stream.indirect.gather [hbm4b:s4+s19], $0x80, s19, s19, $0xb8;
	[tilespmem:$0x1FEA0] =	vst v63  }
0x32: {  	_ = 	snop  }
0x33: {  	[tilespmem:s22], [sflag:$0x7] =	stream.linear.gather [hbm4b:s10+s18], $0x2710, $0x38;
	[tilespmem:$0x1FEA0] =	vst v63  }
0x34: {  	_ =	swait.ge [sflag:s17], $0x2710  }
0x35: {  	[sflag:s17] =	ssyncset.done $0x0  }
0x36: {  	[sflag:s17] =	ssyncadd.s32 $0xFFFFD8F0  }
0x37: {  	[bflag:$0x0] =	sbarrier.arrive $0xFFFF  }
0x38: {  	_ =	swait.ge [sflag:s23], $0x2800  }
0x39: {  	[sflag:s23] =	ssyncset.done $0x0  }
0x3a: {  	[sflag:s23] =	ssyncadd.s32 $0xFFFFD800  }
0x3b: {  	[spmem:s1] =	stream.indirect.scatter.add.f32 [tilespmem:s20], [sflag:$0x4], $0x80, s22, s19, $0xb8;
	[tilespmem:$0x1FEA0] =	vst v63  }
0x3c: {  	s30 =	simm.s32 $0xA0  }
0x3d: {  	[tilespmem:s25], [sflag:$0x3] =	stream.indirect.gather [hbm4b:s4+s19], $0x80, s30, s19, $0xb8;
	[tilespmem:$0x1FEA0] =	vst v63  }
0x3e: {  	_ =	swait.ge [sflag:s26], $0x2800  }
0x3f: {  	[sflag:s26] =	ssyncset.done $0x0  }
0x40: {  	s30 =	simm.s32 $0x2760;
	[sflag:s26] =	ssyncadd.s32 $0xFFFFD800  }
0x41: {  	[spmem:s1] =	stream.indirect.scatter.add.f32 [tilespmem:s21], [sflag:$0x5], $0x80, s30, s19, $0xb8;
	[tilespmem:$0x1FEA0] =	vst v63  }
0x42: {  	_ =	swait.ge [sflag:s29], $0x2800  }
0x43: {  	[sflag:s29] =	ssyncset.done $0x0  }
0x44: {  	s30 =	simm.s32 $0xF0;
	[sflag:s29] =	ssyncadd.s32 $0xFFFFD800  }
0x45: {  	[tilespmem:s20], [sflag:$0x1] =	stream.indirect.gather [hbm4b:s4+s19], $0x80, s30, s19, $0xb8;
	[tilespmem:$0x1FEA0] =	vst v63  }
0x46: {  	_ =	swait.ge [sflag:s31], $0x2800  }
0x47: {  	[sflag:s31] =	ssyncset.done $0x0  }
0x48: {  	[sflag:s31] =	ssyncadd.s32 $0xFFFFD800  }
0x49: {  	[spmem:s1] =	stream.indirect.scatter.add.f32 [tilespmem:s25], [sflag:$0x6], $0x80, s0, s19, $0xb8;
	[tilespmem:$0x1FEA0] =	vst v63  }
0x4a: {  	_ =	swait.ge [sflag:s3], $0x2800  }
0x4b: {  	[sflag:s3] =	ssyncset.done $0x0  }
0x4c: {  	[sflag:s3] =	ssyncadd.s32 $0xFFFFD800  }
0x4d: {  	[tilespmem:s21], [sflag:$0x2] =	stream.indirect.gather [hbm4b:s4+s19], $0x80, s6, s19, $0xb8;
	[tilespmem:$0x1FEA0] =	vst v63  }
0x4e: {  	_ =	swait.ge [sflag:s23], $0x2800  }
0x4f: {  	[sflag:s23] =	ssyncset.done $0x0  }
0x50: {  	s30 =	simm.s32 $0x2800;
	[sflag:s23] =	ssyncadd.s32 $0xFFFFD800  }
0x51: {  	[spmem:s1] =	stream.indirect.scatter.add.f32 [tilespmem:s20], [sflag:$0x4], $0x80, s30, s19, $0xb8;
	[tilespmem:$0x1FEA0] =	vst v63  }
0x52: {  	_ =	swait.ge [sflag:s8], $0x2800  }
0x53: {  	[sflag:s8] =	ssyncset.done $0x0  }
0x54: {  	s30 =	simm.s32 $0x190;
	[sflag:s8] =	ssyncadd.s32 $0xFFFFD800  }
0x55: {  	[tilespmem:s25], [sflag:$0x3] =	stream.indirect.gather [hbm4b:s4+s19], $0x80, s30, s19, $0xb8;
	[tilespmem:$0x1FEA0] =	vst v63  }
0x56: {  	_ =	swait.ge [sflag:s26], $0x2800  }
0x57: {  	[sflag:s26] =	ssyncset.done $0x0  }
0x58: {  	s30 =	simm.s32 $0x2850;
	[sflag:s26] =	ssyncadd.s32 $0xFFFFD800  }
0x59: {  	[spmem:s1] =	stream.indirect.scatter.add.f32 [tilespmem:s21], [sflag:$0x5], $0x80, s30, s19, $0xb8;
	[tilespmem:$0x1FEA0] =	vst v63  }
0x5a: {  	_ =	swait.ge [sflag:s29], $0x2800  }
0x5b: {  	[sflag:s29] =	ssyncset.done $0x0  }
0x5c: {  	s30 =	simm.s32 $0x1E0;
	[sflag:s29] =	ssyncadd.s32 $0xFFFFD800  }
0x5d: {  	[tilespmem:s20], [sflag:$0x1] =	stream.indirect.gather [hbm4b:s4+s19], $0x80, s30, s19, $0xb8;
	[tilespmem:$0x1FEA0] =	vst v63  }
0x5e: {  	_ =	swait.ge [sflag:s31], $0x2800  }
0x5f: {  	[sflag:s31] =	ssyncset.done $0x0  }
0x60: {  	s30 =	simm.s32 $0x28A0;
	[sflag:s31] =	ssyncadd.s32 $0xFFFFD800  }
0x61: {  	[spmem:s1] =	stream.indirect.scatter.add.f32 [tilespmem:s25], [sflag:$0x6], $0x80, s30, s19, $0xb8;
	[tilespmem:$0x1FEA0] =	vst v63  }
0x62: {  	_ =	swait.ge [sflag:s3], $0x2800  }
0x63: {  	[sflag:s3] =	ssyncset.done $0x0  }
0x64: {  	s28 =	simm.s32 $0x230;
	s18 =	simm.s32 $0x3C0;
	[sflag:s3] =	ssyncadd.s32 $0xFFFFD800  }
.LBB2_6:
0x65: {  	[tilespmem:s21], [sflag:$0x2] =	stream.indirect.gather [hbm4b:s4+s19], $0x80, s28, s19, $0xb8;
	[tilespmem:$0x1FEA0] =	vst v63  }
0x66: {  	s28 =	smov.u32 s18  }
0x67: {  	p3 =	sne.s32 s18, $0x9240;
	s18 =	sadd.s32 $0x3C0, s18;
	_ =	swait.ge [sflag:s23], $0x2800  }
0x68: {  	s28 =	sshra.s32 s28, $0x2;
	[sflag:s23] =	ssyncset.done $0x0  }
0x69: {  	s30 =	sadd.s32 $0x2800, s28;
	[sflag:s23] =	ssyncadd.s32 $0xFFFFD800  }
0x6a: {  	[spmem:s1] =	stream.indirect.scatter.add.f32 [tilespmem:s20], [sflag:$0x4], $0x80, s30, s19, $0xb8;
	[tilespmem:$0x1FEA0] =	vst v63  }
0x6b: {  	_ =	swait.ge [sflag:s8], $0x2800  }
0x6c: {  	[sflag:s8] =	ssyncset.done $0x0  }
0x6d: {  	s30 =	sadd.s32 $0x190, s28;
	[sflag:s8] =	ssyncadd.s32 $0xFFFFD800  }
0x6e: {  	[tilespmem:s25], [sflag:$0x3] =	stream.indirect.gather [hbm4b:s4+s19], $0x80, s30, s19, $0xb8;
	[tilespmem:$0x1FEA0] =	vst v63  }
0x6f: {  	_ =	swait.ge [sflag:s26], $0x2800  }
0x70: {  	[sflag:s26] =	ssyncset.done $0x0  }
0x71: {  	s30 =	sadd.s32 $0x2850, s28;
	[sflag:s26] =	ssyncadd.s32 $0xFFFFD800  }
0x72: {  	[spmem:s1] =	stream.indirect.scatter.add.f32 [tilespmem:s21], [sflag:$0x5], $0x80, s30, s19, $0xb8;
	[tilespmem:$0x1FEA0] =	vst v63  }
0x73: {  	_ =	swait.ge [sflag:s29], $0x2800  }
0x74: {  	[sflag:s29] =	ssyncset.done $0x0  }
0x75: {  	s30 =	sadd.s32 $0x1E0, s28;
	[sflag:s29] =	ssyncadd.s32 $0xFFFFD800  }
0x76: {  	[tilespmem:s20], [sflag:$0x1] =	stream.indirect.gather [hbm4b:s4+s19], $0x80, s30, s19, $0xb8;
	[tilespmem:$0x1FEA0] =	vst v63  }
0x77: {  	_ =	swait.ge [sflag:s31], $0x2800  }
0x78: {  	[sflag:s31] =	ssyncset.done $0x0  }
.Ltmp4:
0x79: {  	s30 =	sadd.s32 $0x28A0, s28;
	[sflag:s31] =	ssyncadd.s32 $0xFFFFD800;
	(pc) =	sbr.rel @p3 .LBB2_6-.Ltmp4, $4  }
0x7a: {  	[spmem:s1] =	stream.indirect.scatter.add.f32 [tilespmem:s25], [sflag:$0x6], $0x80, s30, s19, $0xb8;
	[tilespmem:$0x1FEA0] =	vst v63  }
0x7b: {  	_ =	swait.ge [sflag:s3], $0x2800  }
0x7c: {  	[sflag:s3] =	ssyncset.done $0x0  }
0x7d: {  	s28 =	sadd.s32 $0x230, s28;
	[sflag:s3] =	ssyncadd.s32 $0xFFFFD800  }
0x7e: {  	[tilespmem:s21], [sflag:$0x2] =	stream.indirect.gather [hbm4b:s4+s19], $0x80, s28, s19, $0xb8;
	[tilespmem:$0x1FEA0] =	vst v63  }
0x7f: {  	_ =	swait.ge [sflag:s23], $0x2800  }
0x80: {  	[sflag:s23] =	ssyncset.done $0x0  }
0x81: {  	[sflag:s23] =	ssyncadd.s32 $0xFFFFD800  }
0x82: {  	[spmem:s1] =	stream.indirect.scatter.add.f32 [tilespmem:s20], [sflag:$0x4], $0x80, s5, s19, $0xb8;
	[tilespmem:$0x1FEA0] =	vst v63  }
0x83: {  	_ =	swait.ge [sflag:s8], $0x2800  }
0x84: {  	[sflag:s8] =	ssyncset.done $0x0  }
0x85: {  	[sflag:s8] =	ssyncadd.s32 $0xFFFFD800  }
0x86: {  	_ =	swait.ge [sflag:s26], $0x2800  }
0x87: {  	[sflag:s26] =	ssyncset.done $0x0  }
0x88: {  	[sflag:s26] =	ssyncadd.s32 $0xFFFFD800  }
0x89: {  	[spmem:s1] =	stream.indirect.scatter.add.f32 [tilespmem:s21], [sflag:$0x5], $0x80, s24, s19, $0xb8;
	[tilespmem:$0x1FEA0] =	vst v63  }
0x8a: {  	_ =	swait.ge [sflag:s29], $0x2800  }
0x8b: {  	[sflag:s29] =	ssyncset.done $0x0  }
0x8c: {  	[sflag:s29] =	ssyncadd.s32 $0xFFFFD800  }
0x8d: {  	_ =	swait.ge [sflag:s3], $0x2800  }
0x8e: {  	[sflag:s3] =	ssyncset.done $0x0  }
0x8f: {  	[sflag:s3] =	ssyncadd.s32 $0xFFFFD800  }
0x90: {  	s18 =	sor.u32 $0x1C07, s14;
	[bflag:$0x0] =	sbarrier.arrive $0xFFFF  }
0x91: {  	[hbm:s11], [sflag:s18] =	dma.local [spmem:s16], $0x2700  }
0x92: {  	_ =	swait.ge [sflag:s17], $0x2700  }
0x93: {  	s2 =	sadd.s32 $0x1, s2;
	[sflag:s17] =	ssyncset.done $0x0  }
0x94: {  	s28 =	sshrl.u32 @!p1 s7, $0x3;
	p3 =	sne.s32 s2, s13;
	[sflag:s17] =	ssyncadd.s32 $0xFFFFD900  }
0x95: {  	[hbm:s12], [sflag:s18] =	dma.local @!p1 [spmem:s28], $0x100  }
.Ltmp5:
0x96: {  	_ = 	snop;
	(pc) =	sbr.rel @p3 .LBB2_1-.Ltmp5, $4  }
0x97: {  	s18 =	simm.s32 @!p1 $0x7  }
0x98: {  	_ =	swait.ge @!p1 [sflag:s18], $0x100  }
0x99: {  	[sflag:s18] =	ssyncset.done @!p1 $0x0  }
0x9a: {  	[sflag:s18] =	ssyncadd.s32 @!p1 $0xFFFFFF00  }
0x9b: {  	_ =	sfence.sel $0x180000  }
0x9c: {  	[bflag:$0x0] =	sbarrier.arrive $0xFFFF  }
0x9d: {  	_ =	strace $0x9000004A  }
0x9e: {  	s0 =	stileid.u32;
	[bflag:$0x2] =	sbarrier.arrive $0xFFFF  }
0x9f: {  	p0 =	sne.s32 s0, $0x0;
	s0 =	rddreg [dreg:$0x2]  }
0xa0: {  	s0 =	sadd.s32 @!p0 $0x100000, s0  }
0xa1: {  	[sflag:s0] =	ssyncadd.tile.s32 @!p0 $0x1;
	_ =	shalt  }
.Lfunc_end2:
_tile_overlayer_lowered:
.L_overlay_start_2:
0xa2: {  	(tag) =	ssettag $0x2  }
0xa3: {  	s0 =	rddreg [dreg:$0x0];
	s2 =	stileid.u32  }
0xa4: {  	s1 =	rddreg [dreg:$0x1];
	p0 =	sne.s32 s2, $0x0  }
0xa5: {  	s3 =	rddreg [dreg:$0x2];
	[bflag:$0x3] =	sbarrier.arrive $0xFFFF;
	s2 =	simm.s32 @!p0 $0x1C07  }
0xa6: {  	[timem:s3], [sflag:s2] =	dma.local @!p0 [hbm:s0], s1  }
0xa7: {  	s0 =	simm.s32 @!p0 $0x7  }
0xa8: {  	_ =	swait.ge @!p0 [sflag:s0], s1  }
0xa9: {  	s1 =	ssub.s32 @!p0 $0x0, s1;
	[sflag:s0] =	ssyncset.done @!p0 $0x0  }
0xaa: {  	[sflag:s0] =	ssyncadd.s32 @!p0 s1  }
0xab: {  	[bflag:$0x3] =	sbarrier.arrive $0xFFFF  }
0xac: {  	_ =	shalt  }

// kernel: kernel.14.cloned.1.call-start
scs
__scs_entry_jumppad:
0x0: {  	(pc) =	sbr.rel $0x88, $3  }
0x1: {  	(tag) =	ssettag $0x0;
	lr =	simm.s32 $0x1  }
0x2: {  	[smem:$0x3F9B] =	sst lr;
	_ =	strace $0xD0000000  }
0x3: {  	_ = 	snop  }
0x4: {  	_ = 	snop  }
0x5: {  	_ = 	snop  }
0x6: {  	_ = 	snop  }
0x7: {  	_ = 	snop  }
__scs_overlays_trampoline_lowered:
0x8: {  	[smem:$0x3FAA] =	sst s0  }
0x9: {  	[smem:$0x3FAB] =	sst s1  }
0xa: {  	[smem:$0x3FAC] =	sst s2  }
0xb: {  	[smem:$0x3FAD] =	sst s3  }
0xc: {  	[smem:$0x3FAE] =	sst s4  }
0xd: {  	[smem:$0x3FAF] =	sst s5  }
0xe: {  	[smem:$0x3FB0] =	sst s6  }
0xf: {  	[smem:$0x3FB1] =	sst s7  }
0x10: {  	[smem:$0x3FB2] =	sst s8  }
0x11: {  	[smem:$0x3FB3] =	sst s9;
	s0 =	simm.s32 @!p0 $0x0  }
0x12: {  	s1 =	sld [smem:$0x3F99];
	s0 =	simm.s32 @p0 $0x1  }
0x13: {  	[smem:$0x3FB4] =	sst s0;
	s0 =	simm.s32 @!p1 $0x0  }
0x14: {  	s2 =	sld [smem:$0x3F98];
	s0 =	simm.s32 @p1 $0x1  }
0x15: {  	[smem:$0x3FB5] =	sst s0;
	s0 =	simm.s32 @!p2 $0x0  }
0x16: {  	s3 =	sld [smem:$0x3FDB];
	s0 =	simm.s32 @p2 $0x1  }
0x17: {  	s4 =	simm.s32 $0x1BF5;
	[smem:$0x3FB7] =	sst s0  }
0x18: {  	s0 =	sld [smem:$0x3F9A];
	_ =	swait.ge [sflag:s4], $0x0  }
0x19: {  	s7 =	sld [smem:$0x3F9B]  }
0x1a: {  	s8 =	sadd.s32 $0xFFFFE003, lr  }
0x1b: {  	s9 =	sadd.s32 $0xFFFFFEF7, lr;
	s5 =	simm.s32 $0xFFFFFFFF;
	p2 =	slt.u32 s8, $0xFFFFF086  }
0x1c: {  	p1 =	slt.u32 s9, $0xF7A;
	s5 =	simm.s32 @!p2 $0x0  }
0x1d: {  	s5 =	simm.s32 @p1 $0x1;
	p0 =	seq.s32 s7, s2  }
0x1e: {  	s7 =	smul.u32 @!p0 $0xF7A, s2;
	p2 =	seq.s32 @!p0 s5, $0x0  }
0x1f: {  	s9 =	smul.u32 $0xF7A, s1;
	s8 =	simm.s32 @!p0 $0x1BF5;
	p2 =	por !p2, p0  }
0x20: {  	[sflag:s8] =	ssyncset.s32 @!p0 $0xFFFFF086;
	s6 =	sadd.s32 @!p0 s3, s7;
	s7 =	simm.s32 @!p0 $0x108  }
0x21: {  	s3 =	sadd.s32 s3, s9;
	s6 =	sadd.s32 @!p0 $0x88, s6;
	s7 =	simm.s32 @p2 $0x1082  }
0x22: {  	[simem:s7], [sflag:s8] =	dma.local @!p0 [hbm:s6], $0xF7A  }
0x23: {  	s9 =	sor.u32 $0xD0000000, s2;
	s6 =	simm.s32 $0x108;
	_ =	swait.ge @!p0 [sflag:s8], $0x0  }
0x24: {  	s3 =	sadd.s32 $0x88, s3;
	s6 =	simm.s32 @!p1 $0x1082;
	[sflag:s4] =	ssyncset.s32 $0xFFFFF086  }
0x25: {  	[simem:s6], [sflag:s4] =	dma.local [hbm:s3], $0xF7A  }
0x26: {  	[smem:$0x3F9B] =	sst s1;
	(tag) =	ssettag s2;
	_ =	strace s9  }
0x27: {  	s1 =	sld [smem:$0x3FAB]  }
0x28: {  	s2 =	sld [smem:$0x3FAC]  }
0x29: {  	s4 =	sld [smem:$0x3FAE]  }
0x2a: {  	p0 =	seq.s32 s5, $0x0;
	s5 =	sld [smem:$0x3FAF]  }
0x2b: {  	s6 =	sld [smem:$0x3FB0]  }
0x2c: {  	s7 =	sld [smem:$0x3FB1]  }
0x2d: {  	s3 =	simm.s32 $0x108;
	s8 =	sld [smem:$0x3FB2]  }
0x2e: {  	s3 =	simm.s32 @!p0 $0x1082;
	s9 =	sld [smem:$0x3FB3]  }
0x2f: {  	lr =	sadd.s32 s0, s3;
	s0 =	sld [smem:$0x3FAA]  }
0x30: {  	s3 =	sld [smem:$0x3FAD]  }
0x31: {  	[smem:$0x3FB6] =	sst s10  }
0x32: {  	s10 =	sld [smem:$0x3FB4];
	_ =	sdelay $0x3  }
0x33: {  	p0 =	seq.s32 s10, $0x1;
	s10 =	sld [smem:$0x3FB6];
	_ =	sdelay $0x3  }
0x34: {  	[smem:$0x3FB6] =	sst s10  }
0x35: {  	s10 =	sld [smem:$0x3FB5];
	_ =	sdelay $0x3  }
0x36: {  	p1 =	seq.s32 s10, $0x1;
	s10 =	sld [smem:$0x3FB6];
	_ =	sdelay $0x3  }
0x37: {  	[smem:$0x3FB6] =	sst s10  }
0x38: {  	s10 =	sld [smem:$0x3FB7]  }
0x39: {  	_ = 	snop;
	(pc) =	sbr.ind lr, $3  }
0x3a: {  	_ = 	snop  }
0x3b: {  	_ = 	snop  }
0x3c: {  	p2 =	seq.s32 s10, $0x1;
	s10 =	sld [smem:$0x3FB6]  }
0x3d: {  	_ =	shalt  }
0x3e: {  	_ =	shalt  }
0x3f: {  	_ =	shalt  }
0x40: {  	_ =	shalt  }
0x41: {  	_ =	shalt  }
0x42: {  	_ =	shalt  }
0x43: {  	_ =	shalt  }
0x44: {  	_ =	shalt  }
0x45: {  	_ =	shalt  }
0x46: {  	_ =	shalt  }
0x47: {  	_ =	shalt  }
0x48: {  	_ =	shalt  }
0x49: {  	_ =	shalt  }
0x4a: {  	_ =	shalt  }
0x4b: {  	_ =	shalt  }
0x4c: {  	_ =	shalt  }
0x4d: {  	_ =	shalt  }
0x4e: {  	_ =	shalt  }
0x4f: {  	_ =	shalt  }
0x50: {  	_ =	shalt  }
0x51: {  	_ =	shalt  }
0x52: {  	_ =	shalt  }
0x53: {  	_ =	shalt  }
0x54: {  	_ =	shalt  }
0x55: {  	_ =	shalt  }
0x56: {  	_ =	shalt  }
0x57: {  	_ =	shalt  }
0x58: {  	_ =	shalt  }
0x59: {  	_ =	shalt  }
0x5a: {  	_ =	shalt  }
0x5b: {  	_ =	shalt  }
0x5c: {  	_ =	shalt  }
0x5d: {  	_ =	shalt  }
0x5e: {  	_ =	shalt  }
0x5f: {  	_ =	shalt  }
0x60: {  	_ =	shalt  }
0x61: {  	_ =	shalt  }
0x62: {  	_ =	shalt  }
0x63: {  	_ =	shalt  }
0x64: {  	_ =	shalt  }
0x65: {  	_ =	shalt  }
0x66: {  	_ =	shalt  }
0x67: {  	_ =	shalt  }
0x68: {  	_ =	shalt  }
0x69: {  	_ =	shalt  }
0x6a: {  	_ =	shalt  }
0x6b: {  	_ =	shalt  }
0x6c: {  	_ =	shalt  }
0x6d: {  	_ =	shalt  }
0x6e: {  	_ =	shalt  }
0x6f: {  	_ =	shalt  }
0x70: {  	_ =	shalt  }
0x71: {  	_ =	shalt  }
0x72: {  	_ =	shalt  }
0x73: {  	_ =	shalt  }
0x74: {  	_ =	shalt  }
0x75: {  	_ =	shalt  }
0x76: {  	_ =	shalt  }
0x77: {  	_ =	shalt  }
0x78: {  	_ =	shalt  }
0x79: {  	_ =	shalt  }
0x7a: {  	_ =	shalt  }
0x7b: {  	_ =	shalt  }
0x7c: {  	_ =	shalt  }
0x7d: {  	_ =	shalt  }
0x7e: {  	_ =	shalt  }
0x7f: {  	_ =	shalt  }
0x80: {  	_ =	shalt  }
0x81: {  	_ =	shalt  }
0x82: {  	_ =	shalt  }
0x83: {  	_ =	shalt  }
0x84: {  	_ =	shalt  }
0x85: {  	_ =	shalt  }
0x86: {  	_ =	shalt  }
0x87: {  	_ =	shalt  }
.Lfunc_end0:
.L_simem_size_0:
called_computation.2_lowered:
.L_overlay_start_0:
0x88: {  	s2 =	sld [smem:$0x3FD9]  }
0x89: {  	s3 =	sld [smem:$0x3FFE];
	_ =	sdelay $0x1  }
0x8a: {  	s1 =	srdreg.scid  }
0x8b: {  	s0 =	sand.u32 $0x1, s1  }
0x8c: {  	s17 =	sshll.u32 s0, $0xA;
	s2 =	sadd.s32 s3, s2  }
0x8d: {  	s2 =	sadd.s32 s2, s17  }
0x8e: {  	[smem:$0x3FC2] =	sst s2  }
0x8f: {  	_ = 	snop  }
0x90: {  	s2 =	sld [smem:$0x3FD0];
	(tm) =	ssettm $0x1  }
0x91: {  	s18 =	sld [smem:$0x3FFB];
	_ =	sdelay $0x3  }
0x92: {  	_ =	strace s18  }
0x93: {  	s3 =	sld [smem:$0x3FFC];
	_ =	sdelay $0x3  }
0x94: {  	_ =	strace s3  }
0x95: {  	s3 =	sld [smem:$0x3FFD];
	_ =	sdelay $0x3  }
0x96: {  	_ =	strace s3  }
0x97: {  	_ =	strace $0x8FFFFFFF  }
0x98: {  	s19 =	sld [smem:$0x3FDB];
	_ =	sdelay $0x1  }
0x99: {  	s4 =	simm.s32 $_scs_section_size  }
0x9a: {  	s5 =	simm.s32 $_size__tile_overlayer_lowered;
	s6 =	simm.s32 $_tile_overlayer_lowered  }
0x9b: {  	s22 =	simm.s32 $0x1BFF;
	s21 =	sshll.u32 s6, $0x1;
	s3 =	sadd.s32 s4, s19  }
0x9c: {  	s7 =	simm.s32 $0x0;
	s20 =	sshll.u32 s5, $0x1;
	s5 =	sadd.s32 s21, s3  }
0x9d: {  	[timem:s7], [sflag:s22] =	dma.local [hbm:s5], s20  }
0x9e: {  	_ =	swait.ge [sflag:s22], s20  }
0x9f: {  	s4 =	ssub.s32 $0x0, s20;
	[sflag:s22] =	ssyncset.done $0x0  }
0xa0: {  	[sflag:s22] =	ssyncadd.s32 s4;
	_ =	sdelay $0x1  }
0xa1: {  	s23 =	simm.s32 $0x1B8B  }
0xa2: {  	_ =	swait.ge [sflag:s23], $0x1  }
0xa3: {  	[sflag:s23] =	ssyncset.done $0x0  }
0xa4: {  	s25 =	simm.s32 $0x1B8E;
	s24 =	sld [smem:$0x3FFE];
	[sflag:s23] =	ssyncadd.s32 $0xFFFFFFFF  }
0xa5: {  	s26 =	simm.s32 $execute0_lowered;
	[smem:$0x3FD2] =	sst s25  }
0xa6: {  	s5 =	sshll.u32 s26, $0x1;
	_ =	strace $0x8000004C;
	[dreg:$0x1] =	wrdreg $0xFFFFFFFF  }
0xa7: {  	s28 =	simm.s32 $_size_execute0_lowered;
	s3 =	sadd.s32 s3, s5;
	[dreg:$0x0] =	wrdreg $0x0  }
0xa8: {  	s5 =	sshll.u32 s28, $0x1;
	[dreg:$0x2] =	wrdreg s3  }
0xa9: {  	[dreg:$0x3] =	wrdreg s5  }
0xaa: {  	[dreg:$0x4] =	wrdreg $0xC0  }
0xab: {  	_ =	task [dreg:s7], $0x5FFFF  }
0xac: {  	[dreg:$0x1] =	wrdreg $0xFFFFFFFF  }
0xad: {  	[dreg:$0x0] =	wrdreg $0x60  }
0xae: {  	[dreg:$0x2] =	wrdreg s24  }
0xaf: {  	[dreg:$0x3] =	wrdreg s2  }
0xb0: {  	[dreg:$0x4] =	wrdreg $0x77A80  }
0xb1: {  	[dreg:$0x5] =	wrdreg $0x75300  }
0xb2: {  	[dreg:$0x6] =	wrdreg $0x9  }
0xb3: {  	_ =	task.clear_ibuf [dreg:s7], $0x7FFFF;
	_ =	strace $0x9000004C  }
0xb4: {  	s29 =	simm.s32 $0x9;
	_ =	strace $0x8000004E  }
0xb5: {  	_ =	swait.ge [sflag:s29], $0x1  }
0xb6: {  	[sflag:s29] =	ssyncadd.s32 $0xFFFFFFFF  }
0xb7: {  	_ =	strace $0x9000004E  }
0xb8: {  	_ =	sfence  }
0xb9: {  	s30 =	sld [smem:$0x0];
	_ =	sdelay $0x2  }
0xba: {  	s31 =	sshll.u32 s1, $0xD;
	s1 =	sshrl.u32 s1, $0x2  }
0xbb: {  	s3 =	sand.u32 $0x4000, s31;
	s1 =	sadd.s32 s1, s30  }
0xbc: {  	s0 =	sor.u32 s3, s0;
	s1 =	sshll.u32 s1, $0x11  }
0xbd: {  	s0 =	sor.u32 s1, s0  }
0xbe: {  	s0 =	sadd.s32 $0x8F2B, s0  }
0xbf: {  	[sflag:s0] =	ssyncadd.remote.s32 $0x1  }
0xc0: {  	_ =	sfence.sel $0xFFFF  }
0xc1: {  	[dreg:$0x0] =	wrdreg $0xFFFFFFFF;
	(pc) =	sbr.abs _section_cstart, $3  }
0xc2: {  	[dreg:$0x1] =	wrdreg $0xFFFFFFFF  }
0xc3: {  	_ =	task.clear_ibuf [dreg:s7], $0x2FFFF;
	_ =	strace $0x9FFFFFFF  }
0xc4: {  	(tm) =	ssettm $0x7FFFFFFF  }
0xc5: {  	_ =	shalt  }
tec
execute0_lowered:
.L_overlay_start_1:
0x0: {  	(tag) =	ssettag $0x1  }
0x1: {  	s6 =	rddreg [dreg:$0x0]  }
0x2: {  	s1 =	rddreg [dreg:$0x1]  }
0x3: {  	s2 =	rddreg [dreg:$0x2]  }
0x4: {  	s3 =	rddreg [dreg:$0x3]  }
0x5: {  	s4 =	srdreg.scid;
	s9 =	stileid.u32  }
0x6: {  	s0 =	rddreg [dreg:$0x4];
	s12 =	simm.s32 $0x3;
	s13 =	simm.s32 $0x2710  }
0x7: {  	s14 =	simm.s32 $0x50;
	s15 =	simm.s32 $0x1;
	s16 =	simm.s32 $0x2  }
0x8: {  	s17 =	simm.s32 $0x0;
	s5 =	sand.u32 $0x1, s4;
	s7 =	sshll.u32 s9, $0x1  }
0x9: {  	s4 =	simm.s32 $0x0;
	p0 =	sne.s32 s9, $0x0;
	s8 =	smul.u32 $0x4E2, s5  }
0xa: {  	s7 =	sor.u32 s5, s7;
	[smem:$0x7FF] =	sst s4;
	s10 =	ssub.s32 $0x2, s5  }
0xb: {  	s5 =	sadd.s32 $0x13C00, s6;
	s7 =	smul.u32 $0x4E2, s7;
	s11 =	sshrl.u32 s10, $0x1  }
0xc: {  	_ =	strace $0x8000004D;
	s8 =	sadd.s32 s8, s6;
	s10 =	ssub.s32 s10, s11  }
0xd: {  	s11 =	sshrl.u32 @!p0 s3, $0x3;
	s6 =	sadd.s32 s6, s7;
	s8 =	sadd.s32 $0x14200, s8  }
0xe: {  	s9 =	smax.u32 s10, $0x1;
	s10 =	sshrl.u32 @!p0 s2, $0x3;
	s7 =	sadd.s32 $0x9E00, s6  }
.LBB2_1:
0xf: {  	s18 =	simm.s32 @!p0 $0x1C03;
	s19 =	simm.s32 @!p0 $0x3  }
0x10: {  	[spmem:s10], [sflag:s18] =	dma.local @!p0 [hbm:s1], $0x4E2  }
0x11: {  	_ =	swait.ge @!p0 [sflag:s19], $0x4E2  }
0x12: {  	[sflag:s19] =	ssyncset.done @!p0 $0x0  }
0x13: {  	[sflag:s19] =	ssyncadd.s32 @!p0 $0xFFFFFB1E  }
0x14: {  	[spmem:s11], [sflag:s18] =	dma.local @!p0 [hbm:s5], $0x4E2  }
0x15: {  	_ =	swait.ge @!p0 [sflag:s19], $0x4E2  }
0x16: {  	[sflag:s19] =	ssyncset.done @!p0 $0x0  }
0x17: {  	[sflag:s19] =	ssyncadd.s32 @!p0 $0xFFFFFB1E  }
0x18: {  	[tilespmem:s4], [sflag:$0x3] =	stream.linear.gather [hbm4b:s6+s4], $0x2710, $0x38;
	[tilespmem:$0x7A20] =	vst v63  }
0x19: {  	_ =	swait.ge [sflag:s12], $0x2710  }
0x1a: {  	[sflag:s12] =	ssyncset.done $0x0  }
0x1b: {  	[sflag:s12] =	ssyncadd.s32 $0xFFFFD8F0  }
0x1c: {  	[tilespmem:s13], [sflag:$0x3] =	stream.linear.gather [hbm4b:s7+s4], $0x2710, $0x38;
	[tilespmem:$0x7A20] =	vst v63  }
0x1d: {  	_ =	swait.ge [sflag:s12], $0x2710  }
0x1e: {  	[sflag:s12] =	ssyncset.done $0x0  }
0x1f: {  	[sflag:s12] =	ssyncadd.s32 $0xFFFFD8F0  }
0x20: {  	s18 =	simm.s32 $0x0;
	[bflag:$0x0] =	sbarrier.arrive $0xFFFF  }
.LBB2_2:
0x21: {  	p1 =	sne.s32 s18, $0x9B00  }
.Ltmp0:
0x22: {  	_ = 	snop;
	(pc) =	sbr.rel @p1 .LBB2_2-.Ltmp0, $4  }
0x23: {  	_ = 	snop  }
0x24: {  	s19 =	sshra.s32 s18, $0x2  }
0x25: {  	s18 =	sadd.s32 $0x140, s18;
	s20 =	sadd.s32 $0x4E20, s19  }
0x26: {  	[tilespmem:s20], [sflag:$0x1] =	stream.indirect.gather [spmem:s3], $0x1, s19, s14, $0xb8;
	[tilespmem:$0x7A20] =	vst v63  }
0x27: {  	_ =	swait.ge [sflag:s15], $0x50  }
0x28: {  	s18 =	simm.s32 $0x140;
	[sflag:s15] =	ssyncset.done $0x0  }
0x29: {  	s19 =	simm.s32 $0x4E20;
	s20 =	simm.s32 $0x2710;
	[sflag:s15] =	ssyncadd.s32 $0xFFFFFFB0  }
.LBB2_4:
0x2a: {  	[spmem:s2] =	stream.indirect.scatter.add.f32 [tilespmem:s19], [sflag:$0x2], $0x1, s20, s14, $0xb8;
	[tilespmem:$0x7A20] =	vst v63  }
0x2b: {  	s19 =	smov.u32 s18;
	p1 =	sne.s32 s18, $0x9B00  }
.Ltmp1:
0x2c: {  	s18 =	sadd.s32 $0x140, s18;
	(pc) =	sbr.rel @p1 .LBB2_4-.Ltmp1, $4  }
0x2d: {  	_ = 	snop  }
0x2e: {  	_ =	swait.ge [sflag:s15], $0x50  }
0x2f: {  	s20 =	sshra.s32 s19, $0x2;
	[sflag:s15] =	ssyncset.done $0x0  }
0x30: {  	s19 =	sadd.s32 $0x4E20, s20;
	s20 =	sadd.s32 $0x2710, s20;
	[sflag:s15] =	ssyncadd.s32 $0xFFFFFFB0  }
0x31: {  	[spmem:s2] =	stream.indirect.scatter.add.f32 [tilespmem:s19], [sflag:$0x2], $0x1, s20, s14, $0xb8;
	[tilespmem:$0x7A20] =	vst v63  }
0x32: {  	_ =	swait.ge [sflag:s16], $0x50  }
0x33: {  	s18 =	simm.s32 $0x7C;
	[sflag:s16] =	ssyncset.done $0x0  }
.LBB2_6:
0x34: {  	p1 =	sne.s32 s18, $0x1;
	s18 =	sadd.s32 $0xFFFFFFFF, s18;
	[sflag:s16] =	ssyncadd.s32 $0xFFFFFFB0  }
.Ltmp2:
0x35: {  	(pc) =	sbr.rel @p1 .LBB2_6-.Ltmp2, $3  }
0x36: {  	_ =	sdelay $0x1  }
0x37: {  	_ =	swait.ge [sflag:s16], $0x50  }
0x38: {  	[sflag:s16] =	ssyncset.done $0x0  }
0x39: {  	[sflag:s16] =	ssyncadd.s32 $0xFFFFFFB0;
	s17 =	sadd.s32 $0x1, s17  }
0x3a: {  	s18 =	simm.s32 @!p0 $0x1C03;
	[bflag:$0x0] =	sbarrier.arrive $0xFFFF;
	p1 =	sne.s32 s17, s9  }
0x3b: {  	[hbm:s8], [sflag:s18] =	dma.local @!p0 [spmem:s10], $0x4E2  }
.Ltmp3:
0x3c: {  	_ = 	snop;
	(pc) =	sbr.rel @p1 .LBB2_1-.Ltmp3, $4  }
0x3d: {  	s18 =	simm.s32 @!p0 $0x3  }
0x3e: {  	_ =	swait.ge @!p0 [sflag:s18], $0x4E2  }
0x3f: {  	[sflag:s18] =	ssyncset.done @!p0 $0x0  }
0x40: {  	[sflag:s18] =	ssyncadd.s32 @!p0 $0xFFFFFB1E  }
0x41: {  	_ =	sfence.sel $0x180000  }
0x42: {  	[bflag:$0x0] =	sbarrier.arrive $0xFFFF  }
0x43: {  	_ =	strace $0x9000004D  }
0x44: {  	s0 =	sadd.s32 @!p0 $0x100000, s0;
	[bflag:$0x2] =	sbarrier.arrive $0xFFFF  }
0x45: {  	[sflag:s0] =	ssyncadd.tile.s32 @!p0 $0x1;
	_ =	shalt  }
.Lfunc_end2:
_tile_overlayer_lowered:
.L_overlay_start_2:
0x46: {  	(tag) =	ssettag $0x2  }
0x47: {  	s0 =	rddreg [dreg:$0x0];
	s2 =	stileid.u32  }
0x48: {  	s1 =	rddreg [dreg:$0x1];
	p0 =	sne.s32 s2, $0x0  }
0x49: {  	s3 =	rddreg [dreg:$0x2];
	[bflag:$0x3] =	sbarrier.arrive $0xFFFF;
	s2 =	simm.s32 @!p0 $0x1C03  }
0x4a: {  	[timem:s3], [sflag:s2] =	dma.local @!p0 [hbm:s0], s1  }
0x4b: {  	s0 =	simm.s32 @!p0 $0x3  }
0x4c: {  	_ =	swait.ge @!p0 [sflag:s0], s1  }
0x4d: {  	s1 =	ssub.s32 @!p0 $0x0, s1;
	[sflag:s0] =	ssyncset.done @!p0 $0x0  }
0x4e: {  	[sflag:s0] =	ssyncadd.s32 @!p0 s1  }
0x4f: {  	[bflag:$0x3] =	sbarrier.arrive $0xFFFF  }
0x50: {  	_ =	shalt  }

// kernel: kernel.8.cloned.1.call-start
scs
__scs_entry_jumppad:
0x0: {  	(pc) =	sbr.rel $0x88, $3  }
0x1: {  	(tag) =	ssettag $0x0;
	lr =	simm.s32 $0x1  }
0x2: {  	[smem:$0x3F9B] =	sst lr;
	_ =	strace $0xD0000000  }
0x3: {  	_ = 	snop  }
0x4: {  	_ = 	snop  }
0x5: {  	_ = 	snop  }
0x6: {  	_ = 	snop  }
0x7: {  	_ = 	snop  }
__scs_overlays_trampoline_lowered:
0x8: {  	[smem:$0x3FAA] =	sst s0  }
0x9: {  	[smem:$0x3FAB] =	sst s1  }
0xa: {  	[smem:$0x3FAC] =	sst s2  }
0xb: {  	[smem:$0x3FAD] =	sst s3  }
0xc: {  	[smem:$0x3FAE] =	sst s4  }
0xd: {  	[smem:$0x3FAF] =	sst s5  }
0xe: {  	[smem:$0x3FB0] =	sst s6  }
0xf: {  	[smem:$0x3FB1] =	sst s7  }
0x10: {  	[smem:$0x3FB2] =	sst s8  }
0x11: {  	[smem:$0x3FB3] =	sst s9;
	s0 =	simm.s32 @!p0 $0x0  }
0x12: {  	s1 =	sld [smem:$0x3F99];
	s0 =	simm.s32 @p0 $0x1  }
0x13: {  	[smem:$0x3FB4] =	sst s0;
	s0 =	simm.s32 @!p1 $0x0  }
0x14: {  	s2 =	sld [smem:$0x3F98];
	s0 =	simm.s32 @p1 $0x1  }
0x15: {  	[smem:$0x3FB5] =	sst s0;
	s0 =	simm.s32 @!p2 $0x0  }
0x16: {  	s3 =	sld [smem:$0x3FDB];
	s0 =	simm.s32 @p2 $0x1  }
0x17: {  	s4 =	simm.s32 $0x1BF5;
	[smem:$0x3FB7] =	sst s0  }
0x18: {  	s0 =	sld [smem:$0x3F9A];
	_ =	swait.ge [sflag:s4], $0x0  }
0x19: {  	s7 =	sld [smem:$0x3F9B]  }
0x1a: {  	s8 =	sadd.s32 $0xFFFFE003, lr  }
0x1b: {  	s9 =	sadd.s32 $0xFFFFFEF7, lr;
	s5 =	simm.s32 $0xFFFFFFFF;
	p2 =	slt.u32 s8, $0xFFFFF086  }
0x1c: {  	p1 =	slt.u32 s9, $0xF7A;
	s5 =	simm.s32 @!p2 $0x0  }
0x1d: {  	s5 =	simm.s32 @p1 $0x1;
	p0 =	seq.s32 s7, s2  }
0x1e: {  	s7 =	smul.u32 @!p0 $0xF7A, s2;
	p2 =	seq.s32 @!p0 s5, $0x0  }
0x1f: {  	s9 =	smul.u32 $0xF7A, s1;
	s8 =	simm.s32 @!p0 $0x1BF5;
	p2 =	por !p2, p0  }
0x20: {  	[sflag:s8] =	ssyncset.s32 @!p0 $0xFFFFF086;
	s6 =	sadd.s32 @!p0 s3, s7;
	s7 =	simm.s32 @!p0 $0x108  }
0x21: {  	s3 =	sadd.s32 s3, s9;
	s6 =	sadd.s32 @!p0 $0x88, s6;
	s7 =	simm.s32 @p2 $0x1082  }
0x22: {  	[simem:s7], [sflag:s8] =	dma.local @!p0 [hbm:s6], $0xF7A  }
0x23: {  	s9 =	sor.u32 $0xD0000000, s2;
	s6 =	simm.s32 $0x108;
	_ =	swait.ge @!p0 [sflag:s8], $0x0  }
0x24: {  	s3 =	sadd.s32 $0x88, s3;
	s6 =	simm.s32 @!p1 $0x1082;
	[sflag:s4] =	ssyncset.s32 $0xFFFFF086  }
0x25: {  	[simem:s6], [sflag:s4] =	dma.local [hbm:s3], $0xF7A  }
0x26: {  	[smem:$0x3F9B] =	sst s1;
	(tag) =	ssettag s2;
	_ =	strace s9  }
0x27: {  	s1 =	sld [smem:$0x3FAB]  }
0x28: {  	s2 =	sld [smem:$0x3FAC]  }
0x29: {  	s4 =	sld [smem:$0x3FAE]  }
0x2a: {  	p0 =	seq.s32 s5, $0x0;
	s5 =	sld [smem:$0x3FAF]  }
0x2b: {  	s6 =	sld [smem:$0x3FB0]  }
0x2c: {  	s7 =	sld [smem:$0x3FB1]  }
0x2d: {  	s3 =	simm.s32 $0x108;
	s8 =	sld [smem:$0x3FB2]  }
0x2e: {  	s3 =	simm.s32 @!p0 $0x1082;
	s9 =	sld [smem:$0x3FB3]  }
0x2f: {  	lr =	sadd.s32 s0, s3;
	s0 =	sld [smem:$0x3FAA]  }
0x30: {  	s3 =	sld [smem:$0x3FAD]  }
0x31: {  	[smem:$0x3FB6] =	sst s10  }
0x32: {  	s10 =	sld [smem:$0x3FB4];
	_ =	sdelay $0x3  }
0x33: {  	p0 =	seq.s32 s10, $0x1;
	s10 =	sld [smem:$0x3FB6];
	_ =	sdelay $0x3  }
0x34: {  	[smem:$0x3FB6] =	sst s10  }
0x35: {  	s10 =	sld [smem:$0x3FB5];
	_ =	sdelay $0x3  }
0x36: {  	p1 =	seq.s32 s10, $0x1;
	s10 =	sld [smem:$0x3FB6];
	_ =	sdelay $0x3  }
0x37: {  	[smem:$0x3FB6] =	sst s10  }
0x38: {  	s10 =	sld [smem:$0x3FB7]  }
0x39: {  	_ = 	snop;
	(pc) =	sbr.ind lr, $3  }
0x3a: {  	_ = 	snop  }
0x3b: {  	_ = 	snop  }
0x3c: {  	p2 =	seq.s32 s10, $0x1;
	s10 =	sld [smem:$0x3FB6]  }
0x3d: {  	_ =	shalt  }
0x3e: {  	_ =	shalt  }
0x3f: {  	_ =	shalt  }
0x40: {  	_ =	shalt  }
0x41: {  	_ =	shalt  }
0x42: {  	_ =	shalt  }
0x43: {  	_ =	shalt  }
0x44: {  	_ =	shalt  }
0x45: {  	_ =	shalt  }
0x46: {  	_ =	shalt  }
0x47: {  	_ =	shalt  }
0x48: {  	_ =	shalt  }
0x49: {  	_ =	shalt  }
0x4a: {  	_ =	shalt  }
0x4b: {  	_ =	shalt  }
0x4c: {  	_ =	shalt  }
0x4d: {  	_ =	shalt  }
0x4e: {  	_ =	shalt  }
0x4f: {  	_ =	shalt  }
0x50: {  	_ =	shalt  }
0x51: {  	_ =	shalt  }
0x52: {  	_ =	shalt  }
0x53: {  	_ =	shalt  }
0x54: {  	_ =	shalt  }
0x55: {  	_ =	shalt  }
0x56: {  	_ =	shalt  }
0x57: {  	_ =	shalt  }
0x58: {  	_ =	shalt  }
0x59: {  	_ =	shalt  }
0x5a: {  	_ =	shalt  }
0x5b: {  	_ =	shalt  }
0x5c: {  	_ =	shalt  }
0x5d: {  	_ =	shalt  }
0x5e: {  	_ =	shalt  }
0x5f: {  	_ =	shalt  }
0x60: {  	_ =	shalt  }
0x61: {  	_ =	shalt  }
0x62: {  	_ =	shalt  }
0x63: {  	_ =	shalt  }
0x64: {  	_ =	shalt  }
0x65: {  	_ =	shalt  }
0x66: {  	_ =	shalt  }
0x67: {  	_ =	shalt  }
0x68: {  	_ =	shalt  }
0x69: {  	_ =	shalt  }
0x6a: {  	_ =	shalt  }
0x6b: {  	_ =	shalt  }
0x6c: {  	_ =	shalt  }
0x6d: {  	_ =	shalt  }
0x6e: {  	_ =	shalt  }
0x6f: {  	_ =	shalt  }
0x70: {  	_ =	shalt  }
0x71: {  	_ =	shalt  }
0x72: {  	_ =	shalt  }
0x73: {  	_ =	shalt  }
0x74: {  	_ =	shalt  }
0x75: {  	_ =	shalt  }
0x76: {  	_ =	shalt  }
0x77: {  	_ =	shalt  }
0x78: {  	_ =	shalt  }
0x79: {  	_ =	shalt  }
0x7a: {  	_ =	shalt  }
0x7b: {  	_ =	shalt  }
0x7c: {  	_ =	shalt  }
0x7d: {  	_ =	shalt  }
0x7e: {  	_ =	shalt  }
0x7f: {  	_ =	shalt  }
0x80: {  	_ =	shalt  }
0x81: {  	_ =	shalt  }
0x82: {  	_ =	shalt  }
0x83: {  	_ =	shalt  }
0x84: {  	_ =	shalt  }
0x85: {  	_ =	shalt  }
0x86: {  	_ =	shalt  }
0x87: {  	_ =	shalt  }
.Lfunc_end0:
.L_simem_size_0:
called_computation_lowered:
.L_overlay_start_0:
0x88: {  	s2 =	sld [smem:$0x3FD9]  }
0x89: {  	s3 =	sld [smem:$0x3FFE];
	_ =	sdelay $0x1  }
0x8a: {  	s1 =	srdreg.scid  }
0x8b: {  	s0 =	sand.u32 $0x1, s1  }
0x8c: {  	s17 =	sshll.u32 s0, $0xA;
	s2 =	sadd.s32 s3, s2  }
0x8d: {  	s2 =	sadd.s32 s2, s17  }
0x8e: {  	[smem:$0x3FC2] =	sst s2  }
0x8f: {  	_ = 	snop  }
0x90: {  	s2 =	sld [smem:$0x3FD0];
	(tm) =	ssettm $0x1  }
0x91: {  	s18 =	sld [smem:$0x3FFB];
	_ =	sdelay $0x3  }
0x92: {  	_ =	strace s18  }
0x93: {  	s3 =	sld [smem:$0x3FFC];
	_ =	sdelay $0x3  }
0x94: {  	_ =	strace s3  }
0x95: {  	s3 =	sld [smem:$0x3FFD];
	_ =	sdelay $0x3  }
0x96: {  	_ =	strace s3  }
0x97: {  	_ =	strace $0x8FFFFFFF  }
0x98: {  	s19 =	sld [smem:$0x3FDB];
	_ =	sdelay $0x1  }
0x99: {  	s4 =	simm.s32 $_scs_section_size  }
0x9a: {  	s5 =	simm.s32 $_size__tile_overlayer_lowered;
	s6 =	simm.s32 $_tile_overlayer_lowered  }
0x9b: {  	s22 =	simm.s32 $0x1BFF;
	s21 =	sshll.u32 s6, $0x1;
	s3 =	sadd.s32 s4, s19  }
0x9c: {  	s7 =	simm.s32 $0x0;
	s20 =	sshll.u32 s5, $0x1;
	s5 =	sadd.s32 s21, s3  }
0x9d: {  	[timem:s7], [sflag:s22] =	dma.local [hbm:s5], s20  }
0x9e: {  	_ =	swait.ge [sflag:s22], s20  }
0x9f: {  	s4 =	ssub.s32 $0x0, s20;
	[sflag:s22] =	ssyncset.done $0x0  }
0xa0: {  	[sflag:s22] =	ssyncadd.s32 s4;
	_ =	sdelay $0x1  }
0xa1: {  	s23 =	simm.s32 $0x1B8B  }
0xa2: {  	_ =	swait.ge [sflag:s23], $0x1  }
0xa3: {  	[sflag:s23] =	ssyncset.done $0x0  }
0xa4: {  	s25 =	simm.s32 $0x1B8E;
	s24 =	sld [smem:$0x3FFE];
	[sflag:s23] =	ssyncadd.s32 $0xFFFFFFFF  }
0xa5: {  	s26 =	simm.s32 $execute0_lowered;
	[smem:$0x3FD2] =	sst s25  }
0xa6: {  	s5 =	sshll.u32 s26, $0x1;
	_ =	strace $0x80000046;
	[dreg:$0x1] =	wrdreg $0xFFFFFFFF  }
0xa7: {  	s28 =	simm.s32 $_size_execute0_lowered;
	s3 =	sadd.s32 s3, s5;
	[dreg:$0x0] =	wrdreg $0x0  }
0xa8: {  	s5 =	sshll.u32 s28, $0x1;
	[dreg:$0x2] =	wrdreg s3  }
0xa9: {  	[dreg:$0x3] =	wrdreg s5  }
0xaa: {  	[dreg:$0x4] =	wrdreg $0xC0  }
0xab: {  	_ =	task [dreg:s7], $0x5FFFF  }
0xac: {  	[dreg:$0x1] =	wrdreg $0xFFFFFFFF  }
0xad: {  	[dreg:$0x0] =	wrdreg $0x60  }
0xae: {  	[dreg:$0x2] =	wrdreg s24  }
0xaf: {  	[dreg:$0x3] =	wrdreg s2  }
0xb0: {  	[dreg:$0x4] =	wrdreg $0x28800  }
0xb1: {  	[dreg:$0x5] =	wrdreg $0x9  }
0xb2: {  	_ =	task.clear_ibuf [dreg:s7], $0x6FFFF;
	_ =	strace $0x90000046  }
0xb3: {  	s29 =	simm.s32 $0x9;
	_ =	strace $0x80000048  }
0xb4: {  	_ =	swait.ge [sflag:s29], $0x1  }
0xb5: {  	[sflag:s29] =	ssyncadd.s32 $0xFFFFFFFF  }
0xb6: {  	_ =	strace $0x90000048  }
0xb7: {  	_ =	sfence  }
0xb8: {  	s30 =	sld [smem:$0x0];
	_ =	sdelay $0x2  }
0xb9: {  	s31 =	sshll.u32 s1, $0xD;
	s1 =	sshrl.u32 s1, $0x2  }
0xba: {  	s3 =	sand.u32 $0x4000, s31;
	s1 =	sadd.s32 s1, s30  }
0xbb: {  	s0 =	sor.u32 s3, s0;
	s1 =	sshll.u32 s1, $0x11  }
0xbc: {  	s0 =	sor.u32 s1, s0  }
0xbd: {  	s0 =	sadd.s32 $0x8F2B, s0  }
0xbe: {  	[sflag:s0] =	ssyncadd.remote.s32 $0x1  }
0xbf: {  	_ =	sfence.sel $0xFFFF  }
0xc0: {  	[dreg:$0x0] =	wrdreg $0xFFFFFFFF;
	(pc) =	sbr.abs _section_cstart, $3  }
0xc1: {  	[dreg:$0x1] =	wrdreg $0xFFFFFFFF  }
0xc2: {  	_ =	task.clear_ibuf [dreg:s7], $0x2FFFF;
	_ =	strace $0x9FFFFFFF  }
0xc3: {  	(tm) =	ssettm $0x7FFFFFFF  }
tec
execute0_lowered:
.L_overlay_start_1:
0x0: {  	(tag) =	ssettag $0x1  }
0x1: {  	s4 =	rddreg [dreg:$0x0]  }
0x2: {  	s0 =	srdreg.scid;
	s1 =	rddreg [dreg:$0x1]  }
0x3: {  	s7 =	stileid.u32;
	s2 =	rddreg [dreg:$0x2]  }
0x4: {  	s3 =	simm.s32 $0x0;
	s10 =	simm.s32 $0x2800;
	s11 =	simm.s32 $0x1  }
0x5: {  	s12 =	simm.s32 $0x0;
	s5 =	sand.u32 $0x1, s0;
	s0 =	rddreg [dreg:$0x3]  }
0x6: {  	s31 =	sshll.u32 s7, $0x1;
	[smem:$0x7FF] =	sst s3;
	p0 =	sne.s32 s7, $0x0  }
0x7: {  	s6 =	sor.u32 s5, s31;
	s8 =	smul.u32 $0x4E2, s5;
	s5 =	ssub.s32 $0x2, s5  }
0x8: {  	_ =	strace $0x80000047;
	s6 =	smul.u32 $0x500, s6;
	s9 =	sshrl.u32 s5, $0x1  }
0x9: {  	s7 =	sshrl.u32 @!p0 s2, $0x3;
	s8 =	sadd.s32 s8, s4;
	s9 =	ssub.s32 s5, s9  }
0xa: {  	s6 =	sadd.s32 s6, s4;
	s5 =	sadd.s32 $0x1DC00, s8;
	s8 =	simm.s32 $0x2  }
0xb: {  	v0 =	vimm.f32 $1.000000000e+00;
	s4 =	sadd.s32 $0x13C00, s6;
	s6 =	smax.u32 s9, $0x1;
	s9 =	simm.s32 $0x7D  }
.LBB2_1:
0xc: {  	s13 =	simm.s32 @!p0 $0x1C02  }
0xd: {  	[spmem:s7], [sflag:s13] =	dma.local @!p0 [hbm:s1], $0x4E2  }
0xe: {  	s13 =	simm.s32 @!p0 $0x2  }
0xf: {  	_ =	swait.ge @!p0 [sflag:s13], $0x4E2  }
0x10: {  	[sflag:s13] =	ssyncset.done @!p0 $0x0  }
0x11: {  	[sflag:s13] =	ssyncadd.s32 @!p0 $0xFFFFFB1E  }
0x12: {  	[tilespmem:$0x2800] =	vst v0  }
0x13: {  	[tilespmem:$0x2810] =	vst v0  }
0x14: {  	[tilespmem:$0x2820] =	vst v0  }
0x15: {  	[tilespmem:$0x2830] =	vst v0  }
0x16: {  	[tilespmem:$0x2840] =	vst v0  }
0x17: {  	[tilespmem:$0x2850] =	vst v0  }
0x18: {  	[tilespmem:$0x2860] =	vst v0  }
0x19: {  	[tilespmem:$0x2870] =	vst v0  }
0x1a: {  	[tilespmem:s3], [sflag:$0x2] =	stream.linear.gather [hbm4b:s4+s3], $0x2800, $0x38;
	[tilespmem:$0x2AF8] =	vst v63  }
0x1b: {  	_ =	swait.ge [sflag:s8], $0x2800  }
0x1c: {  	[sflag:s8] =	ssyncset.done $0x0  }
0x1d: {  	[sflag:s8] =	ssyncadd.s32 $0xFFFFD800  }
0x1e: {  	s29 =	simm.s32 $0x0;
	[bflag:$0x0] =	sbarrier.arrive $0xFFFF  }
0x1f: {  	[spmem:s2] =	stream.indirect.scatter.add.f32 [tilespmem:s10], [sflag:$0x1], $0x1, s29, s9, $0xb8;
	[tilespmem:$0x2AF8] =	vst v63  }
0x20: {  	s30 =	simm.s32 $0x80  }
0x21: {  	[spmem:s2] =	stream.indirect.scatter.add.f32 [tilespmem:s10], [sflag:$0x1], $0x1, s30, s9, $0xb8;
	[tilespmem:$0x2AF8] =	vst v63  }
0x22: {  	s31 =	simm.s32 $0x100  }
0x23: {  	[spmem:s2] =	stream.indirect.scatter.add.f32 [tilespmem:s10], [sflag:$0x1], $0x1, s31, s9, $0xb8;
	[tilespmem:$0x2AF8] =	vst v63  }
0x24: {  	s14 =	simm.s32 $0x180  }
0x25: {  	[spmem:s2] =	stream.indirect.scatter.add.f32 [tilespmem:s10], [sflag:$0x1], $0x1, s14, s9, $0xb8;
	[tilespmem:$0x2AF8] =	vst v63  }
0x26: {  	s15 =	simm.s32 $0x200  }
0x27: {  	[spmem:s2] =	stream.indirect.scatter.add.f32 [tilespmem:s10], [sflag:$0x1], $0x1, s15, s9, $0xb8;
	[tilespmem:$0x2AF8] =	vst v63  }
0x28: {  	s16 =	simm.s32 $0x280  }
0x29: {  	[spmem:s2] =	stream.indirect.scatter.add.f32 [tilespmem:s10], [sflag:$0x1], $0x1, s16, s9, $0xb8;
	[tilespmem:$0x2AF8] =	vst v63  }
0x2a: {  	s17 =	simm.s32 $0x300  }
0x2b: {  	[spmem:s2] =	stream.indirect.scatter.add.f32 [tilespmem:s10], [sflag:$0x1], $0x1, s17, s9, $0xb8;
	[tilespmem:$0x2AF8] =	vst v63  }
0x2c: {  	s18 =	simm.s32 $0x380  }
0x2d: {  	[spmem:s2] =	stream.indirect.scatter.add.f32 [tilespmem:s10], [sflag:$0x1], $0x1, s18, s9, $0xb8;
	[tilespmem:$0x2AF8] =	vst v63  }
0x2e: {  	s19 =	simm.s32 $0x400  }
0x2f: {  	[spmem:s2] =	stream.indirect.scatter.add.f32 [tilespmem:s10], [sflag:$0x1], $0x1, s19, s9, $0xb8;
	[tilespmem:$0x2AF8] =	vst v63  }
0x30: {  	s20 =	simm.s32 $0x480  }
0x31: {  	[spmem:s2] =	stream.indirect.scatter.add.f32 [tilespmem:s10], [sflag:$0x1], $0x1, s20, s9, $0xb8;
	[tilespmem:$0x2AF8] =	vst v63  }
0x32: {  	s21 =	simm.s32 $0x500  }
0x33: {  	[spmem:s2] =	stream.indirect.scatter.add.f32 [tilespmem:s10], [sflag:$0x1], $0x1, s21, s9, $0xb8;
	[tilespmem:$0x2AF8] =	vst v63  }
0x34: {  	s22 =	simm.s32 $0x580  }
0x35: {  	[spmem:s2] =	stream.indirect.scatter.add.f32 [tilespmem:s10], [sflag:$0x1], $0x1, s22, s9, $0xb8;
	[tilespmem:$0x2AF8] =	vst v63  }
0x36: {  	s23 =	simm.s32 $0x600  }
0x37: {  	[spmem:s2] =	stream.indirect.scatter.add.f32 [tilespmem:s10], [sflag:$0x1], $0x1, s23, s9, $0xb8;
	[tilespmem:$0x2AF8] =	vst v63  }
0x38: {  	s24 =	simm.s32 $0x680  }
0x39: {  	[spmem:s2] =	stream.indirect.scatter.add.f32 [tilespmem:s10], [sflag:$0x1], $0x1, s24, s9, $0xb8;
	[tilespmem:$0x2AF8] =	vst v63  }
0x3a: {  	s25 =	simm.s32 $0x700  }
0x3b: {  	[spmem:s2] =	stream.indirect.scatter.add.f32 [tilespmem:s10], [sflag:$0x1], $0x1, s25, s9, $0xb8;
	[tilespmem:$0x2AF8] =	vst v63  }
0x3c: {  	s26 =	simm.s32 $0x780  }
0x3d: {  	[spmem:s2] =	stream.indirect.scatter.add.f32 [tilespmem:s10], [sflag:$0x1], $0x1, s26, s9, $0xb8;
	[tilespmem:$0x2AF8] =	vst v63  }
0x3e: {  	s28 =	simm.s32 $0x800  }
0x3f: {  	[spmem:s2] =	stream.indirect.scatter.add.f32 [tilespmem:s10], [sflag:$0x1], $0x1, s28, s9, $0xb8;
	[tilespmem:$0x2AF8] =	vst v63  }
0x40: {  	s29 =	simm.s32 $0x880  }
0x41: {  	[spmem:s2] =	stream.indirect.scatter.add.f32 [tilespmem:s10], [sflag:$0x1], $0x1, s29, s9, $0xb8;
	[tilespmem:$0x2AF8] =	vst v63  }
0x42: {  	s30 =	simm.s32 $0x900  }
0x43: {  	[spmem:s2] =	stream.indirect.scatter.add.f32 [tilespmem:s10], [sflag:$0x1], $0x1, s30, s9, $0xb8;
	[tilespmem:$0x2AF8] =	vst v63  }
0x44: {  	s31 =	simm.s32 $0x980  }
0x45: {  	[spmem:s2] =	stream.indirect.scatter.add.f32 [tilespmem:s10], [sflag:$0x1], $0x1, s31, s9, $0xb8;
	[tilespmem:$0x2AF8] =	vst v63  }
0x46: {  	_ =	swait.ge [sflag:s11], $0x7D  }
0x47: {  	[sflag:s11] =	ssyncset.done $0x0  }
0x48: {  	[sflag:s11] =	ssyncadd.s32 $0xFFFFFF83  }
0x49: {  	_ =	swait.ge [sflag:s11], $0x7D  }
0x4a: {  	[sflag:s11] =	ssyncset.done $0x0  }
0x4b: {  	[sflag:s11] =	ssyncadd.s32 $0xFFFFFF83  }
0x4c: {  	_ =	swait.ge [sflag:s11], $0x7D  }
0x4d: {  	[sflag:s11] =	ssyncset.done $0x0  }
0x4e: {  	[sflag:s11] =	ssyncadd.s32 $0xFFFFFF83  }
0x4f: {  	_ =	swait.ge [sflag:s11], $0x7D  }
0x50: {  	[sflag:s11] =	ssyncset.done $0x0  }
0x51: {  	[sflag:s11] =	ssyncadd.s32 $0xFFFFFF83  }
0x52: {  	_ =	swait.ge [sflag:s11], $0x7D  }
0x53: {  	[sflag:s11] =	ssyncset.done $0x0  }
0x54: {  	[sflag:s11] =	ssyncadd.s32 $0xFFFFFF83  }
0x55: {  	_ =	swait.ge [sflag:s11], $0x7D  }
0x56: {  	[sflag:s11] =	ssyncset.done $0x0  }
0x57: {  	[sflag:s11] =	ssyncadd.s32 $0xFFFFFF83  }
0x58: {  	_ =	swait.ge [sflag:s11], $0x7D  }
0x59: {  	[sflag:s11] =	ssyncset.done $0x0  }
0x5a: {  	[sflag:s11] =	ssyncadd.s32 $0xFFFFFF83  }
0x5b: {  	_ =	swait.ge [sflag:s11], $0x7D  }
0x5c: {  	[sflag:s11] =	ssyncset.done $0x0  }
0x5d: {  	[sflag:s11] =	ssyncadd.s32 $0xFFFFFF83  }
0x5e: {  	_ =	swait.ge [sflag:s11], $0x7D  }
0x5f: {  	[sflag:s11] =	ssyncset.done $0x0  }
0x60: {  	[sflag:s11] =	ssyncadd.s32 $0xFFFFFF83  }
0x61: {  	_ =	swait.ge [sflag:s11], $0x7D  }
0x62: {  	[sflag:s11] =	ssyncset.done $0x0  }
0x63: {  	[sflag:s11] =	ssyncadd.s32 $0xFFFFFF83  }
0x64: {  	_ =	swait.ge [sflag:s11], $0x7D  }
0x65: {  	[sflag:s11] =	ssyncset.done $0x0  }
0x66: {  	[sflag:s11] =	ssyncadd.s32 $0xFFFFFF83  }
0x67: {  	_ =	swait.ge [sflag:s11], $0x7D  }
0x68: {  	[sflag:s11] =	ssyncset.done $0x0  }
0x69: {  	[sflag:s11] =	ssyncadd.s32 $0xFFFFFF83  }
0x6a: {  	_ =	swait.ge [sflag:s11], $0x7D  }
0x6b: {  	[sflag:s11] =	ssyncset.done $0x0  }
0x6c: {  	[sflag:s11] =	ssyncadd.s32 $0xFFFFFF83  }
0x6d: {  	_ =	swait.ge [sflag:s11], $0x7D  }
0x6e: {  	[sflag:s11] =	ssyncset.done $0x0  }
0x6f: {  	[sflag:s11] =	ssyncadd.s32 $0xFFFFFF83  }
0x70: {  	_ =	swait.ge [sflag:s11], $0x7D  }
0x71: {  	[sflag:s11] =	ssyncset.done $0x0  }
0x72: {  	[sflag:s11] =	ssyncadd.s32 $0xFFFFFF83  }
0x73: {  	_ =	swait.ge [sflag:s11], $0x7D  }
0x74: {  	[sflag:s11] =	ssyncset.done $0x0  }
0x75: {  	[sflag:s11] =	ssyncadd.s32 $0xFFFFFF83  }
0x76: {  	_ =	swait.ge [sflag:s11], $0x7D  }
0x77: {  	[sflag:s11] =	ssyncset.done $0x0  }
0x78: {  	[sflag:s11] =	ssyncadd.s32 $0xFFFFFF83  }
0x79: {  	_ =	swait.ge [sflag:s11], $0x7D  }
0x7a: {  	[sflag:s11] =	ssyncset.done $0x0  }
0x7b: {  	[sflag:s11] =	ssyncadd.s32 $0xFFFFFF83  }
0x7c: {  	_ =	swait.ge [sflag:s11], $0x7D  }
0x7d: {  	[sflag:s11] =	ssyncset.done $0x0  }
0x7e: {  	[sflag:s11] =	ssyncadd.s32 $0xFFFFFF83  }
0x7f: {  	_ =	swait.ge [sflag:s11], $0x7D  }
0x80: {  	s13 =	simm.s32 $0x2800;
	s16 =	simm.s32 $0x5000;
	[sflag:s11] =	ssyncset.done $0x0  }
.LBB2_2:
0x81: {  	s15 =	sshra.s32 s13, $0x2  }
0x82: {  	[sflag:s11] =	ssyncadd.s32 $0xFFFFFF83;
	s13 =	smov.u32 s16;
	s14 =	sadd.s32 $0x2800, s16  }
0x83: {  	[spmem:s2] =	stream.indirect.scatter.add.f32 [tilespmem:s10], [sflag:$0x1], $0x1, s15, s9, $0xb8;
	[tilespmem:$0x2AF8] =	vst v63  }
0x84: {  	p1 =	sne.s32 s16, $0x7800;
	s16 =	sadd.s32 $0x80, s15  }
0x85: {  	[spmem:s2] =	stream.indirect.scatter.add.f32 [tilespmem:s10], [sflag:$0x1], $0x1, s16, s9, $0xb8;
	[tilespmem:$0x2AF8] =	vst v63  }
0x86: {  	s16 =	sadd.s32 $0x100, s15  }
0x87: {  	[spmem:s2] =	stream.indirect.scatter.add.f32 [tilespmem:s10], [sflag:$0x1], $0x1, s16, s9, $0xb8;
	[tilespmem:$0x2AF8] =	vst v63  }
0x88: {  	s16 =	sadd.s32 $0x180, s15  }
0x89: {  	[spmem:s2] =	stream.indirect.scatter.add.f32 [tilespmem:s10], [sflag:$0x1], $0x1, s16, s9, $0xb8;
	[tilespmem:$0x2AF8] =	vst v63  }
0x8a: {  	s16 =	sadd.s32 $0x200, s15  }
0x8b: {  	[spmem:s2] =	stream.indirect.scatter.add.f32 [tilespmem:s10], [sflag:$0x1], $0x1, s16, s9, $0xb8;
	[tilespmem:$0x2AF8] =	vst v63  }
0x8c: {  	s16 =	sadd.s32 $0x280, s15  }
0x8d: {  	[spmem:s2] =	stream.indirect.scatter.add.f32 [tilespmem:s10], [sflag:$0x1], $0x1, s16, s9, $0xb8;
	[tilespmem:$0x2AF8] =	vst v63  }
0x8e: {  	s16 =	sadd.s32 $0x300, s15  }
0x8f: {  	[spmem:s2] =	stream.indirect.scatter.add.f32 [tilespmem:s10], [sflag:$0x1], $0x1, s16, s9, $0xb8;
	[tilespmem:$0x2AF8] =	vst v63  }
0x90: {  	s16 =	sadd.s32 $0x380, s15  }
0x91: {  	[spmem:s2] =	stream.indirect.scatter.add.f32 [tilespmem:s10], [sflag:$0x1], $0x1, s16, s9, $0xb8;
	[tilespmem:$0x2AF8] =	vst v63  }
0x92: {  	s16 =	sadd.s32 $0x400, s15  }
0x93: {  	[spmem:s2] =	stream.indirect.scatter.add.f32 [tilespmem:s10], [sflag:$0x1], $0x1, s16, s9, $0xb8;
	[tilespmem:$0x2AF8] =	vst v63  }
0x94: {  	s16 =	sadd.s32 $0x480, s15  }
0x95: {  	[spmem:s2] =	stream.indirect.scatter.add.f32 [tilespmem:s10], [sflag:$0x1], $0x1, s16, s9, $0xb8;
	[tilespmem:$0x2AF8] =	vst v63  }
0x96: {  	s16 =	sadd.s32 $0x500, s15  }
0x97: {  	[spmem:s2] =	stream.indirect.scatter.add.f32 [tilespmem:s10], [sflag:$0x1], $0x1, s16, s9, $0xb8;
	[tilespmem:$0x2AF8] =	vst v63  }
0x98: {  	s16 =	sadd.s32 $0x580, s15  }
0x99: {  	[spmem:s2] =	stream.indirect.scatter.add.f32 [tilespmem:s10], [sflag:$0x1], $0x1, s16, s9, $0xb8;
	[tilespmem:$0x2AF8] =	vst v63  }
0x9a: {  	s16 =	sadd.s32 $0x600, s15  }
0x9b: {  	[spmem:s2] =	stream.indirect.scatter.add.f32 [tilespmem:s10], [sflag:$0x1], $0x1, s16, s9, $0xb8;
	[tilespmem:$0x2AF8] =	vst v63  }
0x9c: {  	s16 =	sadd.s32 $0x680, s15  }
0x9d: {  	[spmem:s2] =	stream.indirect.scatter.add.f32 [tilespmem:s10], [sflag:$0x1], $0x1, s16, s9, $0xb8;
	[tilespmem:$0x2AF8] =	vst v63  }
0x9e: {  	s16 =	sadd.s32 $0x700, s15  }
0x9f: {  	[spmem:s2] =	stream.indirect.scatter.add.f32 [tilespmem:s10], [sflag:$0x1], $0x1, s16, s9, $0xb8;
	[tilespmem:$0x2AF8] =	vst v63  }
0xa0: {  	s16 =	sadd.s32 $0x780, s15  }
0xa1: {  	[spmem:s2] =	stream.indirect.scatter.add.f32 [tilespmem:s10], [sflag:$0x1], $0x1, s16, s9, $0xb8;
	[tilespmem:$0x2AF8] =	vst v63  }
0xa2: {  	s16 =	sadd.s32 $0x800, s15  }
0xa3: {  	[spmem:s2] =	stream.indirect.scatter.add.f32 [tilespmem:s10], [sflag:$0x1], $0x1, s16, s9, $0xb8;
	[tilespmem:$0x2AF8] =	vst v63  }
0xa4: {  	s16 =	sadd.s32 $0x880, s15  }
0xa5: {  	[spmem:s2] =	stream.indirect.scatter.add.f32 [tilespmem:s10], [sflag:$0x1], $0x1, s16, s9, $0xb8;
	[tilespmem:$0x2AF8] =	vst v63  }
0xa6: {  	s16 =	sadd.s32 $0x900, s15  }
0xa7: {  	[spmem:s2] =	stream.indirect.scatter.add.f32 [tilespmem:s10], [sflag:$0x1], $0x1, s16, s9, $0xb8;
	[tilespmem:$0x2AF8] =	vst v63  }
0xa8: {  	s15 =	sadd.s32 $0x980, s15  }
0xa9: {  	[spmem:s2] =	stream.indirect.scatter.add.f32 [tilespmem:s10], [sflag:$0x1], $0x1, s15, s9, $0xb8;
	[tilespmem:$0x2AF8] =	vst v63  }
0xaa: {  	_ =	swait.ge [sflag:s11], $0x7D  }
0xab: {  	[sflag:s11] =	ssyncset.done $0x0  }
0xac: {  	[sflag:s11] =	ssyncadd.s32 $0xFFFFFF83  }
0xad: {  	_ =	swait.ge [sflag:s11], $0x7D  }
0xae: {  	[sflag:s11] =	ssyncset.done $0x0  }
0xaf: {  	[sflag:s11] =	ssyncadd.s32 $0xFFFFFF83  }
0xb0: {  	_ =	swait.ge [sflag:s11], $0x7D  }
0xb1: {  	[sflag:s11] =	ssyncset.done $0x0  }
0xb2: {  	[sflag:s11] =	ssyncadd.s32 $0xFFFFFF83  }
0xb3: {  	_ =	swait.ge [sflag:s11], $0x7D  }
0xb4: {  	[sflag:s11] =	ssyncset.done $0x0  }
0xb5: {  	[sflag:s11] =	ssyncadd.s32 $0xFFFFFF83  }
0xb6: {  	_ =	swait.ge [sflag:s11], $0x7D  }
0xb7: {  	[sflag:s11] =	ssyncset.done $0x0  }
0xb8: {  	[sflag:s11] =	ssyncadd.s32 $0xFFFFFF83  }
0xb9: {  	_ =	swait.ge [sflag:s11], $0x7D  }
0xba: {  	[sflag:s11] =	ssyncset.done $0x0  }
0xbb: {  	[sflag:s11] =	ssyncadd.s32 $0xFFFFFF83  }
0xbc: {  	_ =	swait.ge [sflag:s11], $0x7D  }
0xbd: {  	[sflag:s11] =	ssyncset.done $0x0  }
0xbe: {  	[sflag:s11] =	ssyncadd.s32 $0xFFFFFF83  }
0xbf: {  	_ =	swait.ge [sflag:s11], $0x7D  }
0xc0: {  	[sflag:s11] =	ssyncset.done $0x0  }
0xc1: {  	[sflag:s11] =	ssyncadd.s32 $0xFFFFFF83  }
0xc2: {  	_ =	swait.ge [sflag:s11], $0x7D  }
0xc3: {  	[sflag:s11] =	ssyncset.done $0x0  }
0xc4: {  	[sflag:s11] =	ssyncadd.s32 $0xFFFFFF83  }
0xc5: {  	_ =	swait.ge [sflag:s11], $0x7D  }
0xc6: {  	[sflag:s11] =	ssyncset.done $0x0  }
0xc7: {  	[sflag:s11] =	ssyncadd.s32 $0xFFFFFF83  }
0xc8: {  	_ =	swait.ge [sflag:s11], $0x7D  }
0xc9: {  	[sflag:s11] =	ssyncset.done $0x0  }
0xca: {  	[sflag:s11] =	ssyncadd.s32 $0xFFFFFF83  }
0xcb: {  	_ =	swait.ge [sflag:s11], $0x7D  }
0xcc: {  	[sflag:s11] =	ssyncset.done $0x0  }
0xcd: {  	[sflag:s11] =	ssyncadd.s32 $0xFFFFFF83  }
0xce: {  	_ =	swait.ge [sflag:s11], $0x7D  }
0xcf: {  	[sflag:s11] =	ssyncset.done $0x0  }
0xd0: {  	[sflag:s11] =	ssyncadd.s32 $0xFFFFFF83  }
0xd1: {  	_ =	swait.ge [sflag:s11], $0x7D  }
0xd2: {  	[sflag:s11] =	ssyncset.done $0x0  }
0xd3: {  	[sflag:s11] =	ssyncadd.s32 $0xFFFFFF83  }
0xd4: {  	_ =	swait.ge [sflag:s11], $0x7D  }
0xd5: {  	[sflag:s11] =	ssyncset.done $0x0  }
0xd6: {  	[sflag:s11] =	ssyncadd.s32 $0xFFFFFF83  }
0xd7: {  	_ =	swait.ge [sflag:s11], $0x7D  }
0xd8: {  	[sflag:s11] =	ssyncset.done $0x0  }
0xd9: {  	[sflag:s11] =	ssyncadd.s32 $0xFFFFFF83  }
0xda: {  	_ =	swait.ge [sflag:s11], $0x7D  }
0xdb: {  	[sflag:s11] =	ssyncset.done $0x0  }
0xdc: {  	[sflag:s11] =	ssyncadd.s32 $0xFFFFFF83  }
0xdd: {  	_ =	swait.ge [sflag:s11], $0x7D  }
0xde: {  	[sflag:s11] =	ssyncset.done $0x0  }
0xdf: {  	[sflag:s11] =	ssyncadd.s32 $0xFFFFFF83  }
.Ltmp0:
0xe0: {  	_ =	swait.ge [sflag:s11], $0x7D;
	(pc) =	sbr.rel @p1 .LBB2_2-.Ltmp0, $4  }
0xe1: {  	[sflag:s11] =	ssyncset.done $0x0  }
0xe2: {  	[sflag:s11] =	ssyncadd.s32 $0xFFFFFF83  }
0xe3: {  	_ =	swait.ge [sflag:s11], $0x7D  }
0xe4: {  	s16 =	smov.u32 s14;
	[sflag:s11] =	ssyncset.done $0x0  }
0xe5: {  	s13 =	sshra.s32 s13, $0x2;
	[sflag:s11] =	ssyncadd.s32 $0xFFFFFF83  }
0xe6: {  	[spmem:s2] =	stream.indirect.scatter.add.f32 [tilespmem:s10], [sflag:$0x1], $0x1, s13, s9, $0xb8;
	[tilespmem:$0x2AF8] =	vst v63  }
0xe7: {  	s14 =	sadd.s32 $0x80, s13  }
0xe8: {  	[spmem:s2] =	stream.indirect.scatter.add.f32 [tilespmem:s10], [sflag:$0x1], $0x1, s14, s9, $0xb8;
	[tilespmem:$0x2AF8] =	vst v63  }
0xe9: {  	s31 =	sadd.s32 $0x100, s13  }
0xea: {  	[spmem:s2] =	stream.indirect.scatter.add.f32 [tilespmem:s10], [sflag:$0x1], $0x1, s31, s9, $0xb8;
	[tilespmem:$0x2AF8] =	vst v63  }
0xeb: {  	s15 =	sadd.s32 $0x180, s13  }
0xec: {  	[spmem:s2] =	stream.indirect.scatter.add.f32 [tilespmem:s10], [sflag:$0x1], $0x1, s15, s9, $0xb8;
	[tilespmem:$0x2AF8] =	vst v63  }
0xed: {  	s16 =	sadd.s32 $0x200, s13  }
0xee: {  	[spmem:s2] =	stream.indirect.scatter.add.f32 [tilespmem:s10], [sflag:$0x1], $0x1, s16, s9, $0xb8;
	[tilespmem:$0x2AF8] =	vst v63  }
0xef: {  	s17 =	sadd.s32 $0x280, s13  }
0xf0: {  	[spmem:s2] =	stream.indirect.scatter.add.f32 [tilespmem:s10], [sflag:$0x1], $0x1, s17, s9, $0xb8;
	[tilespmem:$0x2AF8] =	vst v63  }
0xf1: {  	s18 =	sadd.s32 $0x300, s13  }
0xf2: {  	[spmem:s2] =	stream.indirect.scatter.add.f32 [tilespmem:s10], [sflag:$0x1], $0x1, s18, s9, $0xb8;
	[tilespmem:$0x2AF8] =	vst v63  }
0xf3: {  	s19 =	sadd.s32 $0x380, s13  }
0xf4: {  	[spmem:s2] =	stream.indirect.scatter.add.f32 [tilespmem:s10], [sflag:$0x1], $0x1, s19, s9, $0xb8;
	[tilespmem:$0x2AF8] =	vst v63  }
0xf5: {  	s20 =	sadd.s32 $0x400, s13  }
0xf6: {  	[spmem:s2] =	stream.indirect.scatter.add.f32 [tilespmem:s10], [sflag:$0x1], $0x1, s20, s9, $0xb8;
	[tilespmem:$0x2AF8] =	vst v63  }
0xf7: {  	s21 =	sadd.s32 $0x480, s13  }
0xf8: {  	[spmem:s2] =	stream.indirect.scatter.add.f32 [tilespmem:s10], [sflag:$0x1], $0x1, s21, s9, $0xb8;
	[tilespmem:$0x2AF8] =	vst v63  }
0xf9: {  	s22 =	sadd.s32 $0x500, s13  }
0xfa: {  	[spmem:s2] =	stream.indirect.scatter.add.f32 [tilespmem:s10], [sflag:$0x1], $0x1, s22, s9, $0xb8;
	[tilespmem:$0x2AF8] =	vst v63  }
0xfb: {  	s23 =	sadd.s32 $0x580, s13  }
0xfc: {  	[spmem:s2] =	stream.indirect.scatter.add.f32 [tilespmem:s10], [sflag:$0x1], $0x1, s23, s9, $0xb8;
	[tilespmem:$0x2AF8] =	vst v63  }
0xfd: {  	s24 =	sadd.s32 $0x600, s13  }
0xfe: {  	[spmem:s2] =	stream.indirect.scatter.add.f32 [tilespmem:s10], [sflag:$0x1], $0x1, s24, s9, $0xb8;
	[tilespmem:$0x2AF8] =	vst v63  }
0xff: {  	s25 =	sadd.s32 $0x680, s13  }
0x100: {  	[spmem:s2] =	stream.indirect.scatter.add.f32 [tilespmem:s10], [sflag:$0x1], $0x1, s25, s9, $0xb8;
	[tilespmem:$0x2AF8] =	vst v63  }
0x101: {  	s26 =	sadd.s32 $0x700, s13  }
0x102: {  	[spmem:s2] =	stream.indirect.scatter.add.f32 [tilespmem:s10], [sflag:$0x1], $0x1, s26, s9, $0xb8;
	[tilespmem:$0x2AF8] =	vst v63  }
0x103: {  	s28 =	sadd.s32 $0x780, s13  }
0x104: {  	[spmem:s2] =	stream.indirect.scatter.add.f32 [tilespmem:s10], [sflag:$0x1], $0x1, s28, s9, $0xb8;
	[tilespmem:$0x2AF8] =	vst v63  }
0x105: {  	s29 =	sadd.s32 $0x800, s13  }
0x106: {  	[spmem:s2] =	stream.indirect.scatter.add.f32 [tilespmem:s10], [sflag:$0x1], $0x1, s29, s9, $0xb8;
	[tilespmem:$0x2AF8] =	vst v63  }
0x107: {  	s30 =	sadd.s32 $0x880, s13  }
0x108: {  	[spmem:s2] =	stream.indirect.scatter.add.f32 [tilespmem:s10], [sflag:$0x1], $0x1, s30, s9, $0xb8;
	[tilespmem:$0x2AF8] =	vst v63  }
0x109: {  	s31 =	sadd.s32 $0x900, s13  }
0x10a: {  	[spmem:s2] =	stream.indirect.scatter.add.f32 [tilespmem:s10], [sflag:$0x1], $0x1, s31, s9, $0xb8;
	[tilespmem:$0x2AF8] =	vst v63  }
0x10b: {  	s13 =	sadd.s32 $0x980, s13  }
0x10c: {  	[spmem:s2] =	stream.indirect.scatter.add.f32 [tilespmem:s10], [sflag:$0x1], $0x1, s13, s9, $0xb8;
	[tilespmem:$0x2AF8] =	vst v63  }
0x10d: {  	_ =	swait.ge [sflag:s11], $0x7D  }
0x10e: {  	[sflag:s11] =	ssyncset.done $0x0  }
0x10f: {  	[sflag:s11] =	ssyncadd.s32 $0xFFFFFF83  }
0x110: {  	_ =	swait.ge [sflag:s11], $0x7D  }
0x111: {  	[sflag:s11] =	ssyncset.done $0x0  }
0x112: {  	[sflag:s11] =	ssyncadd.s32 $0xFFFFFF83  }
0x113: {  	_ =	swait.ge [sflag:s11], $0x7D  }
0x114: {  	[sflag:s11] =	ssyncset.done $0x0  }
0x115: {  	[sflag:s11] =	ssyncadd.s32 $0xFFFFFF83  }
0x116: {  	_ =	swait.ge [sflag:s11], $0x7D  }
0x117: {  	[sflag:s11] =	ssyncset.done $0x0  }
0x118: {  	[sflag:s11] =	ssyncadd.s32 $0xFFFFFF83  }
0x119: {  	_ =	swait.ge [sflag:s11], $0x7D  }
0x11a: {  	[sflag:s11] =	ssyncset.done $0x0  }
0x11b: {  	[sflag:s11] =	ssyncadd.s32 $0xFFFFFF83  }
0x11c: {  	_ =	swait.ge [sflag:s11], $0x7D  }
0x11d: {  	[sflag:s11] =	ssyncset.done $0x0  }
0x11e: {  	[sflag:s11] =	ssyncadd.s32 $0xFFFFFF83  }
0x11f: {  	_ =	swait.ge [sflag:s11], $0x7D  }
0x120: {  	[sflag:s11] =	ssyncset.done $0x0  }
0x121: {  	[sflag:s11] =	ssyncadd.s32 $0xFFFFFF83  }
0x122: {  	_ =	swait.ge [sflag:s11], $0x7D  }
0x123: {  	[sflag:s11] =	ssyncset.done $0x0  }
0x124: {  	[sflag:s11] =	ssyncadd.s32 $0xFFFFFF83  }
0x125: {  	_ =	swait.ge [sflag:s11], $0x7D  }
0x126: {  	[sflag:s11] =	ssyncset.done $0x0  }
0x127: {  	[sflag:s11] =	ssyncadd.s32 $0xFFFFFF83  }
0x128: {  	_ =	swait.ge [sflag:s11], $0x7D  }
0x129: {  	[sflag:s11] =	ssyncset.done $0x0  }
0x12a: {  	[sflag:s11] =	ssyncadd.s32 $0xFFFFFF83  }
0x12b: {  	_ =	swait.ge [sflag:s11], $0x7D  }
0x12c: {  	[sflag:s11] =	ssyncset.done $0x0  }
0x12d: {  	[sflag:s11] =	ssyncadd.s32 $0xFFFFFF83  }
0x12e: {  	_ =	swait.ge [sflag:s11], $0x7D  }
0x12f: {  	[sflag:s11] =	ssyncset.done $0x0  }
0x130: {  	[sflag:s11] =	ssyncadd.s32 $0xFFFFFF83  }
0x131: {  	_ =	swait.ge [sflag:s11], $0x7D  }
0x132: {  	[sflag:s11] =	ssyncset.done $0x0  }
0x133: {  	[sflag:s11] =	ssyncadd.s32 $0xFFFFFF83  }
0x134: {  	_ =	swait.ge [sflag:s11], $0x7D  }
0x135: {  	[sflag:s11] =	ssyncset.done $0x0  }
0x136: {  	[sflag:s11] =	ssyncadd.s32 $0xFFFFFF83  }
0x137: {  	_ =	swait.ge [sflag:s11], $0x7D  }
0x138: {  	[sflag:s11] =	ssyncset.done $0x0  }
0x139: {  	[sflag:s11] =	ssyncadd.s32 $0xFFFFFF83  }
0x13a: {  	_ =	swait.ge [sflag:s11], $0x7D  }
0x13b: {  	[sflag:s11] =	ssyncset.done $0x0  }
0x13c: {  	[sflag:s11] =	ssyncadd.s32 $0xFFFFFF83  }
0x13d: {  	_ =	swait.ge [sflag:s11], $0x7D  }
0x13e: {  	[sflag:s11] =	ssyncset.done $0x0  }
0x13f: {  	[sflag:s11] =	ssyncadd.s32 $0xFFFFFF83  }
0x140: {  	_ =	swait.ge [sflag:s11], $0x7D  }
0x141: {  	[sflag:s11] =	ssyncset.done $0x0  }
0x142: {  	[sflag:s11] =	ssyncadd.s32 $0xFFFFFF83  }
0x143: {  	_ =	swait.ge [sflag:s11], $0x7D  }
0x144: {  	[sflag:s11] =	ssyncset.done $0x0  }
0x145: {  	[sflag:s11] =	ssyncadd.s32 $0xFFFFFF83  }
0x146: {  	_ =	swait.ge [sflag:s11], $0x7D  }
0x147: {  	[sflag:s11] =	ssyncset.done $0x0  }
0x148: {  	s12 =	sadd.s32 $0x1, s12;
	[sflag:s11] =	ssyncadd.s32 $0xFFFFFF83  }
0x149: {  	p1 =	sne.s32 s12, s6;
	s13 =	simm.s32 @!p0 $0x1C02;
	[bflag:$0x0] =	sbarrier.arrive $0xFFFF  }
0x14a: {  	[hbm:s5], [sflag:s13] =	dma.local @!p0 [spmem:s7], $0x4E2  }
.Ltmp1:
0x14b: {  	_ = 	snop;
	(pc) =	sbr.rel @p1 .LBB2_1-.Ltmp1, $4  }
0x14c: {  	s13 =	simm.s32 @!p0 $0x2  }
0x14d: {  	_ =	swait.ge @!p0 [sflag:s13], $0x4E2  }
0x14e: {  	[sflag:s13] =	ssyncset.done @!p0 $0x0  }
0x14f: {  	[sflag:s13] =	ssyncadd.s32 @!p0 $0xFFFFFB1E  }
0x150: {  	_ =	sfence.sel $0x180000  }
0x151: {  	[bflag:$0x0] =	sbarrier.arrive $0xFFFF  }
0x152: {  	_ =	strace $0x90000047  }
0x153: {  	s0 =	sadd.s32 @!p0 $0x100000, s0;
	[bflag:$0x2] =	sbarrier.arrive $0xFFFF  }
0x154: {  	[sflag:s0] =	ssyncadd.tile.s32 @!p0 $0x1;
	_ =	shalt  }
.Lfunc_end2:
_tile_overlayer_lowered:
.L_overlay_start_2:
0x155: {  	(tag) =	ssettag $0x2  }
0x156: {  	s0 =	rddreg [dreg:$0x0];
	s2 =	stileid.u32  }
0x157: {  	s1 =	rddreg [dreg:$0x1];
	p0 =	sne.s32 s2, $0x0  }
0x158: {  	s3 =	rddreg [dreg:$0x2];
	[bflag:$0x3] =	sbarrier.arrive $0xFFFF;
	s2 =	simm.s32 @!p0 $0x1C02  }
0x159: {  	[timem:s3], [sflag:s2] =	dma.local @!p0 [hbm:s0], s1  }
0x15a: {  	s0 =	simm.s32 @!p0 $0x2  }
0x15b: {  	_ =	swait.ge @!p0 [sflag:s0], s1  }
0x15c: {  	s1 =	ssub.s32 @!p0 $0x0, s1;
	[sflag:s0] =	ssyncset.done @!p0 $0x0  }
0x15d: {  	[sflag:s0] =	ssyncadd.s32 @!p0 s1  }
0x15e: {  	[bflag:$0x3] =	sbarrier.arrive $0xFFFF  }
0x15f: {  	_ =	shalt  }

</sc_bundles>
